<compile_context>
chip_gen: v7x
topology: tpu7x:2x2x1
jax: 0.10.2.dev20260603
libtpu: 0.0.44.dev20260713+nightly
codegen_flags: <defaults>
</compile_context>

<pallas_src>
import functools

import jax
import jax.numpy as jnp
from jax import lax
from jax.experimental import pallas as pl
from jax.experimental.pallas import tpu as pltpu
from jax.experimental.pallas import tpu_sc as plsc

N = 10000
E_RAW = 320000
E = E_RAW + N
NP = 10240
K = 688
C = 30
EW = K * C
EP = 16 * EW
ZR = NP // 16

BM = 1024


def _mesh():
  return plsc.VectorSubcoreMesh(
      core_axis_name="c", subcore_axis_name="s", num_cores=2, num_subcores=16)


def _tc1_body(x_ref, w_ref, as_w_ref, ad_w_ref, h_ref, as_ref, ad_ref):
  h = jnp.dot(x_ref[...], w_ref[...], preferred_element_type=jnp.float32)
  h_ref[0, :, :] = h[:, :64]
  h_ref[1, :, :] = h[:, 64:]
  col = lax.broadcasted_iota(jnp.int32, (BM, 16), 1)
  scv = jnp.where(col < 8, 1.0, 0.2).astype(jnp.float32)
  a_s = jnp.dot(h, as_w_ref[...], preferred_element_type=jnp.float32)
  a_d = jnp.dot(h, ad_w_ref[...], preferred_element_type=jnp.float32)
  as_ref[...] = jnp.exp(a_s * scv)
  ad_ref[...] = jnp.exp(a_d * scv)


def _tc1(x_pad, W1, As, Ad):
  n_blk = NP // BM
  return pl.pallas_call(
      _tc1_body,
      grid=(n_blk,),
      in_specs=[
          pl.BlockSpec((BM, 128), lambda i: (i, 0)),
          pl.BlockSpec((128, 128), lambda i: (0, 0)),
          pl.BlockSpec((128, 16), lambda i: (0, 0)),
          pl.BlockSpec((128, 16), lambda i: (0, 0)),
      ],
      out_specs=[
          pl.BlockSpec((2, BM, 64), lambda i: (0, i, 0)),
          pl.BlockSpec((BM, 16), lambda i: (i, 0)),
          pl.BlockSpec((BM, 16), lambda i: (i, 0)),
      ],
      out_shape=[
          jax.ShapeDtypeStruct((2, NP, 64), jnp.float32),
          jax.ShapeDtypeStruct((NP, 16), jnp.float32),
          jax.ShapeDtypeStruct((NP, 16), jnp.float32),
      ],
  )(x_pad, W1, As, Ad)


def _sc1_body(src_hbm, dst_hbm, as_hbm, ad_hbm, h_hbm,
              dp, prlo, prhi,
              idx_s, idx_d, gs, gd, exb, hr, dacc, macc,
              sem0, sem1, sem2):
  cid = lax.axis_index("c")
  sid = lax.axis_index("s")

  zv = jnp.zeros((16,), jnp.float32)

  def zb(k, _):
    for q in range(4):
      hr[k, pl.ds(q * 16, 16)] = zv
    return 0
  lax.fori_loop(0, ZR, zb, 0, unroll=2)

  def zb2(i, _):
    exb[i, :] = zv
    return 0
  lax.fori_loop(0, K, zb2, 0, unroll=4)
  pltpu.sync_copy(hr.at[pl.ds(0, ZR)], macc.at[pl.ds(sid * ZR, ZR)])
  pltpu.sync_copy(exb.at[pl.ds(0, ZR)], dacc.at[pl.ds(sid * ZR, ZR)])
  plsc.subcore_barrier()

  io = lax.iota(jnp.int32, 16)
  rot = jnp.where(io < 8, io + 8, io - 8)

  def chunk(c, _):
    base = sid * EW + c * K
    pltpu.sync_copy(src_hbm.at[pl.ds(base, K)], idx_s)
    pltpu.sync_copy(dst_hbm.at[pl.ds(base, K)], idx_d)
    cph = pltpu.async_copy(h_hbm.at[cid].at[idx_s], hr, sem2)
    cps = pltpu.async_copy(as_hbm.at[idx_s], gs, sem0)
    cpd = pltpu.async_copy(ad_hbm.at[idx_d], gd, sem1)
    cps.wait()
    cpd.wait()

    def vb(i, _):
      v = gs[i, :] * gd[i, :]
      r = lax.gather(v, rot[:, None],
                     dimension_numbers=lax.GatherDimensionNumbers(
                         offset_dims=(), collapsed_slice_dims=(0,),
                         start_index_map=(0,)),
                     slice_sizes=(1,),
                     mode=lax.GatherScatterMode.PROMISE_IN_BOUNDS)
      exb[i, :] = jnp.maximum(v, r)
      return 0
    lax.fori_loop(0, K, vb, 0, unroll=4)

    @pl.when(cid == 0)
    def _():
      pltpu.sync_copy(exb, dacc.at[idx_d], add=True)
    cph.wait()

    @pl.when(cid == 0)
    def _():
      def mul0(k, _):
        ve = exb[k, :]
        for q in range(4):
          sl = pl.ds(q * 16, 16)
          hr[k, sl] = hr[k, sl] * ve[q]
        return 0
      lax.fori_loop(0, K, mul0, 0, unroll=2)

    @pl.when(cid == 1)
    def _():
      def mul1(k, _):
        ve = exb[k, :]
        for q in range(4):
          sl = pl.ds(q * 16, 16)
          hr[k, sl] = hr[k, sl] * ve[4 + q]
        return 0
      lax.fori_loop(0, K, mul1, 0, unroll=2)

    pltpu.sync_copy(hr, macc.at[idx_d], add=True)
    return 0

  lax.fori_loop(0, C, chunk, 0)
  plsc.subcore_barrier()

  row0 = sid * ZR

  @pl.when(cid == 0)
  def _():
    pltpu.sync_copy(dacc.at[pl.ds(row0, ZR)], dp.at[pl.ds(row0, ZR)])
    pltpu.sync_copy(macc.at[pl.ds(row0, ZR)], prlo.at[pl.ds(row0, ZR)])

  @pl.when(cid == 1)
  def _():
    pltpu.sync_copy(macc.at[pl.ds(row0, ZR)], prhi.at[pl.ds(row0, ZR)])


def _sc1(srcp, dstp, as1, ad1, h1):
  f32 = jnp.float32
  kern = pl.kernel(
      _sc1_body,
      out_type=[
          jax.ShapeDtypeStruct((NP, 16), f32),
          jax.ShapeDtypeStruct((NP, 64), f32),
          jax.ShapeDtypeStruct((NP, 64), f32),
      ],
      mesh=_mesh(),
      compiler_params=pltpu.CompilerParams(use_tc_tiling_on_sc=False,
                                           needs_layout_passes=False),
      scratch_types=[
          pltpu.VMEM((K,), jnp.int32),
          pltpu.VMEM((K,), jnp.int32),
          pltpu.VMEM((K, 16), f32),
          pltpu.VMEM((K, 16), f32),
          pltpu.VMEM((K, 16), f32),
          pltpu.VMEM((K, 64), f32),
          pltpu.VMEM_SHARED((NP, 16), f32),
          pltpu.VMEM_SHARED((NP, 64), f32),
          pltpu.SemaphoreType.DMA,
          pltpu.SemaphoreType.DMA,
          pltpu.SemaphoreType.DMA,
      ],
  )
  return kern(srcp, dstp, as1, ad1, h1)


def _tc2_body(pr0_ref, pr1_ref, dp_ref, rep_ref, b1_ref, w2_ref,
              as_w_ref, ad_w_ref, h2_ref, as_ref, ad_ref):
  den = dp_ref[...][:, :8]
  d128 = jnp.dot(den, rep_ref[...], preferred_element_type=jnp.float32)
  raw = jnp.concatenate([pr0_ref[...], pr1_ref[...]], axis=1)
  o = raw / (d128 + 1e-16) + b1_ref[...]
  a = jnp.where(o > 0.0, o, jnp.exp(o) - 1.0)
  h2 = jnp.dot(a, w2_ref[...], preferred_element_type=jnp.float32)
  h2_ref[0, :, :] = h2[:, :32]
  h2_ref[1, :, :] = h2[:, 32:]
  as_ref[...] = jnp.dot(h2, as_w_ref[...], preferred_element_type=jnp.float32)
  ad_ref[...] = jnp.dot(h2, ad_w_ref[...], preferred_element_type=jnp.float32)


def _tc2(pr0, pr1, dp, rep, b1, W2, As2, Ad2):
  n_blk = NP // BM
  return pl.pallas_call(
      _tc2_body,
      grid=(n_blk,),
      in_specs=[
          pl.BlockSpec((BM, 64), lambda i: (i, 0)),
          pl.BlockSpec((BM, 64), lambda i: (i, 0)),
          pl.BlockSpec((BM, 16), lambda i: (i, 0)),
          pl.BlockSpec((8, 128), lambda i: (0, 0)),
          pl.BlockSpec((1, 128), lambda i: (0, 0)),
          pl.BlockSpec((128, 64), lambda i: (0, 0)),
          pl.BlockSpec((64, 8), lambda i: (0, 0)),
          pl.BlockSpec((64, 8), lambda i: (0, 0)),
      ],
      out_specs=[
          pl.BlockSpec((2, BM, 32), lambda i: (0, i, 0)),
          pl.BlockSpec((BM, 8), lambda i: (i, 0)),
          pl.BlockSpec((BM, 8), lambda i: (i, 0)),
      ],
      out_shape=[
          jax.ShapeDtypeStruct((2, NP, 32), jnp.float32),
          jax.ShapeDtypeStruct((NP, 8), jnp.float32),
          jax.ShapeDtypeStruct((NP, 8), jnp.float32),
      ],
  )(pr0, pr1, dp, rep, b1, W2, As2, Ad2)


def _sc2_body(src_hbm, dst_hbm, as_hbm, ad_hbm, h_hbm,
              dq, qrlo, qrhi,
              idx_s, idx_d, ta, tb, exb, hr, dacc, macc,
              sem2):
  cid = lax.axis_index("c")
  sid = lax.axis_index("s")

  zv = jnp.zeros((16,), jnp.float32)

  def zb(k, _):
    hr[k, pl.ds(0, 16)] = zv
    hr[k, pl.ds(16, 16)] = zv
    return 0
  lax.fori_loop(0, ZR, zb, 0, unroll=2)

  def zb2(i, _):
    exb[pl.ds(i * 16, 16)] = zv
    return 0
  lax.fori_loop(0, K // 16, zb2, 0, unroll=4)
  pltpu.sync_copy(hr.at[pl.ds(0, ZR)], macc.at[pl.ds(sid * ZR, ZR)])
  pltpu.sync_copy(exb.at[pl.ds(0, ZR)], dacc.at[pl.ds(sid * ZR, ZR)])

  pltpu.sync_copy(as_hbm, ta)
  pltpu.sync_copy(ad_hbm, tb)
  plsc.subcore_barrier()

  def chunk(c, _):
    base = sid * EW + c * K
    pltpu.sync_copy(src_hbm.at[pl.ds(base, K)], idx_s)
    pltpu.sync_copy(dst_hbm.at[pl.ds(base, K)], idx_d)
    cph = pltpu.async_copy(h_hbm.at[cid].at[idx_s], hr, sem2)

    def vb(i, _):
      sl = pl.ds(i * 16, 16)
      a = plsc.load_gather(ta, [idx_s[sl]])
      b = plsc.load_gather(tb, [idx_d[sl]])
      v = a + b
      v = jnp.where(v >= 0.0, v, 0.2 * v)
      exb[sl] = jnp.exp(v)
      return 0
    lax.fori_loop(0, K // 16, vb, 0, unroll=4)

    @pl.when(cid == 0)
    def _():
      pltpu.sync_copy(exb, dacc.at[idx_d], add=True)
    cph.wait()

    def mul(g, _):
      ve = exb[pl.ds(g * 16, 16)]
      for j in range(16):
        s = ve[j]
        k = g * 16 + j
        hr[k, pl.ds(0, 16)] = hr[k, pl.ds(0, 16)] * s
        hr[k, pl.ds(16, 16)] = hr[k, pl.ds(16, 16)] * s
      return 0
    lax.fori_loop(0, K // 16, mul, 0)

    pltpu.sync_copy(hr, macc.at[idx_d], add=True)
    return 0

  lax.fori_loop(0, C, chunk, 0)
  plsc.subcore_barrier()

  row0 = sid * ZR

  @pl.when(cid == 0)
  def _():
    pltpu.sync_copy(dacc.at[pl.ds(row0, ZR)], dq.at[pl.ds(row0, ZR)])
    pltpu.sync_copy(macc.at[pl.ds(row0, ZR)], qrlo.at[pl.ds(row0, ZR)])

  @pl.when(cid == 1)
  def _():
    pltpu.sync_copy(macc.at[pl.ds(row0, ZR)], qrhi.at[pl.ds(row0, ZR)])


def _sc2(srcp, dstp, as2, ad2, h2):
  f32 = jnp.float32
  kern = pl.kernel(
      _sc2_body,
      out_type=[
          jax.ShapeDtypeStruct((NP,), f32),
          jax.ShapeDtypeStruct((NP, 32), f32),
          jax.ShapeDtypeStruct((NP, 32), f32),
      ],
      mesh=_mesh(),
      compiler_params=pltpu.CompilerParams(use_tc_tiling_on_sc=False,
                                           needs_layout_passes=False),
      scratch_types=[
          pltpu.VMEM((K,), jnp.int32),
          pltpu.VMEM((K,), jnp.int32),
          pltpu.VMEM((NP,), f32),
          pltpu.VMEM((NP,), f32),
          pltpu.VMEM((K,), f32),
          pltpu.VMEM((K, 32), f32),
          pltpu.VMEM_SHARED((NP,), f32),
          pltpu.VMEM_SHARED((NP, 32), f32),
          pltpu.SemaphoreType.DMA,
      ],
  )
  return kern(srcp, dstp, as2, ad2, h2)


def _tc3_body(qr0_ref, qr1_ref, dq_ref, b2_ref, fin_ref, lsm_ref):
  den = dq_ref[...] + 1e-16
  raw = jnp.concatenate([qr0_ref[...], qr1_ref[...]], axis=1)
  o = raw / den + b2_ref[...]
  fin_ref[...] = o
  m = jnp.max(o, axis=1, keepdims=True)
  s = jnp.log(jnp.sum(jnp.exp(o - m), axis=1, keepdims=True))
  lsm_ref[...] = o - m - s


def _tc3(qr0, qr1, dq, b2):
  n_blk = NP // BM
  return pl.pallas_call(
      _tc3_body,
      grid=(n_blk,),
      in_specs=[
          pl.BlockSpec((BM, 32), lambda i: (i, 0)),
          pl.BlockSpec((BM, 32), lambda i: (i, 0)),
          pl.BlockSpec((BM, 1), lambda i: (i, 0)),
          pl.BlockSpec((1, 64), lambda i: (0, 0)),
      ],
      out_specs=[
          pl.BlockSpec((BM, 64), lambda i: (i, 0)),
          pl.BlockSpec((BM, 64), lambda i: (i, 0)),
      ],
      out_shape=[
          jax.ShapeDtypeStruct((NP, 64), jnp.float32),
          jax.ShapeDtypeStruct((NP, 64), jnp.float32),
      ],
  )(qr0, qr1, dq, b2)


def kernel(x, edge_index, edge_attr, W1, att_src1, att_dst1, b1,
           W2, att_src2, att_dst2, b2):
  del edge_attr
  f32 = jnp.float32
  i32 = jnp.int32

  loops = jnp.arange(N, dtype=i32)
  pad = jnp.full((EP - E,), N, dtype=i32)
  srcp = jnp.concatenate([edge_index[0], loops, pad])
  dstp = jnp.concatenate([edge_index[1], loops, pad])

  x_pad = jnp.pad(x, ((0, NP - N), (0, 0)))

  eye8 = jnp.eye(8, dtype=f32)
  As1_8 = (att_src1[:, :, None] * eye8[:, None, :]).reshape(128, 8)
  Ad1_8 = (att_dst1[:, :, None] * eye8[:, None, :]).reshape(128, 8)
  As1 = jnp.concatenate([As1_8, As1_8], axis=1)
  Ad1 = jnp.concatenate([Ad1_8, Ad1_8], axis=1)
  rep = jnp.kron(eye8, jnp.ones((1, 16), f32))
  As2 = att_src2.reshape(64, 1)
  Ad2 = att_dst2.reshape(64, 1)
  As2p = jnp.pad(As2, ((0, 0), (0, 7)))
  Ad2p = jnp.pad(Ad2, ((0, 0), (0, 7)))

  h1, as1, ad1 = _tc1(x_pad, W1, As1, Ad1)
  dp, prlo, prhi = _sc1(srcp, dstp, as1, ad1, h1)
  h2, as2m, ad2m = _tc2(prlo, prhi, dp, rep, b1.reshape(1, 128),
                        W2, As2p, Ad2p)
  as2 = as2m[:, 0]
  ad2 = ad2m[:, 0]
  dq, qrlo, qrhi = _sc2(srcp, dstp, as2, ad2, h2)
  fin, lsm = _tc3(qrlo, qrhi, dq.reshape(NP, 1), b2.reshape(1, 64))
  return (fin[:N], lsm[:N])

# --- scband reference (transcript-rebuilt; emitter-appended) ---
"""Pipeline reference for scband-gat-75273596830284 (READ-ONLY COPY).

The authoritative reference and input builder live on the scoring server;
editing this copy changes nothing except your own understanding.
"""

import jax, jax.numpy as jnp
import numpy as np

N_NODES = 10000
N_EDGES = 320000


def gat_conv(x, src, dst, W, att_s, att_d, bias, heads, out_ch, concat, n):
    # linear transform
    h = (x @ W).reshape(n, heads, out_ch)
    # per-node attention logits
    a_s = (h * att_s[None, :, :]).sum(-1)  # [N, H]
    a_d = (h * att_d[None, :, :]).sum(-1)  # [N, H]
    alpha = a_s[src] + a_d[dst]            # [E, H]
    alpha = jax.nn.leaky_relu(alpha, negative_slope=0.2)
    # segment softmax over incoming edges of each dst node
    amax = jax.ops.segment_max(alpha, dst, num_segments=n)
    amax = jnp.where(jnp.isfinite(amax), amax, 0.0)
    ex = jnp.exp(alpha - amax[dst])
    denom = jax.ops.segment_sum(ex, dst, num_segments=n)
    coef = ex / (denom[dst] + 1e-16)
    msg = h[src] * coef[:, :, None]        # [E, H, C]
    out = jax.ops.segment_sum(msg, dst, num_segments=n)
    if concat:
        out = out.reshape(n, heads * out_ch)
    else:
        out = out.mean(axis=1)
    return out + bias


def setup_inputs(seed: int = 0) -> dict:
    key = jax.random.key(seed)
    ks = jax.random.split(key, 12)
    x = jax.random.normal(ks[0], (N_NODES, 128), dtype=jnp.float32)
    edge_index = jax.random.randint(ks[1], (2, N_EDGES), 0, N_NODES, dtype=jnp.int32)
    edge_attr = jax.random.normal(ks[2], (N_EDGES, 4), dtype=jnp.float32)
    s = 0.1
    W1 = jax.random.normal(ks[3], (128, 16 * 8), dtype=jnp.float32) * s
    att_src1 = jax.random.normal(ks[4], (8, 16), dtype=jnp.float32) * s
    att_dst1 = jax.random.normal(ks[5], (8, 16), dtype=jnp.float32) * s
    b1 = jnp.zeros((16 * 8,), dtype=jnp.float32)
    W2 = jax.random.normal(ks[6], (16 * 8, 64), dtype=jnp.float32) * s
    att_src2 = jax.random.normal(ks[7], (1, 64), dtype=jnp.float32) * s
    att_dst2 = jax.random.normal(ks[8], (1, 64), dtype=jnp.float32) * s
    b2 = jnp.zeros((64,), dtype=jnp.float32)
    return {"x": x, "edge_index": edge_index, "edge_attr": edge_attr,
            "W1": W1, "att_src1": att_src1, "att_dst1": att_dst1, "b1": b1,
            "W2": W2, "att_src2": att_src2, "att_dst2": att_dst2, "b2": b2}


def reference(x, edge_index, edge_attr, W1, att_src1, att_dst1, b1, W2, att_src2, att_dst2, b2):
    n = x.shape[0]
    # PyG GATConv default add_self_loops=True
    loops = jnp.arange(n, dtype=edge_index.dtype)
    src = jnp.concatenate([edge_index[0], loops])
    dst = jnp.concatenate([edge_index[1], loops])
    # dropout is identity in eval mode
    h = gat_conv(x, src, dst, W1, att_src1, att_dst1, b1, 8, 16, True, n)
    h = jax.nn.elu(h)
    final = gat_conv(h, src, dst, W2, att_src2, att_dst2, b2, 1, 64, False, n)
    return (final, jax.nn.log_softmax(final, axis=1))

if __name__ == "__main__":
    import jax
    _d = setup_inputs()
    print(jax.jit(kernel)(*tuple(_d.values())))

</pallas_src>

<mosaic_0001>
#map = affine_map<(d0, d1) -> (0)>
#map1 = affine_map<(d0, d1) -> (0, 0, 0)>
#map2 = affine_map<(d0, d1) -> (0, 0)>
module attributes {stable_mosaic.version = 14 : i64} {
  func.func @_sc2_body(%arg0: i32, %arg1: i32, %arg2: memref<330240xi32, #tpu.memory_space<hbm>>, %arg3: memref<330240xi32, #tpu.memory_space<hbm>>, %arg4: memref<10240xf32, #tpu.memory_space<hbm>>, %arg5: memref<10240xf32, #tpu.memory_space<hbm>>, %arg6: memref<2x10240x32xf32, #tpu.memory_space<hbm>>, %arg7: memref<10240xf32, #tpu.memory_space<hbm>>, %arg8: memref<10240x32xf32, #tpu.memory_space<hbm>>, %arg9: memref<10240x32xf32, #tpu.memory_space<hbm>>, %arg10: memref<688xi32, #tpu.memory_space<vmem>>, %arg11: memref<688xi32, #tpu.memory_space<vmem>>, %arg12: memref<10240xf32, #tpu.memory_space<vmem>>, %arg13: memref<10240xf32, #tpu.memory_space<vmem>>, %arg14: memref<688xf32, #tpu.memory_space<vmem>>, %arg15: memref<688x32xf32, #tpu.memory_space<vmem>>, %arg16: memref<10240xf32, #tpu.memory_space<vmem_shared>>, %arg17: memref<10240x32xf32, #tpu.memory_space<vmem_shared>>, %arg18: memref<!tpu.dma_semaphore, #tpu.memory_space<semaphore_mem>>) attributes {dimension_semantics = [#tpu.dimension_semantics<core_parallel>, #tpu.dimension_semantics<subcore_parallel>], iteration_bounds = array<i64: 2, 16>, scalar_prefetch = 0 : i64, scratch_operands = 9 : i64, tpu.core_type = #tpu.core_type<sc_vector_subcore>, window_params = [{transform_indices = #map}, {transform_indices = #map}, {transform_indices = #map}, {transform_indices = #map}, {transform_indices = #map1}, {transform_indices = #map}, {transform_indices = #map2}, {transform_indices = #map2}]} {
    %broadcast_in_dim3A = arith.constant 0.000000e+00 : f32
    %broadcast_in_dim3A_0 = vector.broadcast %broadcast_in_dim3A : f32 to vector<16xf32>
    %scan3A = arith.constant 0 : i32
    %scan3A_1 = arith.constant 0 : i32
    %scan3A_2 = arith.constant 640 : i32
    %scan3A_3 = arith.addi %scan3A_1, %scan3A_2 : i32
    %scan3A_4 = arith.constant 2 : i32
    %scan3A_5 = scf.for %scan3A_54 = %scan3A_1 to %scan3A_3 step %scan3A_4 iter_args(%scan3A_55 = %scan3A) -> (i32)  : i32 {
      %swap3A_56 = arith.index_cast %scan3A_54 : i32 to index
      %swap3A_57 = arith.constant 0 : index
      %swap3A_58 = tpu.vector_load %arg15[%swap3A_56, %swap3A_57] {strides = array<i32>} : memref<688x32xf32, #tpu.memory_space<vmem>>, vector<16xf32>,
      tpu.vector_store %arg15[%swap3A_56, %swap3A_57], %broadcast_in_dim3A_0 {strides = array<i32>} : memref<688x32xf32, #tpu.memory_space<vmem>>, vector<16xf32>,
      %swap3A_59 = arith.index_cast %scan3A_54 : i32 to index
      %swap3A_60 = arith.constant 16 : index
      %swap3A_61 = tpu.vector_load %arg15[%swap3A_59, %swap3A_60] {strides = array<i32>} : memref<688x32xf32, #tpu.memory_space<vmem>>, vector<16xf32>,
      tpu.vector_store %arg15[%swap3A_59, %swap3A_60], %broadcast_in_dim3A_0 {strides = array<i32>} : memref<688x32xf32, #tpu.memory_space<vmem>>, vector<16xf32>,
      %scan3A_62 = arith.constant 0 : i32
      %scan3A_63 = arith.constant 1 : i32
      %scan3A_64 = arith.addi %scan3A_54, %scan3A_63 : i32
      %swap3A_65 = arith.index_cast %scan3A_64 : i32 to index
      %swap3A_66 = arith.constant 0 : index
      %swap3A_67 = tpu.vector_load %arg15[%swap3A_65, %swap3A_66] {strides = array<i32>} : memref<688x32xf32, #tpu.memory_space<vmem>>, vector<16xf32>,
      tpu.vector_store %arg15[%swap3A_65, %swap3A_66], %broadcast_in_dim3A_0 {strides = array<i32>} : memref<688x32xf32, #tpu.memory_space<vmem>>, vector<16xf32>,
      %swap3A_68 = arith.index_cast %scan3A_64 : i32 to index
      %swap3A_69 = arith.constant 16 : index
      %swap3A_70 = tpu.vector_load %arg15[%swap3A_68, %swap3A_69] {strides = array<i32>} : memref<688x32xf32, #tpu.memory_space<vmem>>, vector<16xf32>,
      tpu.vector_store %arg15[%swap3A_68, %swap3A_69], %broadcast_in_dim3A_0 {strides = array<i32>} : memref<688x32xf32, #tpu.memory_space<vmem>>, vector<16xf32>,
      %scan3A_71 = arith.constant 0 : i32
      scf.yield %scan3A_71 : i32
    }
    %scan3A_6 = arith.constant 640 : i32
    %scan3A_7 = arith.constant 0 : i32
    %scan3A_8 = arith.constant 0 : i32
    %scan3A_9 = arith.constant 40 : i32
    %scan3A_10 = arith.addi %scan3A_8, %scan3A_9 : i32
    %scan3A_11 = arith.constant 4 : i32
    %scan3A_12 = scf.for %scan3A_54 = %scan3A_8 to %scan3A_10 step %scan3A_11 iter_args(%scan3A_55 = %scan3A_7) -> (i32)  : i32 {
      %mul3A_56 = arith.constant 16 : i32
      %mul3A_57 = arith.muli %scan3A_54, %mul3A_56 : i32
      %swap3A_58 = arith.index_cast %mul3A_57 : i32 to index
      %swap3A_59 = tpu.vector_load %arg14[%swap3A_58] {strides = array<i32>} : memref<688xf32, #tpu.memory_space<vmem>>, vector<16xf32>,
      tpu.vector_store %arg14[%swap3A_58], %broadcast_in_dim3A_0 {strides = array<i32>} : memref<688xf32, #tpu.memory_space<vmem>>, vector<16xf32>,
      %scan3A_60 = arith.constant 0 : i32
      %scan3A_61 = arith.constant 1 : i32
      %scan3A_62 = arith.addi %scan3A_54, %scan3A_61 : i32
      %mul3A_63 = arith.constant 16 : i32
      %mul3A_64 = arith.muli %scan3A_62, %mul3A_63 : i32
      %swap3A_65 = arith.index_cast %mul3A_64 : i32 to index
      %swap3A_66 = tpu.vector_load %arg14[%swap3A_65] {strides = array<i32>} : memref<688xf32, #tpu.memory_space<vmem>>, vector<16xf32>,
      tpu.vector_store %arg14[%swap3A_65], %broadcast_in_dim3A_0 {strides = array<i32>} : memref<688xf32, #tpu.memory_space<vmem>>, vector<16xf32>,
      %scan3A_67 = arith.constant 0 : i32
      %scan3A_68 = arith.constant 2 : i32
      %scan3A_69 = arith.addi %scan3A_54, %scan3A_68 : i32
      %mul3A_70 = arith.constant 16 : i32
      %mul3A_71 = arith.muli %scan3A_69, %mul3A_70 : i32
      %swap3A_72 = arith.index_cast %mul3A_71 : i32 to index
      %swap3A_73 = tpu.vector_load %arg14[%swap3A_72] {strides = array<i32>} : memref<688xf32, #tpu.memory_space<vmem>>, vector<16xf32>,
      tpu.vector_store %arg14[%swap3A_72], %broadcast_in_dim3A_0 {strides = array<i32>} : memref<688xf32, #tpu.memory_space<vmem>>, vector<16xf32>,
      %scan3A_74 = arith.constant 0 : i32
      %scan3A_75 = arith.constant 3 : i32
      %scan3A_76 = arith.addi %scan3A_54, %scan3A_75 : i32
      %mul3A_77 = arith.constant 16 : i32
      %mul3A_78 = arith.muli %scan3A_76, %mul3A_77 : i32
      %swap3A_79 = arith.index_cast %mul3A_78 : i32 to index
      %swap3A_80 = tpu.vector_load %arg14[%swap3A_79] {strides = array<i32>} : memref<688xf32, #tpu.memory_space<vmem>>, vector<16xf32>,
      tpu.vector_store %arg14[%swap3A_79], %broadcast_in_dim3A_0 {strides = array<i32>} : memref<688xf32, #tpu.memory_space<vmem>>, vector<16xf32>,
      %scan3A_81 = arith.constant 0 : i32
      scf.yield %scan3A_81 : i32
    }
    %scan3A_13 = arith.constant 40 : i32
    %scan3A_14 = arith.addi %scan3A_8, %scan3A_13 : i32
    %mul3A = arith.constant 16 : i32
    %mul3A_15 = arith.muli %scan3A_14, %mul3A : i32
    %swap3A = arith.index_cast %mul3A_15 : i32 to index
    %swap3A_16 = tpu.vector_load %arg14[%swap3A] {strides = array<i32>} : memref<688xf32, #tpu.memory_space<vmem>>, vector<16xf32>,
    tpu.vector_store %arg14[%swap3A], %broadcast_in_dim3A_0 {strides = array<i32>} : memref<688xf32, #tpu.memory_space<vmem>>, vector<16xf32>,
    %scan3A_17 = arith.constant 0 : i32
    %scan3A_18 = arith.constant 41 : i32
    %scan3A_19 = arith.addi %scan3A_8, %scan3A_18 : i32
    %mul3A_20 = arith.constant 16 : i32
    %mul3A_21 = arith.muli %scan3A_19, %mul3A_20 : i32
    %swap3A_22 = arith.index_cast %mul3A_21 : i32 to index
    %swap3A_23 = tpu.vector_load %arg14[%swap3A_22] {strides = array<i32>} : memref<688xf32, #tpu.memory_space<vmem>>, vector<16xf32>,
    tpu.vector_store %arg14[%swap3A_22], %broadcast_in_dim3A_0 {strides = array<i32>} : memref<688xf32, #tpu.memory_space<vmem>>, vector<16xf32>,
    %scan3A_24 = arith.constant 0 : i32
    %scan3A_25 = arith.constant 42 : i32
    %scan3A_26 = arith.addi %scan3A_8, %scan3A_25 : i32
    %mul3A_27 = arith.constant 16 : i32
    %mul3A_28 = arith.muli %scan3A_26, %mul3A_27 : i32
    %swap3A_29 = arith.index_cast %mul3A_28 : i32 to index
    %swap3A_30 = tpu.vector_load %arg14[%swap3A_29] {strides = array<i32>} : memref<688xf32, #tpu.memory_space<vmem>>, vector<16xf32>,
    tpu.vector_store %arg14[%swap3A_29], %broadcast_in_dim3A_0 {strides = array<i32>} : memref<688xf32, #tpu.memory_space<vmem>>, vector<16xf32>,
    %scan3A_31 = arith.constant 0 : i32
    %scan3A_32 = arith.constant 43 : i32
    %mul3A_33 = arith.constant 640 : i32
    %mul3A_34 = arith.muli %arg1, %mul3A_33 : i32
    "tpu.region"() ({
      %run_scoped3A = tpu.sem_alloc : memref<!tpu.dma_semaphore, #tpu.memory_space<semaphore_mem>>
      %dma_start3A = arith.constant 0 : i32
      %dma_start3A_54 = arith.constant 0 : i32
      %dma_start3A_55 = tpu.memref_slice %arg15[%dma_start3A, %dma_start3A_54] : memref<688x32xf32, #tpu.memory_space<vmem>> -> memref<640x32xf32, #tpu.memory_space<vmem>>
      %dma_start3A_56 = arith.constant 0 : i32
      %dma_start3A_57 = tpu.memref_slice %arg17[%mul3A_34, %dma_start3A_56] : memref<10240x32xf32, #tpu.memory_space<vmem_shared>> -> memref<640x32xf32, #tpu.memory_space<vmem_shared>>
      %dma_start3A_58 = arith.constant 0 : i32
      %dma_start3A_59 = tpu.memref_slice %arg17[%mul3A_34, %dma_start3A_58] : memref<10240x32xf32, #tpu.memory_space<vmem_shared>> -> memref<640x32xf32, #tpu.memory_space<vmem_shared>>
      %dma_start3A_60 = arith.constant 0 : i32
      %dma_start3A_61 = arith.constant 0 : i32
      %dma_start3A_62 = tpu.memref_slice %arg15[%dma_start3A_60, %dma_start3A_61] : memref<688x32xf32, #tpu.memory_space<vmem>> -> memref<640x32xf32, #tpu.memory_space<vmem>>
      tpu.enqueue_dma source(%dma_start3A_62 : memref<640x32xf32, #tpu.memory_space<vmem>>) target(%dma_start3A_59 : memref<640x32xf32, #tpu.memory_space<vmem_shared>>) target_semaphore(%run_scoped3A : memref<!tpu.dma_semaphore, #tpu.memory_space<semaphore_mem>>)
      %dma_wait3A = arith.constant 0 : i32
      %dma_wait3A_63 = arith.constant 0 : i32
      %dma_wait3A_64 = tpu.memref_slice %arg15[%dma_wait3A, %dma_wait3A_63] : memref<688x32xf32, #tpu.memory_space<vmem>> -> memref<640x32xf32, #tpu.memory_space<vmem>>
      %dma_wait3A_65 = arith.constant 0 : i32
      %dma_wait3A_66 = tpu.memref_slice %arg17[%mul3A_34, %dma_wait3A_65] : memref<10240x32xf32, #tpu.memory_space<vmem_shared>> -> memref<640x32xf32, #tpu.memory_space<vmem_shared>>
      %dma_wait3A_67 = arith.constant 0 : i32
      %dma_wait3A_68 = tpu.memref_slice %arg17[%mul3A_34, %dma_wait3A_67] : memref<10240x32xf32, #tpu.memory_space<vmem_shared>> -> memref<640x32xf32, #tpu.memory_space<vmem_shared>>
      %dma_wait3A_69 = arith.constant 0 : i32
      %dma_wait3A_70 = arith.constant 0 : i32
      %dma_wait3A_71 = tpu.memref_slice %arg15[%dma_wait3A_69, %dma_wait3A_70] : memref<688x32xf32, #tpu.memory_space<vmem>> -> memref<640x32xf32, #tpu.memory_space<vmem>>
      tpu.wait_dma2 semaphore(%run_scoped3A : memref<!tpu.dma_semaphore, #tpu.memory_space<semaphore_mem>>) src(%dma_wait3A_71 : memref<640x32xf32, #tpu.memory_space<vmem>>) dst(%dma_wait3A_68 : memref<640x32xf32, #tpu.memory_space<vmem_shared>>)
      tpu.yield
    }) : () -> ()
    %mul3A_35 = arith.constant 640 : i32
    %mul3A_36 = arith.muli %arg1, %mul3A_35 : i32
    "tpu.region"() ({
      %run_scoped3A = tpu.sem_alloc : memref<!tpu.dma_semaphore, #tpu.memory_space<semaphore_mem>>
      %dma_start3A = arith.constant 0 : i32
      %dma_start3A_54 = tpu.memref_slice %arg14[%dma_start3A] : memref<688xf32, #tpu.memory_space<vmem>> -> memref<640xf32, #tpu.memory_space<vmem>>
      %dma_start3A_55 = tpu.memref_slice %arg16[%mul3A_36] : memref<10240xf32, #tpu.memory_space<vmem_shared>> -> memref<640xf32, #tpu.memory_space<vmem_shared>>
      %dma_start3A_56 = tpu.memref_slice %arg16[%mul3A_36] : memref<10240xf32, #tpu.memory_space<vmem_shared>> -> memref<640xf32, #tpu.memory_space<vmem_shared>>
      %dma_start3A_57 = arith.constant 0 : i32
      %dma_start3A_58 = tpu.memref_slice %arg14[%dma_start3A_57] : memref<688xf32, #tpu.memory_space<vmem>> -> memref<640xf32, #tpu.memory_space<vmem>>
      tpu.enqueue_dma source(%dma_start3A_58 : memref<640xf32, #tpu.memory_space<vmem>>) target(%dma_start3A_56 : memref<640xf32, #tpu.memory_space<vmem_shared>>) target_semaphore(%run_scoped3A : memref<!tpu.dma_semaphore, #tpu.memory_space<semaphore_mem>>)
      %dma_wait3A = arith.constant 0 : i32
      %dma_wait3A_59 = tpu.memref_slice %arg14[%dma_wait3A] : memref<688xf32, #tpu.memory_space<vmem>> -> memref<640xf32, #tpu.memory_space<vmem>>
      %dma_wait3A_60 = tpu.memref_slice %arg16[%mul3A_36] : memref<10240xf32, #tpu.memory_space<vmem_shared>> -> memref<640xf32, #tpu.memory_space<vmem_shared>>
      %dma_wait3A_61 = tpu.memref_slice %arg16[%mul3A_36] : memref<10240xf32, #tpu.memory_space<vmem_shared>> -> memref<640xf32, #tpu.memory_space<vmem_shared>>
      %dma_wait3A_62 = arith.constant 0 : i32
      %dma_wait3A_63 = tpu.memref_slice %arg14[%dma_wait3A_62] : memref<688xf32, #tpu.memory_space<vmem>> -> memref<640xf32, #tpu.memory_space<vmem>>
      tpu.wait_dma2 semaphore(%run_scoped3A : memref<!tpu.dma_semaphore, #tpu.memory_space<semaphore_mem>>) src(%dma_wait3A_63 : memref<640xf32, #tpu.memory_space<vmem>>) dst(%dma_wait3A_61 : memref<640xf32, #tpu.memory_space<vmem_shared>>)
      tpu.yield
    }) : () -> ()
    "tpu.region"() ({
      %run_scoped3A = tpu.sem_alloc : memref<!tpu.dma_semaphore, #tpu.memory_space<semaphore_mem>>
      tpu.enqueue_dma source(%arg4 : memref<10240xf32, #tpu.memory_space<hbm>>) target(%arg12 : memref<10240xf32, #tpu.memory_space<vmem>>) target_semaphore(%run_scoped3A : memref<!tpu.dma_semaphore, #tpu.memory_space<semaphore_mem>>)
      tpu.wait_dma2 semaphore(%run_scoped3A : memref<!tpu.dma_semaphore, #tpu.memory_space<semaphore_mem>>) src(%arg4 : memref<10240xf32, #tpu.memory_space<hbm>>) dst(%arg12 : memref<10240xf32, #tpu.memory_space<vmem>>)
      tpu.yield
    }) : () -> ()
    "tpu.region"() ({
      %run_scoped3A = tpu.sem_alloc : memref<!tpu.dma_semaphore, #tpu.memory_space<semaphore_mem>>
      tpu.enqueue_dma source(%arg5 : memref<10240xf32, #tpu.memory_space<hbm>>) target(%arg13 : memref<10240xf32, #tpu.memory_space<vmem>>) target_semaphore(%run_scoped3A : memref<!tpu.dma_semaphore, #tpu.memory_space<semaphore_mem>>)
      tpu.wait_dma2 semaphore(%run_scoped3A : memref<!tpu.dma_semaphore, #tpu.memory_space<semaphore_mem>>) src(%arg5 : memref<10240xf32, #tpu.memory_space<hbm>>) dst(%arg13 : memref<10240xf32, #tpu.memory_space<vmem>>)
      tpu.yield
    }) : () -> ()
    %barrier3A = arith.constant 0 : index
    tpu.barrier barrier_id(%barrier3A)
    %scan3A_37 = arith.constant 0 : i32
    %scan3A_38 = arith.constant 0 : i32
    %scan3A_39 = arith.constant 30 : i32
    %scan3A_40 = arith.addi %scan3A_38, %scan3A_39 : i32
    %scan3A_41 = arith.constant 1 : i32
    %scan3A_42 = scf.for %scan3A_54 = %scan3A_38 to %scan3A_40 step %scan3A_41 iter_args(%scan3A_55 = %scan3A_37) -> (i32)  : i32 {
      %mul3A_56 = arith.constant 20640 : i32
      %mul3A_57 = arith.muli %arg1, %mul3A_56 : i32
      %mul3A_58 = arith.constant 688 : i32
      %mul3A_59 = arith.muli %scan3A_54, %mul3A_58 : i32
      %add3A = arith.addi %mul3A_57, %mul3A_59 : i32
      "tpu.region"() ({
        %run_scoped3A = tpu.sem_alloc : memref<!tpu.dma_semaphore, #tpu.memory_space<semaphore_mem>>
        %dma_start3A_153 = tpu.memref_slice %arg2[%add3A] : memref<330240xi32, #tpu.memory_space<hbm>> -> memref<688xi32, #tpu.memory_space<hbm>>
        %dma_start3A_154 = tpu.memref_slice %arg2[%add3A] : memref<330240xi32, #tpu.memory_space<hbm>> -> memref<688xi32, #tpu.memory_space<hbm>>
        tpu.enqueue_dma source(%dma_start3A_154 : memref<688xi32, #tpu.memory_space<hbm>>) target(%arg10 : memref<688xi32, #tpu.memory_space<vmem>>) target_semaphore(%run_scoped3A : memref<!tpu.dma_semaphore, #tpu.memory_space<semaphore_mem>>)
        %dma_wait3A_155 = tpu.memref_slice %arg2[%add3A] : memref<330240xi32, #tpu.memory_space<hbm>> -> memref<688xi32, #tpu.memory_space<hbm>>
        %dma_wait3A_156 = tpu.memref_slice %arg2[%add3A] : memref<330240xi32, #tpu.memory_space<hbm>> -> memref<688xi32, #tpu.memory_space<hbm>>
        tpu.wait_dma2 semaphore(%run_scoped3A : memref<!tpu.dma_semaphore, #tpu.memory_space<semaphore_mem>>) src(%dma_wait3A_156 : memref<688xi32, #tpu.memory_space<hbm>>) dst(%arg10 : memref<688xi32, #tpu.memory_space<vmem>>)
        tpu.yield
      }) : () -> ()
      "tpu.region"() ({
        %run_scoped3A = tpu.sem_alloc : memref<!tpu.dma_semaphore, #tpu.memory_space<semaphore_mem>>
        %dma_start3A_153 = tpu.memref_slice %arg3[%add3A] : memref<330240xi32, #tpu.memory_space<hbm>> -> memref<688xi32, #tpu.memory_space<hbm>>
        %dma_start3A_154 = tpu.memref_slice %arg3[%add3A] : memref<330240xi32, #tpu.memory_space<hbm>> -> memref<688xi32, #tpu.memory_space<hbm>>
        tpu.enqueue_dma source(%dma_start3A_154 : memref<688xi32, #tpu.memory_space<hbm>>) target(%arg11 : memref<688xi32, #tpu.memory_space<vmem>>) target_semaphore(%run_scoped3A : memref<!tpu.dma_semaphore, #tpu.memory_space<semaphore_mem>>)
        %dma_wait3A_155 = tpu.memref_slice %arg3[%add3A] : memref<330240xi32, #tpu.memory_space<hbm>> -> memref<688xi32, #tpu.memory_space<hbm>>
        %dma_wait3A_156 = tpu.memref_slice %arg3[%add3A] : memref<330240xi32, #tpu.memory_space<hbm>> -> memref<688xi32, #tpu.memory_space<hbm>>
        tpu.wait_dma2 semaphore(%run_scoped3A : memref<!tpu.dma_semaphore, #tpu.memory_space<semaphore_mem>>) src(%dma_wait3A_156 : memref<688xi32, #tpu.memory_space<hbm>>) dst(%arg11 : memref<688xi32, #tpu.memory_space<vmem>>)
        tpu.yield
      }) : () -> ()
      %dma_start3A = arith.constant 0 : i32
      %dma_start3A_60 = arith.constant 0 : i32
      %dma_start3A_61 = tpu.memref_slice %arg6[%arg0, %dma_start3A, %dma_start3A_60] : memref<2x10240x32xf32, #tpu.memory_space<hbm>> -> memref<1x10240x32xf32, #tpu.memory_space<hbm>>
      %dma_start3A_62 = tpu.memref_squeeze %dma_start3A_61 : memref<1x10240x32xf32, #tpu.memory_space<hbm>> -> memref<10240x32xf32, #tpu.memory_space<hbm>>
      %dma_start3A_63 = arith.constant 0 : i32
      %dma_start3A_64 = arith.constant 0 : i32
      %dma_start3A_65 = tpu.memref_slice %dma_start3A_62[%dma_start3A_63, %dma_start3A_64] : memref<10240x32xf32, #tpu.memory_space<hbm>> -> memref<10240x32xf32, #tpu.memory_space<hbm>>
      tpu.enqueue_indirect_dma source(%dma_start3A_65 : memref<10240x32xf32, #tpu.memory_space<hbm>>) target(%arg15 : memref<688x32xf32, #tpu.memory_space<vmem>>) offsets(%arg10 : memref<688xi32, #tpu.memory_space<vmem>>) semaphore(%arg18 : memref<!tpu.dma_semaphore, #tpu.memory_space<semaphore_mem>>)
      %scan3A_66 = arith.constant 0 : i32
      %scan3A_67 = arith.constant 0 : i32
      %scan3A_68 = arith.constant 40 : i32
      %scan3A_69 = arith.addi %scan3A_67, %scan3A_68 : i32
      %scan3A_70 = arith.constant 4 : i32
      %scan3A_71 = scf.for %scan3A_153 = %scan3A_67 to %scan3A_69 step %scan3A_70 iter_args(%scan3A_154 = %scan3A_66) -> (i32)  : i32 {
        %mul3A_155 = arith.constant 16 : i32
        %mul3A_156 = arith.muli %scan3A_153, %mul3A_155 : i32
        %get3A_157 = arith.index_cast %mul3A_156 : i32 to index
        %get3A_158 = tpu.vector_load %arg10[%get3A_157] {strides = array<i32>} : memref<688xi32, #tpu.memory_space<vmem>>, vector<16xi32>,
        %gather3A_159 = tpu.vector_load_idx %arg12[%get3A_158] : memref<10240xf32, #tpu.memory_space<vmem>>[vector<16xi32>], vector<16xf32>,
        %get3A_160 = arith.index_cast %mul3A_156 : i32 to index
        %get3A_161 = tpu.vector_load %arg11[%get3A_160] {strides = array<i32>} : memref<688xi32, #tpu.memory_space<vmem>>, vector<16xi32>,
        %gather3A_162 = tpu.vector_load_idx %arg13[%get3A_161] : memref<10240xf32, #tpu.memory_space<vmem>>[vector<16xi32>], vector<16xf32>,
        %add3A_163 = arith.addf %gather3A_159, %gather3A_162 : vector<16xf32>
        %ge3A_164 = arith.constant 0.000000e+00 : f32
        %ge3A_165 = vector.broadcast %ge3A_164 : f32 to vector<16xf32>
        %ge3A_166 = arith.cmpf oge, %add3A_163, %ge3A_165 : vector<16xf32>
        %mul3A_167 = arith.constant 2.000000e-01 : f32
        %mul3A_168 = vector.broadcast %mul3A_167 : f32 to vector<16xf32>
        %mul3A_169 = arith.mulf %mul3A_168, %add3A_163 : vector<16xf32>
        %select_n3A_170 = arith.select %ge3A_166, %add3A_163, %mul3A_169 : vector<16xi1>, vector<16xf32>
        %exp3A_171 = math.exp %select_n3A_170 : vector<16xf32>
        %swap3A_172 = arith.index_cast %mul3A_156 : i32 to index
        %swap3A_173 = tpu.vector_load %arg14[%swap3A_172] {strides = array<i32>} : memref<688xf32, #tpu.memory_space<vmem>>, vector<16xf32>,
        tpu.vector_store %arg14[%swap3A_172], %exp3A_171 {strides = array<i32>} : memref<688xf32, #tpu.memory_space<vmem>>, vector<16xf32>,
        %scan3A_174 = arith.constant 0 : i32
        %scan3A_175 = arith.constant 1 : i32
        %scan3A_176 = arith.addi %scan3A_153, %scan3A_175 : i32
        %mul3A_177 = arith.constant 16 : i32
        %mul3A_178 = arith.muli %scan3A_176, %mul3A_177 : i32
        %get3A_179 = arith.index_cast %mul3A_178 : i32 to index
        %get3A_180 = tpu.vector_load %arg10[%get3A_179] {strides = array<i32>} : memref<688xi32, #tpu.memory_space<vmem>>, vector<16xi32>,
        %gather3A_181 = tpu.vector_load_idx %arg12[%get3A_180] : memref<10240xf32, #tpu.memory_space<vmem>>[vector<16xi32>], vector<16xf32>,
        %get3A_182 = arith.index_cast %mul3A_178 : i32 to index
        %get3A_183 = tpu.vector_load %arg11[%get3A_182] {strides = array<i32>} : memref<688xi32, #tpu.memory_space<vmem>>, vector<16xi32>,
        %gather3A_184 = tpu.vector_load_idx %arg13[%get3A_183] : memref<10240xf32, #tpu.memory_space<vmem>>[vector<16xi32>], vector<16xf32>,
        %add3A_185 = arith.addf %gather3A_181, %gather3A_184 : vector<16xf32>
        %ge3A_186 = arith.constant 0.000000e+00 : f32
        %ge3A_187 = vector.broadcast %ge3A_186 : f32 to vector<16xf32>
        %ge3A_188 = arith.cmpf oge, %add3A_185, %ge3A_187 : vector<16xf32>
        %mul3A_189 = arith.constant 2.000000e-01 : f32
        %mul3A_190 = vector.broadcast %mul3A_189 : f32 to vector<16xf32>
        %mul3A_191 = arith.mulf %mul3A_190, %add3A_185 : vector<16xf32>
        %select_n3A_192 = arith.select %ge3A_188, %add3A_185, %mul3A_191 : vector<16xi1>, vector<16xf32>
        %exp3A_193 = math.exp %select_n3A_192 : vector<16xf32>
        %swap3A_194 = arith.index_cast %mul3A_178 : i32 to index
        %swap3A_195 = tpu.vector_load %arg14[%swap3A_194] {strides = array<i32>} : memref<688xf32, #tpu.memory_space<vmem>>, vector<16xf32>,
        tpu.vector_store %arg14[%swap3A_194], %exp3A_193 {strides = array<i32>} : memref<688xf32, #tpu.memory_space<vmem>>, vector<16xf32>,
        %scan3A_196 = arith.constant 0 : i32
        %scan3A_197 = arith.constant 2 : i32
        %scan3A_198 = arith.addi %scan3A_153, %scan3A_197 : i32
        %mul3A_199 = arith.constant 16 : i32
        %mul3A_200 = arith.muli %scan3A_198, %mul3A_199 : i32
        %get3A_201 = arith.index_cast %mul3A_200 : i32 to index
        %get3A_202 = tpu.vector_load %arg10[%get3A_201] {strides = array<i32>} : memref<688xi32, #tpu.memory_space<vmem>>, vector<16xi32>,
        %gather3A_203 = tpu.vector_load_idx %arg12[%get3A_202] : memref<10240xf32, #tpu.memory_space<vmem>>[vector<16xi32>], vector<16xf32>,
        %get3A_204 = arith.index_cast %mul3A_200 : i32 to index
        %get3A_205 = tpu.vector_load %arg11[%get3A_204] {strides = array<i32>} : memref<688xi32, #tpu.memory_space<vmem>>, vector<16xi32>,
        %gather3A_206 = tpu.vector_load_idx %arg13[%get3A_205] : memref<10240xf32, #tpu.memory_space<vmem>>[vector<16xi32>], vector<16xf32>,
        %add3A_207 = arith.addf %gather3A_203, %gather3A_206 : vector<16xf32>
        %ge3A_208 = arith.constant 0.000000e+00 : f32
        %ge3A_209 = vector.broadcast %ge3A_208 : f32 to vector<16xf32>
        %ge3A_210 = arith.cmpf oge, %add3A_207, %ge3A_209 : vector<16xf32>
        %mul3A_211 = arith.constant 2.000000e-01 : f32
        %mul3A_212 = vector.broadcast %mul3A_211 : f32 to vector<16xf32>
        %mul3A_213 = arith.mulf %mul3A_212, %add3A_207 : vector<16xf32>
        %select_n3A_214 = arith.select %ge3A_210, %add3A_207, %mul3A_213 : vector<16xi1>, vector<16xf32>
        %exp3A_215 = math.exp %select_n3A_214 : vector<16xf32>
        %swap3A_216 = arith.index_cast %mul3A_200 : i32 to index
        %swap3A_217 = tpu.vector_load %arg14[%swap3A_216] {strides = array<i32>} : memref<688xf32, #tpu.memory_space<vmem>>, vector<16xf32>,
        tpu.vector_store %arg14[%swap3A_216], %exp3A_215 {strides = array<i32>} : memref<688xf32, #tpu.memory_space<vmem>>, vector<16xf32>,
        %scan3A_218 = arith.constant 0 : i32
        %scan3A_219 = arith.constant 3 : i32
        %scan3A_220 = arith.addi %scan3A_153, %scan3A_219 : i32
        %mul3A_221 = arith.constant 16 : i32
        %mul3A_222 = arith.muli %scan3A_220, %mul3A_221 : i32
        %get3A_223 = arith.index_cast %mul3A_222 : i32 to index
        %get3A_224 = tpu.vector_load %arg10[%get3A_223] {strides = array<i32>} : memref<688xi32, #tpu.memory_space<vmem>>, vector<16xi32>,
        %gather3A_225 = tpu.vector_load_idx %arg12[%get3A_224] : memref<10240xf32, #tpu.memory_space<vmem>>[vector<16xi32>], vector<16xf32>,
        %get3A_226 = arith.index_cast %mul3A_222 : i32 to index
        %get3A_227 = tpu.vector_load %arg11[%get3A_226] {strides = array<i32>} : memref<688xi32, #tpu.memory_space<vmem>>, vector<16xi32>,
        %gather3A_228 = tpu.vector_load_idx %arg13[%get3A_227] : memref<10240xf32, #tpu.memory_space<vmem>>[vector<16xi32>], vector<16xf32>,
        %add3A_229 = arith.addf %gather3A_225, %gather3A_228 : vector<16xf32>
        %ge3A_230 = arith.constant 0.000000e+00 : f32
        %ge3A_231 = vector.broadcast %ge3A_230 : f32 to vector<16xf32>
        %ge3A_232 = arith.cmpf oge, %add3A_229, %ge3A_231 : vector<16xf32>
        %mul3A_233 = arith.constant 2.000000e-01 : f32
        %mul3A_234 = vector.broadcast %mul3A_233 : f32 to vector<16xf32>
        %mul3A_235 = arith.mulf %mul3A_234, %add3A_229 : vector<16xf32>
        %select_n3A_236 = arith.select %ge3A_232, %add3A_229, %mul3A_235 : vector<16xi1>, vector<16xf32>
        %exp3A_237 = math.exp %select_n3A_236 : vector<16xf32>
        %swap3A_238 = arith.index_cast %mul3A_222 : i32 to index
        %swap3A_239 = tpu.vector_load %arg14[%swap3A_238] {strides = array<i32>} : memref<688xf32, #tpu.memory_space<vmem>>, vector<16xf32>,
        tpu.vector_store %arg14[%swap3A_238], %exp3A_237 {strides = array<i32>} : memref<688xf32, #tpu.memory_space<vmem>>, vector<16xf32>,
        %scan3A_240 = arith.constant 0 : i32
        scf.yield %scan3A_240 : i32
      }
      %scan3A_72 = arith.constant 40 : i32
      %scan3A_73 = arith.addi %scan3A_67, %scan3A_72 : i32
      %mul3A_74 = arith.constant 16 : i32
      %mul3A_75 = arith.muli %scan3A_73, %mul3A_74 : i32
      %get3A = arith.index_cast %mul3A_75 : i32 to index
      %get3A_76 = tpu.vector_load %arg10[%get3A] {strides = array<i32>} : memref<688xi32, #tpu.memory_space<vmem>>, vector<16xi32>,
      %gather3A = tpu.vector_load_idx %arg12[%get3A_76] : memref<10240xf32, #tpu.memory_space<vmem>>[vector<16xi32>], vector<16xf32>,
      %get3A_77 = arith.index_cast %mul3A_75 : i32 to index
      %get3A_78 = tpu.vector_load %arg11[%get3A_77] {strides = array<i32>} : memref<688xi32, #tpu.memory_space<vmem>>, vector<16xi32>,
      %gather3A_79 = tpu.vector_load_idx %arg13[%get3A_78] : memref<10240xf32, #tpu.memory_space<vmem>>[vector<16xi32>], vector<16xf32>,
      %add3A_80 = arith.addf %gather3A, %gather3A_79 : vector<16xf32>
      %ge3A = arith.constant 0.000000e+00 : f32
      %ge3A_81 = vector.broadcast %ge3A : f32 to vector<16xf32>
      %ge3A_82 = arith.cmpf oge, %add3A_80, %ge3A_81 : vector<16xf32>
      %mul3A_83 = arith.constant 2.000000e-01 : f32
      %mul3A_84 = vector.broadcast %mul3A_83 : f32 to vector<16xf32>
      %mul3A_85 = arith.mulf %mul3A_84, %add3A_80 : vector<16xf32>
      %select_n3A = arith.select %ge3A_82, %add3A_80, %mul3A_85 : vector<16xi1>, vector<16xf32>
      %exp3A = math.exp %select_n3A : vector<16xf32>
      %swap3A_86 = arith.index_cast %mul3A_75 : i32 to index
      %swap3A_87 = tpu.vector_load %arg14[%swap3A_86] {strides = array<i32>} : memref<688xf32, #tpu.memory_space<vmem>>, vector<16xf32>,
      tpu.vector_store %arg14[%swap3A_86], %exp3A {strides = array<i32>} : memref<688xf32, #tpu.memory_space<vmem>>, vector<16xf32>,
      %scan3A_88 = arith.constant 0 : i32
      %scan3A_89 = arith.constant 41 : i32
      %scan3A_90 = arith.addi %scan3A_67, %scan3A_89 : i32
      %mul3A_91 = arith.constant 16 : i32
      %mul3A_92 = arith.muli %scan3A_90, %mul3A_91 : i32
      %get3A_93 = arith.index_cast %mul3A_92 : i32 to index
      %get3A_94 = tpu.vector_load %arg10[%get3A_93] {strides = array<i32>} : memref<688xi32, #tpu.memory_space<vmem>>, vector<16xi32>,
      %gather3A_95 = tpu.vector_load_idx %arg12[%get3A_94] : memref<10240xf32, #tpu.memory_space<vmem>>[vector<16xi32>], vector<16xf32>,
      %get3A_96 = arith.index_cast %mul3A_92 : i32 to index
      %get3A_97 = tpu.vector_load %arg11[%get3A_96] {strides = array<i32>} : memref<688xi32, #tpu.memory_space<vmem>>, vector<16xi32>,
      %gather3A_98 = tpu.vector_load_idx %arg13[%get3A_97] : memref<10240xf32, #tpu.memory_space<vmem>>[vector<16xi32>], vector<16xf32>,
      %add3A_99 = arith.addf %gather3A_95, %gather3A_98 : vector<16xf32>
      %ge3A_100 = arith.constant 0.000000e+00 : f32
      %ge3A_101 = vector.broadcast %ge3A_100 : f32 to vector<16xf32>
      %ge3A_102 = arith.cmpf oge, %add3A_99, %ge3A_101 : vector<16xf32>
      %mul3A_103 = arith.constant 2.000000e-01 : f32
      %mul3A_104 = vector.broadcast %mul3A_103 : f32 to vector<16xf32>
      %mul3A_105 = arith.mulf %mul3A_104, %add3A_99 : vector<16xf32>
      %select_n3A_106 = arith.select %ge3A_102, %add3A_99, %mul3A_105 : vector<16xi1>, vector<16xf32>
      %exp3A_107 = math.exp %select_n3A_106 : vector<16xf32>
      %swap3A_108 = arith.index_cast %mul3A_92 : i32 to index
      %swap3A_109 = tpu.vector_load %arg14[%swap3A_108] {strides = array<i32>} : memref<688xf32, #tpu.memory_space<vmem>>, vector<16xf32>,
      tpu.vector_store %arg14[%swap3A_108], %exp3A_107 {strides = array<i32>} : memref<688xf32, #tpu.memory_space<vmem>>, vector<16xf32>,
      %scan3A_110 = arith.constant 0 : i32
      %scan3A_111 = arith.constant 42 : i32
      %scan3A_112 = arith.addi %scan3A_67, %scan3A_111 : i32
      %mul3A_113 = arith.constant 16 : i32
      %mul3A_114 = arith.muli %scan3A_112, %mul3A_113 : i32
      %get3A_115 = arith.index_cast %mul3A_114 : i32 to index
      %get3A_116 = tpu.vector_load %arg10[%get3A_115] {strides = array<i32>} : memref<688xi32, #tpu.memory_space<vmem>>, vector<16xi32>,
      %gather3A_117 = tpu.vector_load_idx %arg12[%get3A_116] : memref<10240xf32, #tpu.memory_space<vmem>>[vector<16xi32>], vector<16xf32>,
      %get3A_118 = arith.index_cast %mul3A_114 : i32 to index
      %get3A_119 = tpu.vector_load %arg11[%get3A_118] {strides = array<i32>} : memref<688xi32, #tpu.memory_space<vmem>>, vector<16xi32>,
      %gather3A_120 = tpu.vector_load_idx %arg13[%get3A_119] : memref<10240xf32, #tpu.memory_space<vmem>>[vector<16xi32>], vector<16xf32>,
      %add3A_121 = arith.addf %gather3A_117, %gather3A_120 : vector<16xf32>
      %ge3A_122 = arith.constant 0.000000e+00 : f32
      %ge3A_123 = vector.broadcast %ge3A_122 : f32 to vector<16xf32>
      %ge3A_124 = arith.cmpf oge, %add3A_121, %ge3A_123 : vector<16xf32>
      %mul3A_125 = arith.constant 2.000000e-01 : f32
      %mul3A_126 = vector.broadcast %mul3A_125 : f32 to vector<16xf32>
      %mul3A_127 = arith.mulf %mul3A_126, %add3A_121 : vector<16xf32>
      %select_n3A_128 = arith.select %ge3A_124, %add3A_121, %mul3A_127 : vector<16xi1>, vector<16xf32>
      %exp3A_129 = math.exp %select_n3A_128 : vector<16xf32>
      %swap3A_130 = arith.index_cast %mul3A_114 : i32 to index
      %swap3A_131 = tpu.vector_load %arg14[%swap3A_130] {strides = array<i32>} : memref<688xf32, #tpu.memory_space<vmem>>, vector<16xf32>,
      tpu.vector_store %arg14[%swap3A_130], %exp3A_129 {strides = array<i32>} : memref<688xf32, #tpu.memory_space<vmem>>, vector<16xf32>,
      %scan3A_132 = arith.constant 0 : i32
      %scan3A_133 = arith.constant 43 : i32
      %eq3A_134 = arith.constant 0 : i32
      %eq3A_135 = arith.cmpi eq, %arg0, %eq3A_134 : i32
      %convert_element_type3A_136 = arith.extui %eq3A_135 : i1 to i32
      %cond3A_137 = arith.constant 0 : i32
      %cond3A_138 = arith.cmpi ne, %convert_element_type3A_136, %cond3A_137 : i32
      scf.if %cond3A_138 {
        "tpu.region"() ({
          %run_scoped3A = tpu.sem_alloc : memref<!tpu.dma_semaphore, #tpu.memory_space<semaphore_mem>>
          %dma_start3A_153 = arith.constant 0 : i32
          %dma_start3A_154 = tpu.memref_slice %arg16[%dma_start3A_153] : memref<10240xf32, #tpu.memory_space<vmem_shared>> -> memref<10240xf32, #tpu.memory_space<vmem_shared>>
          tpu.enqueue_indirect_dma source(%arg14 : memref<688xf32, #tpu.memory_space<vmem>>) target(%dma_start3A_154 : memref<10240xf32, #tpu.memory_space<vmem_shared>>) offsets(%arg11 : memref<688xi32, #tpu.memory_space<vmem>>) semaphore(%run_scoped3A : memref<!tpu.dma_semaphore, #tpu.memory_space<semaphore_mem>>) {add = true}
          %dma_wait3A_155 = arith.constant 0 : i32
          %dma_wait3A_156 = tpu.memref_slice %arg16[%dma_wait3A_155] : memref<10240xf32, #tpu.memory_space<vmem_shared>> -> memref<10240xf32, #tpu.memory_space<vmem_shared>>
          tpu.wait_indirect_dma semaphore(%run_scoped3A : memref<!tpu.dma_semaphore, #tpu.memory_space<semaphore_mem>>) src(%arg14 : memref<688xf32, #tpu.memory_space<vmem>>) dst(%dma_wait3A_156 : memref<10240xf32, #tpu.memory_space<vmem_shared>>)
          tpu.yield
        }) : () -> ()
      } else {
      }
      %dma_wait3A = arith.constant 0 : i32
      %dma_wait3A_139 = arith.constant 0 : i32
      %dma_wait3A_140 = tpu.memref_slice %arg6[%arg0, %dma_wait3A, %dma_wait3A_139] : memref<2x10240x32xf32, #tpu.memory_space<hbm>> -> memref<1x10240x32xf32, #tpu.memory_space<hbm>>
      %dma_wait3A_141 = tpu.memref_squeeze %dma_wait3A_140 : memref<1x10240x32xf32, #tpu.memory_space<hbm>> -> memref<10240x32xf32, #tpu.memory_space<hbm>>
      %dma_wait3A_142 = arith.constant 0 : i32
      %dma_wait3A_143 = arith.constant 0 : i32
      %dma_wait3A_144 = tpu.memref_slice %dma_wait3A_141[%dma_wait3A_142, %dma_wait3A_143] : memref<10240x32xf32, #tpu.memory_space<hbm>> -> memref<10240x32xf32, #tpu.memory_space<hbm>>
      tpu.wait_indirect_dma semaphore(%arg18 : memref<!tpu.dma_semaphore, #tpu.memory_space<semaphore_mem>>) src(%dma_wait3A_144 : memref<10240x32xf32, #tpu.memory_space<hbm>>) dst(%arg15 : memref<688x32xf32, #tpu.memory_space<vmem>>)
      %scan3A_145 = arith.constant 0 : i32
      %scan3A_146 = arith.constant 0 : i32
      %scan3A_147 = arith.constant 43 : i32
      %scan3A_148 = arith.addi %scan3A_146, %scan3A_147 : i32
      %scan3A_149 = arith.constant 1 : i32
      %scan3A_150 = scf.for %scan3A_153 = %scan3A_146 to %scan3A_148 step %scan3A_149 iter_args(%scan3A_154 = %scan3A_145) -> (i32)  : i32 {
        %mul3A_155 = arith.constant 16 : i32
        %mul3A_156 = arith.muli %scan3A_153, %mul3A_155 : i32
        %get3A_157 = arith.index_cast %mul3A_156 : i32 to index
        %get3A_158 = tpu.vector_load %arg14[%get3A_157] {strides = array<i32>} : memref<688xf32, #tpu.memory_space<vmem>>, vector<16xf32>,
        %slice3A = vector.extract_strided_slice %get3A_158 {offsets = [0], sizes = [1], strides = [1]} : vector<16xf32> to vector<1xf32>
        %squeeze3A = vector.extract %slice3A[0] : f32 from vector<1xf32>
        %mul3A_159 = arith.constant 16 : i32
        %mul3A_160 = arith.muli %scan3A_153, %mul3A_159 : i32
        %add3A_161 = arith.constant 0 : i32
        %add3A_162 = arith.addi %mul3A_160, %add3A_161 : i32
        %get3A_163 = arith.index_cast %add3A_162 : i32 to index
        %get3A_164 = arith.constant 0 : index
        %get3A_165 = tpu.vector_load %arg15[%get3A_163, %get3A_164] {strides = array<i32>} : memref<688x32xf32, #tpu.memory_space<vmem>>, vector<16xf32>,
        %mul3A_166 = vector.broadcast %squeeze3A : f32 to vector<16xf32>
        %mul3A_167 = arith.mulf %get3A_165, %mul3A_166 : vector<16xf32>
        %swap3A_168 = arith.index_cast %add3A_162 : i32 to index
        %swap3A_169 = arith.constant 0 : index
        %swap3A_170 = tpu.vector_load %arg15[%swap3A_168, %swap3A_169] {strides = array<i32>} : memref<688x32xf32, #tpu.memory_space<vmem>>, vector<16xf32>,
        tpu.vector_store %arg15[%swap3A_168, %swap3A_169], %mul3A_167 {strides = array<i32>} : memref<688x32xf32, #tpu.memory_space<vmem>>, vector<16xf32>,
        %get3A_171 = arith.index_cast %add3A_162 : i32 to index
        %get3A_172 = arith.constant 16 : index
        %get3A_173 = tpu.vector_load %arg15[%get3A_171, %get3A_172] {strides = array<i32>} : memref<688x32xf32, #tpu.memory_space<vmem>>, vector<16xf32>,
        %mul3A_174 = vector.broadcast %squeeze3A : f32 to vector<16xf32>
        %mul3A_175 = arith.mulf %get3A_173, %mul3A_174 : vector<16xf32>
        %swap3A_176 = arith.index_cast %add3A_162 : i32 to index
        %swap3A_177 = arith.constant 16 : index
        %swap3A_178 = tpu.vector_load %arg15[%swap3A_176, %swap3A_177] {strides = array<i32>} : memref<688x32xf32, #tpu.memory_space<vmem>>, vector<16xf32>,
        tpu.vector_store %arg15[%swap3A_176, %swap3A_177], %mul3A_175 {strides = array<i32>} : memref<688x32xf32, #tpu.memory_space<vmem>>, vector<16xf32>,
        %slice3A_179 = vector.extract_strided_slice %get3A_158 {offsets = [1], sizes = [1], strides = [1]} : vector<16xf32> to vector<1xf32>
        %squeeze3A_180 = vector.extract %slice3A_179[0] : f32 from vector<1xf32>
        %mul3A_181 = arith.constant 16 : i32
        %mul3A_182 = arith.muli %scan3A_153, %mul3A_181 : i32
        %add3A_183 = arith.constant 1 : i32
        %add3A_184 = arith.addi %mul3A_182, %add3A_183 : i32
        %get3A_185 = arith.index_cast %add3A_184 : i32 to index
        %get3A_186 = arith.constant 0 : index
        %get3A_187 = tpu.vector_load %arg15[%get3A_185, %get3A_186] {strides = array<i32>} : memref<688x32xf32, #tpu.memory_space<vmem>>, vector<16xf32>,
        %mul3A_188 = vector.broadcast %squeeze3A_180 : f32 to vector<16xf32>
        %mul3A_189 = arith.mulf %get3A_187, %mul3A_188 : vector<16xf32>
        %swap3A_190 = arith.index_cast %add3A_184 : i32 to index
        %swap3A_191 = arith.constant 0 : index
        %swap3A_192 = tpu.vector_load %arg15[%swap3A_190, %swap3A_191] {strides = array<i32>} : memref<688x32xf32, #tpu.memory_space<vmem>>, vector<16xf32>,
        tpu.vector_store %arg15[%swap3A_190, %swap3A_191], %mul3A_189 {strides = array<i32>} : memref<688x32xf32, #tpu.memory_space<vmem>>, vector<16xf32>,
        %get3A_193 = arith.index_cast %add3A_184 : i32 to index
        %get3A_194 = arith.constant 16 : index
        %get3A_195 = tpu.vector_load %arg15[%get3A_193, %get3A_194] {strides = array<i32>} : memref<688x32xf32, #tpu.memory_space<vmem>>, vector<16xf32>,
        %mul3A_196 = vector.broadcast %squeeze3A_180 : f32 to vector<16xf32>
        %mul3A_197 = arith.mulf %get3A_195, %mul3A_196 : vector<16xf32>
        %swap3A_198 = arith.index_cast %add3A_184 : i32 to index
        %swap3A_199 = arith.constant 16 : index
        %swap3A_200 = tpu.vector_load %arg15[%swap3A_198, %swap3A_199] {strides = array<i32>} : memref<688x32xf32, #tpu.memory_space<vmem>>, vector<16xf32>,
        tpu.vector_store %arg15[%swap3A_198, %swap3A_199], %mul3A_197 {strides = array<i32>} : memref<688x32xf32, #tpu.memory_space<vmem>>, vector<16xf32>,
        %slice3A_201 = vector.extract_strided_slice %get3A_158 {offsets = [2], sizes = [1], strides = [1]} : vector<16xf32> to vector<1xf32>
        %squeeze3A_202 = vector.extract %slice3A_201[0] : f32 from vector<1xf32>
        %mul3A_203 = arith.constant 16 : i32
        %mul3A_204 = arith.muli %scan3A_153, %mul3A_203 : i32
        %add3A_205 = arith.constant 2 : i32
        %add3A_206 = arith.addi %mul3A_204, %add3A_205 : i32
        %get3A_207 = arith.index_cast %add3A_206 : i32 to index
        %get3A_208 = arith.constant 0 : index
        %get3A_209 = tpu.vector_load %arg15[%get3A_207, %get3A_208] {strides = array<i32>} : memref<688x32xf32, #tpu.memory_space<vmem>>, vector<16xf32>,
        %mul3A_210 = vector.broadcast %squeeze3A_202 : f32 to vector<16xf32>
        %mul3A_211 = arith.mulf %get3A_209, %mul3A_210 : vector<16xf32>
        %swap3A_212 = arith.index_cast %add3A_206 : i32 to index
        %swap3A_213 = arith.constant 0 : index
        %swap3A_214 = tpu.vector_load %arg15[%swap3A_212, %swap3A_213] {strides = array<i32>} : memref<688x32xf32, #tpu.memory_space<vmem>>, vector<16xf32>,
        tpu.vector_store %arg15[%swap3A_212, %swap3A_213], %mul3A_211 {strides = array<i32>} : memref<688x32xf32, #tpu.memory_space<vmem>>, vector<16xf32>,
        %get3A_215 = arith.index_cast %add3A_206 : i32 to index
        %get3A_216 = arith.constant 16 : index
        %get3A_217 = tpu.vector_load %arg15[%get3A_215, %get3A_216] {strides = array<i32>} : memref<688x32xf32, #tpu.memory_space<vmem>>, vector<16xf32>,
        %mul3A_218 = vector.broadcast %squeeze3A_202 : f32 to vector<16xf32>
        %mul3A_219 = arith.mulf %get3A_217, %mul3A_218 : vector<16xf32>
        %swap3A_220 = arith.index_cast %add3A_206 : i32 to index
        %swap3A_221 = arith.constant 16 : index
        %swap3A_222 = tpu.vector_load %arg15[%swap3A_220, %swap3A_221] {strides = array<i32>} : memref<688x32xf32, #tpu.memory_space<vmem>>, vector<16xf32>,
        tpu.vector_store %arg15[%swap3A_220, %swap3A_221], %mul3A_219 {strides = array<i32>} : memref<688x32xf32, #tpu.memory_space<vmem>>, vector<16xf32>,
        %slice3A_223 = vector.extract_strided_slice %get3A_158 {offsets = [3], sizes = [1], strides = [1]} : vector<16xf32> to vector<1xf32>
        %squeeze3A_224 = vector.extract %slice3A_223[0] : f32 from vector<1xf32>
        %mul3A_225 = arith.constant 16 : i32
        %mul3A_226 = arith.muli %scan3A_153, %mul3A_225 : i32
        %add3A_227 = arith.constant 3 : i32
        %add3A_228 = arith.addi %mul3A_226, %add3A_227 : i32
        %get3A_229 = arith.index_cast %add3A_228 : i32 to index
        %get3A_230 = arith.constant 0 : index
        %get3A_231 = tpu.vector_load %arg15[%get3A_229, %get3A_230] {strides = array<i32>} : memref<688x32xf32, #tpu.memory_space<vmem>>, vector<16xf32>,
        %mul3A_232 = vector.broadcast %squeeze3A_224 : f32 to vector<16xf32>
        %mul3A_233 = arith.mulf %get3A_231, %mul3A_232 : vector<16xf32>
        %swap3A_234 = arith.index_cast %add3A_228 : i32 to index
        %swap3A_235 = arith.constant 0 : index
        %swap3A_236 = tpu.vector_load %arg15[%swap3A_234, %swap3A_235] {strides = array<i32>} : memref<688x32xf32, #tpu.memory_space<vmem>>, vector<16xf32>,
        tpu.vector_store %arg15[%swap3A_234, %swap3A_235], %mul3A_233 {strides = array<i32>} : memref<688x32xf32, #tpu.memory_space<vmem>>, vector<16xf32>,
        %get3A_237 = arith.index_cast %add3A_228 : i32 to index
        %get3A_238 = arith.constant 16 : index
        %get3A_239 = tpu.vector_load %arg15[%get3A_237, %get3A_238] {strides = array<i32>} : memref<688x32xf32, #tpu.memory_space<vmem>>, vector<16xf32>,
        %mul3A_240 = vector.broadcast %squeeze3A_224 : f32 to vector<16xf32>
        %mul3A_241 = arith.mulf %get3A_239, %mul3A_240 : vector<16xf32>
        %swap3A_242 = arith.index_cast %add3A_228 : i32 to index
        %swap3A_243 = arith.constant 16 : index
        %swap3A_244 = tpu.vector_load %arg15[%swap3A_242, %swap3A_243] {strides = array<i32>} : memref<688x32xf32, #tpu.memory_space<vmem>>, vector<16xf32>,
        tpu.vector_store %arg15[%swap3A_242, %swap3A_243], %mul3A_241 {strides = array<i32>} : memref<688x32xf32, #tpu.memory_space<vmem>>, vector<16xf32>,
        %slice3A_245 = vector.extract_strided_slice %get3A_158 {offsets = [4], sizes = [1], strides = [1]} : vector<16xf32> to vector<1xf32>
        %squeeze3A_246 = vector.extract %slice3A_245[0] : f32 from vector<1xf32>
        %mul3A_247 = arith.constant 16 : i32
        %mul3A_248 = arith.muli %scan3A_153, %mul3A_247 : i32
        %add3A_249 = arith.constant 4 : i32
        %add3A_250 = arith.addi %mul3A_248, %add3A_249 : i32
        %get3A_251 = arith.index_cast %add3A_250 : i32 to index
        %get3A_252 = arith.constant 0 : index
        %get3A_253 = tpu.vector_load %arg15[%get3A_251, %get3A_252] {strides = array<i32>} : memref<688x32xf32, #tpu.memory_space<vmem>>, vector<16xf32>,
        %mul3A_254 = vector.broadcast %squeeze3A_246 : f32 to vector<16xf32>
        %mul3A_255 = arith.mulf %get3A_253, %mul3A_254 : vector<16xf32>
        %swap3A_256 = arith.index_cast %add3A_250 : i32 to index
        %swap3A_257 = arith.constant 0 : index
        %swap3A_258 = tpu.vector_load %arg15[%swap3A_256, %swap3A_257] {strides = array<i32>} : memref<688x32xf32, #tpu.memory_space<vmem>>, vector<16xf32>,
        tpu.vector_store %arg15[%swap3A_256, %swap3A_257], %mul3A_255 {strides = array<i32>} : memref<688x32xf32, #tpu.memory_space<vmem>>, vector<16xf32>,
        %get3A_259 = arith.index_cast %add3A_250 : i32 to index
        %get3A_260 = arith.constant 16 : index
        %get3A_261 = tpu.vector_load %arg15[%get3A_259, %get3A_260] {strides = array<i32>} : memref<688x32xf32, #tpu.memory_space<vmem>>, vector<16xf32>,
        %mul3A_262 = vector.broadcast %squeeze3A_246 : f32 to vector<16xf32>
        %mul3A_263 = arith.mulf %get3A_261, %mul3A_262 : vector<16xf32>
        %swap3A_264 = arith.index_cast %add3A_250 : i32 to index
        %swap3A_265 = arith.constant 16 : index
        %swap3A_266 = tpu.vector_load %arg15[%swap3A_264, %swap3A_265] {strides = array<i32>} : memref<688x32xf32, #tpu.memory_space<vmem>>, vector<16xf32>,
        tpu.vector_store %arg15[%swap3A_264, %swap3A_265], %mul3A_263 {strides = array<i32>} : memref<688x32xf32, #tpu.memory_space<vmem>>, vector<16xf32>,
        %slice3A_267 = vector.extract_strided_slice %get3A_158 {offsets = [5], sizes = [1], strides = [1]} : vector<16xf32> to vector<1xf32>
        %squeeze3A_268 = vector.extract %slice3A_267[0] : f32 from vector<1xf32>
        %mul3A_269 = arith.constant 16 : i32
        %mul3A_270 = arith.muli %scan3A_153, %mul3A_269 : i32
        %add3A_271 = arith.constant 5 : i32
        %add3A_272 = arith.addi %mul3A_270, %add3A_271 : i32
        %get3A_273 = arith.index_cast %add3A_272 : i32 to index
        %get3A_274 = arith.constant 0 : index
        %get3A_275 = tpu.vector_load %arg15[%get3A_273, %get3A_274] {strides = array<i32>} : memref<688x32xf32, #tpu.memory_space<vmem>>, vector<16xf32>,
        %mul3A_276 = vector.broadcast %squeeze3A_268 : f32 to vector<16xf32>
        %mul3A_277 = arith.mulf %get3A_275, %mul3A_276 : vector<16xf32>
        %swap3A_278 = arith.index_cast %add3A_272 : i32 to index
        %swap3A_279 = arith.constant 0 : index
        %swap3A_280 = tpu.vector_load %arg15[%swap3A_278, %swap3A_279] {strides = array<i32>} : memref<688x32xf32, #tpu.memory_space<vmem>>, vector<16xf32>,
        tpu.vector_store %arg15[%swap3A_278, %swap3A_279], %mul3A_277 {strides = array<i32>} : memref<688x32xf32, #tpu.memory_space<vmem>>, vector<16xf32>,
        %get3A_281 = arith.index_cast %add3A_272 : i32 to index
        %get3A_282 = arith.constant 16 : index
        %get3A_283 = tpu.vector_load %arg15[%get3A_281, %get3A_282] {strides = array<i32>} : memref<688x32xf32, #tpu.memory_space<vmem>>, vector<16xf32>,
        %mul3A_284 = vector.broadcast %squeeze3A_268 : f32 to vector<16xf32>
        %mul3A_285 = arith.mulf %get3A_283, %mul3A_284 : vector<16xf32>
        %swap3A_286 = arith.index_cast %add3A_272 : i32 to index
        %swap3A_287 = arith.constant 16 : index
        %swap3A_288 = tpu.vector_load %arg15[%swap3A_286, %swap3A_287] {strides = array<i32>} : memref<688x32xf32, #tpu.memory_space<vmem>>, vector<16xf32>,
        tpu.vector_store %arg15[%swap3A_286, %swap3A_287], %mul3A_285 {strides = array<i32>} : memref<688x32xf32, #tpu.memory_space<vmem>>, vector<16xf32>,
        %slice3A_289 = vector.extract_strided_slice %get3A_158 {offsets = [6], sizes = [1], strides = [1]} : vector<16xf32> to vector<1xf32>
        %squeeze3A_290 = vector.extract %slice3A_289[0] : f32 from vector<1xf32>
        %mul3A_291 = arith.constant 16 : i32
        %mul3A_292 = arith.muli %scan3A_153, %mul3A_291 : i32
        %add3A_293 = arith.constant 6 : i32
        %add3A_294 = arith.addi %mul3A_292, %add3A_293 : i32
        %get3A_295 = arith.index_cast %add3A_294 : i32 to index
        %get3A_296 = arith.constant 0 : index
        %get3A_297 = tpu.vector_load %arg15[%get3A_295, %get3A_296] {strides = array<i32>} : memref<688x32xf32, #tpu.memory_space<vmem>>, vector<16xf32>,
        %mul3A_298 = vector.broadcast %squeeze3A_290 : f32 to vector<16xf32>
        %mul3A_299 = arith.mulf %get3A_297, %mul3A_298 : vector<16xf32>
        %swap3A_300 = arith.index_cast %add3A_294 : i32 to index
        %swap3A_301 = arith.constant 0 : index
        %swap3A_302 = tpu.vector_load %arg15[%swap3A_300, %swap3A_301] {strides = array<i32>} : memref<688x32xf32, #tpu.memory_space<vmem>>, vector<16xf32>,
        tpu.vector_store %arg15[%swap3A_300, %swap3A_301], %mul3A_299 {strides = array<i32>} : memref<688x32xf32, #tpu.memory_space<vmem>>, vector<16xf32>,
        %get3A_303 = arith.index_cast %add3A_294 : i32 to index
        %get3A_304 = arith.constant 16 : index
        %get3A_305 = tpu.vector_load %arg15[%get3A_303, %get3A_304] {strides = array<i32>} : memref<688x32xf32, #tpu.memory_space<vmem>>, vector<16xf32>,
        %mul3A_306 = vector.broadcast %squeeze3A_290 : f32 to vector<16xf32>
        %mul3A_307 = arith.mulf %get3A_305, %mul3A_306 : vector<16xf32>
        %swap3A_308 = arith.index_cast %add3A_294 : i32 to index
        %swap3A_309 = arith.constant 16 : index
        %swap3A_310 = tpu.vector_load %arg15[%swap3A_308, %swap3A_309] {strides = array<i32>} : memref<688x32xf32, #tpu.memory_space<vmem>>, vector<16xf32>,
        tpu.vector_store %arg15[%swap3A_308, %swap3A_309], %mul3A_307 {strides = array<i32>} : memref<688x32xf32, #tpu.memory_space<vmem>>, vector<16xf32>,
        %slice3A_311 = vector.extract_strided_slice %get3A_158 {offsets = [7], sizes = [1], strides = [1]} : vector<16xf32> to vector<1xf32>
        %squeeze3A_312 = vector.extract %slice3A_311[0] : f32 from vector<1xf32>
        %mul3A_313 = arith.constant 16 : i32
        %mul3A_314 = arith.muli %scan3A_153, %mul3A_313 : i32
        %add3A_315 = arith.constant 7 : i32
        %add3A_316 = arith.addi %mul3A_314, %add3A_315 : i32
        %get3A_317 = arith.index_cast %add3A_316 : i32 to index
        %get3A_318 = arith.constant 0 : index
        %get3A_319 = tpu.vector_load %arg15[%get3A_317, %get3A_318] {strides = array<i32>} : memref<688x32xf32, #tpu.memory_space<vmem>>, vector<16xf32>,
        %mul3A_320 = vector.broadcast %squeeze3A_312 : f32 to vector<16xf32>
        %mul3A_321 = arith.mulf %get3A_319, %mul3A_320 : vector<16xf32>
        %swap3A_322 = arith.index_cast %add3A_316 : i32 to index
        %swap3A_323 = arith.constant 0 : index
        %swap3A_324 = tpu.vector_load %arg15[%swap3A_322, %swap3A_323] {strides = array<i32>} : memref<688x32xf32, #tpu.memory_space<vmem>>, vector<16xf32>,
        tpu.vector_store %arg15[%swap3A_322, %swap3A_323], %mul3A_321 {strides = array<i32>} : memref<688x32xf32, #tpu.memory_space<vmem>>, vector<16xf32>,
        %get3A_325 = arith.index_cast %add3A_316 : i32 to index
        %get3A_326 = arith.constant 16 : index
        %get3A_327 = tpu.vector_load %arg15[%get3A_325, %get3A_326] {strides = array<i32>} : memref<688x32xf32, #tpu.memory_space<vmem>>, vector<16xf32>,
        %mul3A_328 = vector.broadcast %squeeze3A_312 : f32 to vector<16xf32>
        %mul3A_329 = arith.mulf %get3A_327, %mul3A_328 : vector<16xf32>
        %swap3A_330 = arith.index_cast %add3A_316 : i32 to index
        %swap3A_331 = arith.constant 16 : index
        %swap3A_332 = tpu.vector_load %arg15[%swap3A_330, %swap3A_331] {strides = array<i32>} : memref<688x32xf32, #tpu.memory_space<vmem>>, vector<16xf32>,
        tpu.vector_store %arg15[%swap3A_330, %swap3A_331], %mul3A_329 {strides = array<i32>} : memref<688x32xf32, #tpu.memory_space<vmem>>, vector<16xf32>,
        %slice3A_333 = vector.extract_strided_slice %get3A_158 {offsets = [8], sizes = [1], strides = [1]} : vector<16xf32> to vector<1xf32>
        %squeeze3A_334 = vector.extract %slice3A_333[0] : f32 from vector<1xf32>
        %mul3A_335 = arith.constant 16 : i32
        %mul3A_336 = arith.muli %scan3A_153, %mul3A_335 : i32
        %add3A_337 = arith.constant 8 : i32
        %add3A_338 = arith.addi %mul3A_336, %add3A_337 : i32
        %get3A_339 = arith.index_cast %add3A_338 : i32 to index
        %get3A_340 = arith.constant 0 : index
        %get3A_341 = tpu.vector_load %arg15[%get3A_339, %get3A_340] {strides = array<i32>} : memref<688x32xf32, #tpu.memory_space<vmem>>, vector<16xf32>,
        %mul3A_342 = vector.broadcast %squeeze3A_334 : f32 to vector<16xf32>
        %mul3A_343 = arith.mulf %get3A_341, %mul3A_342 : vector<16xf32>
        %swap3A_344 = arith.index_cast %add3A_338 : i32 to index
        %swap3A_345 = arith.constant 0 : index
        %swap3A_346 = tpu.vector_load %arg15[%swap3A_344, %swap3A_345] {strides = array<i32>} : memref<688x32xf32, #tpu.memory_space<vmem>>, vector<16xf32>,
        tpu.vector_store %arg15[%swap3A_344, %swap3A_345], %mul3A_343 {strides = array<i32>} : memref<688x32xf32, #tpu.memory_space<vmem>>, vector<16xf32>,
        %get3A_347 = arith.index_cast %add3A_338 : i32 to index
        %get3A_348 = arith.constant 16 : index
        %get3A_349 = tpu.vector_load %arg15[%get3A_347, %get3A_348] {strides = array<i32>} : memref<688x32xf32, #tpu.memory_space<vmem>>, vector<16xf32>,
        %mul3A_350 = vector.broadcast %squeeze3A_334 : f32 to vector<16xf32>
        %mul3A_351 = arith.mulf %get3A_349, %mul3A_350 : vector<16xf32>
        %swap3A_352 = arith.index_cast %add3A_338 : i32 to index
        %swap3A_353 = arith.constant 16 : index
        %swap3A_354 = tpu.vector_load %arg15[%swap3A_352, %swap3A_353] {strides = array<i32>} : memref<688x32xf32, #tpu.memory_space<vmem>>, vector<16xf32>,
        tpu.vector_store %arg15[%swap3A_352, %swap3A_353], %mul3A_351 {strides = array<i32>} : memref<688x32xf32, #tpu.memory_space<vmem>>, vector<16xf32>,
        %slice3A_355 = vector.extract_strided_slice %get3A_158 {offsets = [9], sizes = [1], strides = [1]} : vector<16xf32> to vector<1xf32>
        %squeeze3A_356 = vector.extract %slice3A_355[0] : f32 from vector<1xf32>
        %mul3A_357 = arith.constant 16 : i32
        %mul3A_358 = arith.muli %scan3A_153, %mul3A_357 : i32
        %add3A_359 = arith.constant 9 : i32
        %add3A_360 = arith.addi %mul3A_358, %add3A_359 : i32
        %get3A_361 = arith.index_cast %add3A_360 : i32 to index
        %get3A_362 = arith.constant 0 : index
        %get3A_363 = tpu.vector_load %arg15[%get3A_361, %get3A_362] {strides = array<i32>} : memref<688x32xf32, #tpu.memory_space<vmem>>, vector<16xf32>,
        %mul3A_364 = vector.broadcast %squeeze3A_356 : f32 to vector<16xf32>
        %mul3A_365 = arith.mulf %get3A_363, %mul3A_364 : vector<16xf32>
        %swap3A_366 = arith.index_cast %add3A_360 : i32 to index
        %swap3A_367 = arith.constant 0 : index
        %swap3A_368 = tpu.vector_load %arg15[%swap3A_366, %swap3A_367] {strides = array<i32>} : memref<688x32xf32, #tpu.memory_space<vmem>>, vector<16xf32>,
        tpu.vector_store %arg15[%swap3A_366, %swap3A_367], %mul3A_365 {strides = array<i32>} : memref<688x32xf32, #tpu.memory_space<vmem>>, vector<16xf32>,
        %get3A_369 = arith.index_cast %add3A_360 : i32 to index
        %get3A_370 = arith.constant 16 : index
        %get3A_371 = tpu.vector_load %arg15[%get3A_369, %get3A_370] {strides = array<i32>} : memref<688x32xf32, #tpu.memory_space<vmem>>, vector<16xf32>,
        %mul3A_372 = vector.broadcast %squeeze3A_356 : f32 to vector<16xf32>
        %mul3A_373 = arith.mulf %get3A_371, %mul3A_372 : vector<16xf32>
        %swap3A_374 = arith.index_cast %add3A_360 : i32 to index
        %swap3A_375 = arith.constant 16 : index
        %swap3A_376 = tpu.vector_load %arg15[%swap3A_374, %swap3A_375] {strides = array<i32>} : memref<688x32xf32, #tpu.memory_space<vmem>>, vector<16xf32>,
        tpu.vector_store %arg15[%swap3A_374, %swap3A_375], %mul3A_373 {strides = array<i32>} : memref<688x32xf32, #tpu.memory_space<vmem>>, vector<16xf32>,
        %slice3A_377 = vector.extract_strided_slice %get3A_158 {offsets = [10], sizes = [1], strides = [1]} : vector<16xf32> to vector<1xf32>
        %squeeze3A_378 = vector.extract %slice3A_377[0] : f32 from vector<1xf32>
        %mul3A_379 = arith.constant 16 : i32
        %mul3A_380 = arith.muli %scan3A_153, %mul3A_379 : i32
        %add3A_381 = arith.constant 10 : i32
        %add3A_382 = arith.addi %mul3A_380, %add3A_381 : i32
        %get3A_383 = arith.index_cast %add3A_382 : i32 to index
        %get3A_384 = arith.constant 0 : index
        %get3A_385 = tpu.vector_load %arg15[%get3A_383, %get3A_384] {strides = array<i32>} : memref<688x32xf32, #tpu.memory_space<vmem>>, vector<16xf32>,
        %mul3A_386 = vector.broadcast %squeeze3A_378 : f32 to vector<16xf32>
        %mul3A_387 = arith.mulf %get3A_385, %mul3A_386 : vector<16xf32>
        %swap3A_388 = arith.index_cast %add3A_382 : i32 to index
        %swap3A_389 = arith.constant 0 : index
        %swap3A_390 = tpu.vector_load %arg15[%swap3A_388, %swap3A_389] {strides = array<i32>} : memref<688x32xf32, #tpu.memory_space<vmem>>, vector<16xf32>,
        tpu.vector_store %arg15[%swap3A_388, %swap3A_389], %mul3A_387 {strides = array<i32>} : memref<688x32xf32, #tpu.memory_space<vmem>>, vector<16xf32>,
        %get3A_391 = arith.index_cast %add3A_382 : i32 to index
        %get3A_392 = arith.constant 16 : index
        %get3A_393 = tpu.vector_load %arg15[%get3A_391, %get3A_392] {strides = array<i32>} : memref<688x32xf32, #tpu.memory_space<vmem>>, vector<16xf32>,
        %mul3A_394 = vector.broadcast %squeeze3A_378 : f32 to vector<16xf32>
        %mul3A_395 = arith.mulf %get3A_393, %mul3A_394 : vector<16xf32>
        %swap3A_396 = arith.index_cast %add3A_382 : i32 to index
        %swap3A_397 = arith.constant 16 : index
        %swap3A_398 = tpu.vector_load %arg15[%swap3A_396, %swap3A_397] {strides = array<i32>} : memref<688x32xf32, #tpu.memory_space<vmem>>, vector<16xf32>,
        tpu.vector_store %arg15[%swap3A_396, %swap3A_397], %mul3A_395 {strides = array<i32>} : memref<688x32xf32, #tpu.memory_space<vmem>>, vector<16xf32>,
        %slice3A_399 = vector.extract_strided_slice %get3A_158 {offsets = [11], sizes = [1], strides = [1]} : vector<16xf32> to vector<1xf32>
        %squeeze3A_400 = vector.extract %slice3A_399[0] : f32 from vector<1xf32>
        %mul3A_401 = arith.constant 16 : i32
        %mul3A_402 = arith.muli %scan3A_153, %mul3A_401 : i32
        %add3A_403 = arith.constant 11 : i32
        %add3A_404 = arith.addi %mul3A_402, %add3A_403 : i32
        %get3A_405 = arith.index_cast %add3A_404 : i32 to index
        %get3A_406 = arith.constant 0 : index
        %get3A_407 = tpu.vector_load %arg15[%get3A_405, %get3A_406] {strides = array<i32>} : memref<688x32xf32, #tpu.memory_space<vmem>>, vector<16xf32>,
        %mul3A_408 = vector.broadcast %squeeze3A_400 : f32 to vector<16xf32>
        %mul3A_409 = arith.mulf %get3A_407, %mul3A_408 : vector<16xf32>
        %swap3A_410 = arith.index_cast %add3A_404 : i32 to index
        %swap3A_411 = arith.constant 0 : index
        %swap3A_412 = tpu.vector_load %arg15[%swap3A_410, %swap3A_411] {strides = array<i32>} : memref<688x32xf32, #tpu.memory_space<vmem>>, vector<16xf32>,
        tpu.vector_store %arg15[%swap3A_410, %swap3A_411], %mul3A_409 {strides = array<i32>} : memref<688x32xf32, #tpu.memory_space<vmem>>, vector<16xf32>,
        %get3A_413 = arith.index_cast %add3A_404 : i32 to index
        %get3A_414 = arith.constant 16 : index
        %get3A_415 = tpu.vector_load %arg15[%get3A_413, %get3A_414] {strides = array<i32>} : memref<688x32xf32, #tpu.memory_space<vmem>>, vector<16xf32>,
        %mul3A_416 = vector.broadcast %squeeze3A_400 : f32 to vector<16xf32>
        %mul3A_417 = arith.mulf %get3A_415, %mul3A_416 : vector<16xf32>
        %swap3A_418 = arith.index_cast %add3A_404 : i32 to index
        %swap3A_419 = arith.constant 16 : index
        %swap3A_420 = tpu.vector_load %arg15[%swap3A_418, %swap3A_419] {strides = array<i32>} : memref<688x32xf32, #tpu.memory_space<vmem>>, vector<16xf32>,
        tpu.vector_store %arg15[%swap3A_418, %swap3A_419], %mul3A_417 {strides = array<i32>} : memref<688x32xf32, #tpu.memory_space<vmem>>, vector<16xf32>,
        %slice3A_421 = vector.extract_strided_slice %get3A_158 {offsets = [12], sizes = [1], strides = [1]} : vector<16xf32> to vector<1xf32>
        %squeeze3A_422 = vector.extract %slice3A_421[0] : f32 from vector<1xf32>
        %mul3A_423 = arith.constant 16 : i32
        %mul3A_424 = arith.muli %scan3A_153, %mul3A_423 : i32
        %add3A_425 = arith.constant 12 : i32
        %add3A_426 = arith.addi %mul3A_424, %add3A_425 : i32
        %get3A_427 = arith.index_cast %add3A_426 : i32 to index
        %get3A_428 = arith.constant 0 : index
        %get3A_429 = tpu.vector_load %arg15[%get3A_427, %get3A_428] {strides = array<i32>} : memref<688x32xf32, #tpu.memory_space<vmem>>, vector<16xf32>,
        %mul3A_430 = vector.broadcast %squeeze3A_422 : f32 to vector<16xf32>
        %mul3A_431 = arith.mulf %get3A_429, %mul3A_430 : vector<16xf32>
        %swap3A_432 = arith.index_cast %add3A_426 : i32 to index
        %swap3A_433 = arith.constant 0 : index
        %swap3A_434 = tpu.vector_load %arg15[%swap3A_432, %swap3A_433] {strides = array<i32>} : memref<688x32xf32, #tpu.memory_space<vmem>>, vector<16xf32>,
        tpu.vector_store %arg15[%swap3A_432, %swap3A_433], %mul3A_431 {strides = array<i32>} : memref<688x32xf32, #tpu.memory_space<vmem>>, vector<16xf32>,
        %get3A_435 = arith.index_cast %add3A_426 : i32 to index
        %get3A_436 = arith.constant 16 : index
        %get3A_437 = tpu.vector_load %arg15[%get3A_435, %get3A_436] {strides = array<i32>} : memref<688x32xf32, #tpu.memory_space<vmem>>, vector<16xf32>,
        %mul3A_438 = vector.broadcast %squeeze3A_422 : f32 to vector<16xf32>
        %mul3A_439 = arith.mulf %get3A_437, %mul3A_438 : vector<16xf32>
        %swap3A_440 = arith.index_cast %add3A_426 : i32 to index
        %swap3A_441 = arith.constant 16 : index
        %swap3A_442 = tpu.vector_load %arg15[%swap3A_440, %swap3A_441] {strides = array<i32>} : memref<688x32xf32, #tpu.memory_space<vmem>>, vector<16xf32>,
        tpu.vector_store %arg15[%swap3A_440, %swap3A_441], %mul3A_439 {strides = array<i32>} : memref<688x32xf32, #tpu.memory_space<vmem>>, vector<16xf32>,
        %slice3A_443 = vector.extract_strided_slice %get3A_158 {offsets = [13], sizes = [1], strides = [1]} : vector<16xf32> to vector<1xf32>
        %squeeze3A_444 = vector.extract %slice3A_443[0] : f32 from vector<1xf32>
        %mul3A_445 = arith.constant 16 : i32
        %mul3A_446 = arith.muli %scan3A_153, %mul3A_445 : i32
        %add3A_447 = arith.constant 13 : i32
        %add3A_448 = arith.addi %mul3A_446, %add3A_447 : i32
        %get3A_449 = arith.index_cast %add3A_448 : i32 to index
        %get3A_450 = arith.constant 0 : index
        %get3A_451 = tpu.vector_load %arg15[%get3A_449, %get3A_450] {strides = array<i32>} : memref<688x32xf32, #tpu.memory_space<vmem>>, vector<16xf32>,
        %mul3A_452 = vector.broadcast %squeeze3A_444 : f32 to vector<16xf32>
        %mul3A_453 = arith.mulf %get3A_451, %mul3A_452 : vector<16xf32>
        %swap3A_454 = arith.index_cast %add3A_448 : i32 to index
        %swap3A_455 = arith.constant 0 : index
        %swap3A_456 = tpu.vector_load %arg15[%swap3A_454, %swap3A_455] {strides = array<i32>} : memref<688x32xf32, #tpu.memory_space<vmem>>, vector<16xf32>,
        tpu.vector_store %arg15[%swap3A_454, %swap3A_455], %mul3A_453 {strides = array<i32>} : memref<688x32xf32, #tpu.memory_space<vmem>>, vector<16xf32>,
        %get3A_457 = arith.index_cast %add3A_448 : i32 to index
        %get3A_458 = arith.constant 16 : index
        %get3A_459 = tpu.vector_load %arg15[%get3A_457, %get3A_458] {strides = array<i32>} : memref<688x32xf32, #tpu.memory_space<vmem>>, vector<16xf32>,
        %mul3A_460 = vector.broadcast %squeeze3A_444 : f32 to vector<16xf32>
        %mul3A_461 = arith.mulf %get3A_459, %mul3A_460 : vector<16xf32>
        %swap3A_462 = arith.index_cast %add3A_448 : i32 to index
        %swap3A_463 = arith.constant 16 : index
        %swap3A_464 = tpu.vector_load %arg15[%swap3A_462, %swap3A_463] {strides = array<i32>} : memref<688x32xf32, #tpu.memory_space<vmem>>, vector<16xf32>,
        tpu.vector_store %arg15[%swap3A_462, %swap3A_463], %mul3A_461 {strides = array<i32>} : memref<688x32xf32, #tpu.memory_space<vmem>>, vector<16xf32>,
        %slice3A_465 = vector.extract_strided_slice %get3A_158 {offsets = [14], sizes = [1], strides = [1]} : vector<16xf32> to vector<1xf32>
        %squeeze3A_466 = vector.extract %slice3A_465[0] : f32 from vector<1xf32>
        %mul3A_467 = arith.constant 16 : i32
        %mul3A_468 = arith.muli %scan3A_153, %mul3A_467 : i32
        %add3A_469 = arith.constant 14 : i32
        %add3A_470 = arith.addi %mul3A_468, %add3A_469 : i32
        %get3A_471 = arith.index_cast %add3A_470 : i32 to index
        %get3A_472 = arith.constant 0 : index
        %get3A_473 = tpu.vector_load %arg15[%get3A_471, %get3A_472] {strides = array<i32>} : memref<688x32xf32, #tpu.memory_space<vmem>>, vector<16xf32>,
        %mul3A_474 = vector.broadcast %squeeze3A_466 : f32 to vector<16xf32>
        %mul3A_475 = arith.mulf %get3A_473, %mul3A_474 : vector<16xf32>
        %swap3A_476 = arith.index_cast %add3A_470 : i32 to index
        %swap3A_477 = arith.constant 0 : index
        %swap3A_478 = tpu.vector_load %arg15[%swap3A_476, %swap3A_477] {strides = array<i32>} : memref<688x32xf32, #tpu.memory_space<vmem>>, vector<16xf32>,
        tpu.vector_store %arg15[%swap3A_476, %swap3A_477], %mul3A_475 {strides = array<i32>} : memref<688x32xf32, #tpu.memory_space<vmem>>, vector<16xf32>,
        %get3A_479 = arith.index_cast %add3A_470 : i32 to index
        %get3A_480 = arith.constant 16 : index
        %get3A_481 = tpu.vector_load %arg15[%get3A_479, %get3A_480] {strides = array<i32>} : memref<688x32xf32, #tpu.memory_space<vmem>>, vector<16xf32>,
        %mul3A_482 = vector.broadcast %squeeze3A_466 : f32 to vector<16xf32>
        %mul3A_483 = arith.mulf %get3A_481, %mul3A_482 : vector<16xf32>
        %swap3A_484 = arith.index_cast %add3A_470 : i32 to index
        %swap3A_485 = arith.constant 16 : index
        %swap3A_486 = tpu.vector_load %arg15[%swap3A_484, %swap3A_485] {strides = array<i32>} : memref<688x32xf32, #tpu.memory_space<vmem>>, vector<16xf32>,
        tpu.vector_store %arg15[%swap3A_484, %swap3A_485], %mul3A_483 {strides = array<i32>} : memref<688x32xf32, #tpu.memory_space<vmem>>, vector<16xf32>,
        %slice3A_487 = vector.extract_strided_slice %get3A_158 {offsets = [15], sizes = [1], strides = [1]} : vector<16xf32> to vector<1xf32>
        %squeeze3A_488 = vector.extract %slice3A_487[0] : f32 from vector<1xf32>
        %mul3A_489 = arith.constant 16 : i32
        %mul3A_490 = arith.muli %scan3A_153, %mul3A_489 : i32
        %add3A_491 = arith.constant 15 : i32
        %add3A_492 = arith.addi %mul3A_490, %add3A_491 : i32
        %get3A_493 = arith.index_cast %add3A_492 : i32 to index
        %get3A_494 = arith.constant 0 : index
        %get3A_495 = tpu.vector_load %arg15[%get3A_493, %get3A_494] {strides = array<i32>} : memref<688x32xf32, #tpu.memory_space<vmem>>, vector<16xf32>,
        %mul3A_496 = vector.broadcast %squeeze3A_488 : f32 to vector<16xf32>
        %mul3A_497 = arith.mulf %get3A_495, %mul3A_496 : vector<16xf32>
        %swap3A_498 = arith.index_cast %add3A_492 : i32 to index
        %swap3A_499 = arith.constant 0 : index
        %swap3A_500 = tpu.vector_load %arg15[%swap3A_498, %swap3A_499] {strides = array<i32>} : memref<688x32xf32, #tpu.memory_space<vmem>>, vector<16xf32>,
        tpu.vector_store %arg15[%swap3A_498, %swap3A_499], %mul3A_497 {strides = array<i32>} : memref<688x32xf32, #tpu.memory_space<vmem>>, vector<16xf32>,
        %get3A_501 = arith.index_cast %add3A_492 : i32 to index
        %get3A_502 = arith.constant 16 : index
        %get3A_503 = tpu.vector_load %arg15[%get3A_501, %get3A_502] {strides = array<i32>} : memref<688x32xf32, #tpu.memory_space<vmem>>, vector<16xf32>,
        %mul3A_504 = vector.broadcast %squeeze3A_488 : f32 to vector<16xf32>
        %mul3A_505 = arith.mulf %get3A_503, %mul3A_504 : vector<16xf32>
        %swap3A_506 = arith.index_cast %add3A_492 : i32 to index
        %swap3A_507 = arith.constant 16 : index
        %swap3A_508 = tpu.vector_load %arg15[%swap3A_506, %swap3A_507] {strides = array<i32>} : memref<688x32xf32, #tpu.memory_space<vmem>>, vector<16xf32>,
        tpu.vector_store %arg15[%swap3A_506, %swap3A_507], %mul3A_505 {strides = array<i32>} : memref<688x32xf32, #tpu.memory_space<vmem>>, vector<16xf32>,
        %scan3A_509 = arith.constant 0 : i32
        scf.yield %scan3A_509 : i32
      }
      %scan3A_151 = arith.constant 43 : i32
      "tpu.region"() ({
        %run_scoped3A = tpu.sem_alloc : memref<!tpu.dma_semaphore, #tpu.memory_space<semaphore_mem>>
        %dma_start3A_153 = arith.constant 0 : i32
        %dma_start3A_154 = arith.constant 0 : i32
        %dma_start3A_155 = tpu.memref_slice %arg17[%dma_start3A_153, %dma_start3A_154] : memref<10240x32xf32, #tpu.memory_space<vmem_shared>> -> memref<10240x32xf32, #tpu.memory_space<vmem_shared>>
        tpu.enqueue_indirect_dma source(%arg15 : memref<688x32xf32, #tpu.memory_space<vmem>>) target(%dma_start3A_155 : memref<10240x32xf32, #tpu.memory_space<vmem_shared>>) offsets(%arg11 : memref<688xi32, #tpu.memory_space<vmem>>) semaphore(%run_scoped3A : memref<!tpu.dma_semaphore, #tpu.memory_space<semaphore_mem>>) {add = true}
        %dma_wait3A_156 = arith.constant 0 : i32
        %dma_wait3A_157 = arith.constant 0 : i32
        %dma_wait3A_158 = tpu.memref_slice %arg17[%dma_wait3A_156, %dma_wait3A_157] : memref<10240x32xf32, #tpu.memory_space<vmem_shared>> -> memref<10240x32xf32, #tpu.memory_space<vmem_shared>>
        tpu.wait_indirect_dma semaphore(%run_scoped3A : memref<!tpu.dma_semaphore, #tpu.memory_space<semaphore_mem>>) src(%arg15 : memref<688x32xf32, #tpu.memory_space<vmem>>) dst(%dma_wait3A_158 : memref<10240x32xf32, #tpu.memory_space<vmem_shared>>)
        tpu.yield
      }) : () -> ()
      %scan3A_152 = arith.constant 0 : i32
      scf.yield %scan3A_152 : i32
    }
    %scan3A_43 = arith.constant 30 : i32
    %barrier3A_44 = arith.constant 0 : index
    tpu.barrier barrier_id(%barrier3A_44)
    %mul3A_45 = arith.constant 640 : i32
    %mul3A_46 = arith.muli %arg1, %mul3A_45 : i32
    %eq3A = arith.constant 0 : i32
    %eq3A_47 = arith.cmpi eq, %arg0, %eq3A : i32
    %convert_element_type3A = arith.extui %eq3A_47 : i1 to i32
    %cond3A = arith.constant 0 : i32
    %cond3A_48 = arith.cmpi ne, %convert_element_type3A, %cond3A : i32
    scf.if %cond3A_48 {
      "tpu.region"() ({
        %run_scoped3A = tpu.sem_alloc : memref<!tpu.dma_semaphore, #tpu.memory_space<semaphore_mem>>
        %dma_start3A = tpu.memref_slice %arg7[%mul3A_46] : memref<10240xf32, #tpu.memory_space<hbm>> -> memref<640xf32, #tpu.memory_space<hbm>>
        %dma_start3A_54 = tpu.memref_slice %arg16[%mul3A_46] : memref<10240xf32, #tpu.memory_space<vmem_shared>> -> memref<640xf32, #tpu.memory_space<vmem_shared>>
        tpu.enqueue_dma source(%dma_start3A_54 : memref<640xf32, #tpu.memory_space<vmem_shared>>) target(%dma_start3A : memref<640xf32, #tpu.memory_space<hbm>>) target_semaphore(%run_scoped3A : memref<!tpu.dma_semaphore, #tpu.memory_space<semaphore_mem>>)
        %dma_wait3A = tpu.memref_slice %arg7[%mul3A_46] : memref<10240xf32, #tpu.memory_space<hbm>> -> memref<640xf32, #tpu.memory_space<hbm>>
        %dma_wait3A_55 = tpu.memref_slice %arg16[%mul3A_46] : memref<10240xf32, #tpu.memory_space<vmem_shared>> -> memref<640xf32, #tpu.memory_space<vmem_shared>>
        tpu.wait_dma2 semaphore(%run_scoped3A : memref<!tpu.dma_semaphore, #tpu.memory_space<semaphore_mem>>) src(%dma_wait3A_55 : memref<640xf32, #tpu.memory_space<vmem_shared>>) dst(%dma_wait3A : memref<640xf32, #tpu.memory_space<hbm>>)
        tpu.yield
      }) : () -> ()
      "tpu.region"() ({
        %run_scoped3A = tpu.sem_alloc : memref<!tpu.dma_semaphore, #tpu.memory_space<semaphore_mem>>
        %dma_start3A = arith.constant 0 : i32
        %dma_start3A_54 = tpu.memref_slice %arg8[%mul3A_46, %dma_start3A] : memref<10240x32xf32, #tpu.memory_space<hbm>> -> memref<640x32xf32, #tpu.memory_space<hbm>>
        %dma_start3A_55 = arith.constant 0 : i32
        %dma_start3A_56 = tpu.memref_slice %arg17[%mul3A_46, %dma_start3A_55] : memref<10240x32xf32, #tpu.memory_space<vmem_shared>> -> memref<640x32xf32, #tpu.memory_space<vmem_shared>>
        tpu.enqueue_dma source(%dma_start3A_56 : memref<640x32xf32, #tpu.memory_space<vmem_shared>>) target(%dma_start3A_54 : memref<640x32xf32, #tpu.memory_space<hbm>>) target_semaphore(%run_scoped3A : memref<!tpu.dma_semaphore, #tpu.memory_space<semaphore_mem>>)
        %dma_wait3A = arith.constant 0 : i32
        %dma_wait3A_57 = tpu.memref_slice %arg8[%mul3A_46, %dma_wait3A] : memref<10240x32xf32, #tpu.memory_space<hbm>> -> memref<640x32xf32, #tpu.memory_space<hbm>>
        %dma_wait3A_58 = arith.constant 0 : i32
        %dma_wait3A_59 = tpu.memref_slice %arg17[%mul3A_46, %dma_wait3A_58] : memref<10240x32xf32, #tpu.memory_space<vmem_shared>> -> memref<640x32xf32, #tpu.memory_space<vmem_shared>>
        tpu.wait_dma2 semaphore(%run_scoped3A : memref<!tpu.dma_semaphore, #tpu.memory_space<semaphore_mem>>) src(%dma_wait3A_59 : memref<640x32xf32, #tpu.memory_space<vmem_shared>>) dst(%dma_wait3A_57 : memref<640x32xf32, #tpu.memory_space<hbm>>)
        tpu.yield
      }) : () -> ()
    } else {
    }
    %eq3A_49 = arith.constant 1 : i32
    %eq3A_50 = arith.cmpi eq, %arg0, %eq3A_49 : i32
    %convert_element_type3A_51 = arith.extui %eq3A_50 : i1 to i32
    %cond3A_52 = arith.constant 0 : i32
    %cond3A_53 = arith.cmpi ne, %convert_element_type3A_51, %cond3A_52 : i32
    scf.if %cond3A_53 {
      "tpu.region"() ({
        %run_scoped3A = tpu.sem_alloc : memref<!tpu.dma_semaphore, #tpu.memory_space<semaphore_mem>>
        %dma_start3A = arith.constant 0 : i32
        %dma_start3A_54 = tpu.memref_slice %arg9[%mul3A_46, %dma_start3A] : memref<10240x32xf32, #tpu.memory_space<hbm>> -> memref<640x32xf32, #tpu.memory_space<hbm>>
        %dma_start3A_55 = arith.constant 0 : i32
        %dma_start3A_56 = tpu.memref_slice %arg17[%mul3A_46, %dma_start3A_55] : memref<10240x32xf32, #tpu.memory_space<vmem_shared>> -> memref<640x32xf32, #tpu.memory_space<vmem_shared>>
        tpu.enqueue_dma source(%dma_start3A_56 : memref<640x32xf32, #tpu.memory_space<vmem_shared>>) target(%dma_start3A_54 : memref<640x32xf32, #tpu.memory_space<hbm>>) target_semaphore(%run_scoped3A : memref<!tpu.dma_semaphore, #tpu.memory_space<semaphore_mem>>)
        %dma_wait3A = arith.constant 0 : i32
        %dma_wait3A_57 = tpu.memref_slice %arg9[%mul3A_46, %dma_wait3A] : memref<10240x32xf32, #tpu.memory_space<hbm>> -> memref<640x32xf32, #tpu.memory_space<hbm>>
        %dma_wait3A_58 = arith.constant 0 : i32
        %dma_wait3A_59 = tpu.memref_slice %arg17[%mul3A_46, %dma_wait3A_58] : memref<10240x32xf32, #tpu.memory_space<vmem_shared>> -> memref<640x32xf32, #tpu.memory_space<vmem_shared>>
        tpu.wait_dma2 semaphore(%run_scoped3A : memref<!tpu.dma_semaphore, #tpu.memory_space<semaphore_mem>>) src(%dma_wait3A_59 : memref<640x32xf32, #tpu.memory_space<vmem_shared>>) dst(%dma_wait3A_57 : memref<640x32xf32, #tpu.memory_space<hbm>>)
        tpu.yield
      }) : () -> ()
    } else {
    }
    return
  }
}

#map = affine_map<(d0, d1) -> (0)>
#map1 = affine_map<(d0, d1) -> (0, 0)>
#map2 = affine_map<(d0, d1) -> (0, 0, 0)>
module attributes {stable_mosaic.version = 14 : i64} {
  func.func @_sc1_body(%arg0: i32, %arg1: i32, %arg2: memref<330240xi32, #tpu.memory_space<hbm>>, %arg3: memref<330240xi32, #tpu.memory_space<hbm>>, %arg4: memref<10240x16xf32, #tpu.memory_space<hbm>>, %arg5: memref<10240x16xf32, #tpu.memory_space<hbm>>, %arg6: memref<2x10240x64xf32, #tpu.memory_space<hbm>>, %arg7: memref<10240x16xf32, #tpu.memory_space<hbm>>, %arg8: memref<10240x64xf32, #tpu.memory_space<hbm>>, %arg9: memref<10240x64xf32, #tpu.memory_space<hbm>>, %arg10: memref<688xi32, #tpu.memory_space<vmem>>, %arg11: memref<688xi32, #tpu.memory_space<vmem>>, %arg12: memref<688x16xf32, #tpu.memory_space<vmem>>, %arg13: memref<688x16xf32, #tpu.memory_space<vmem>>, %arg14: memref<688x16xf32, #tpu.memory_space<vmem>>, %arg15: memref<688x64xf32, #tpu.memory_space<vmem>>, %arg16: memref<10240x16xf32, #tpu.memory_space<vmem_shared>>, %arg17: memref<10240x64xf32, #tpu.memory_space<vmem_shared>>, %arg18: memref<!tpu.dma_semaphore, #tpu.memory_space<semaphore_mem>>, %arg19: memref<!tpu.dma_semaphore, #tpu.memory_space<semaphore_mem>>, %arg20: memref<!tpu.dma_semaphore, #tpu.memory_space<semaphore_mem>>) attributes {dimension_semantics = [#tpu.dimension_semantics<core_parallel>, #tpu.dimension_semantics<subcore_parallel>], iteration_bounds = array<i64: 2, 16>, scalar_prefetch = 0 : i64, scratch_operands = 11 : i64, tpu.core_type = #tpu.core_type<sc_vector_subcore>, window_params = [{transform_indices = #map}, {transform_indices = #map}, {transform_indices = #map1}, {transform_indices = #map1}, {transform_indices = #map2}, {transform_indices = #map1}, {transform_indices = #map1}, {transform_indices = #map1}]} {
    %broadcast_in_dim3A = arith.constant 0.000000e+00 : f32
    %broadcast_in_dim3A_0 = vector.broadcast %broadcast_in_dim3A : f32 to vector<16xf32>
    %scan3A = arith.constant 0 : i32
    %scan3A_1 = arith.constant 0 : i32
    %scan3A_2 = arith.constant 640 : i32
    %scan3A_3 = arith.addi %scan3A_1, %scan3A_2 : i32
    %scan3A_4 = arith.constant 2 : i32
    %scan3A_5 = scf.for %scan3A_40 = %scan3A_1 to %scan3A_3 step %scan3A_4 iter_args(%scan3A_41 = %scan3A) -> (i32)  : i32 {
      %swap3A = arith.index_cast %scan3A_40 : i32 to index
      %swap3A_42 = arith.constant 0 : index
      %swap3A_43 = tpu.vector_load %arg15[%swap3A, %swap3A_42] {strides = array<i32>} : memref<688x64xf32, #tpu.memory_space<vmem>>, vector<16xf32>,
      tpu.vector_store %arg15[%swap3A, %swap3A_42], %broadcast_in_dim3A_0 {strides = array<i32>} : memref<688x64xf32, #tpu.memory_space<vmem>>, vector<16xf32>,
      %swap3A_44 = arith.index_cast %scan3A_40 : i32 to index
      %swap3A_45 = arith.constant 16 : index
      %swap3A_46 = tpu.vector_load %arg15[%swap3A_44, %swap3A_45] {strides = array<i32>} : memref<688x64xf32, #tpu.memory_space<vmem>>, vector<16xf32>,
      tpu.vector_store %arg15[%swap3A_44, %swap3A_45], %broadcast_in_dim3A_0 {strides = array<i32>} : memref<688x64xf32, #tpu.memory_space<vmem>>, vector<16xf32>,
      %swap3A_47 = arith.index_cast %scan3A_40 : i32 to index
      %swap3A_48 = arith.constant 32 : index
      %swap3A_49 = tpu.vector_load %arg15[%swap3A_47, %swap3A_48] {strides = array<i32>} : memref<688x64xf32, #tpu.memory_space<vmem>>, vector<16xf32>,
      tpu.vector_store %arg15[%swap3A_47, %swap3A_48], %broadcast_in_dim3A_0 {strides = array<i32>} : memref<688x64xf32, #tpu.memory_space<vmem>>, vector<16xf32>,
      %swap3A_50 = arith.index_cast %scan3A_40 : i32 to index
      %swap3A_51 = arith.constant 48 : index
      %swap3A_52 = tpu.vector_load %arg15[%swap3A_50, %swap3A_51] {strides = array<i32>} : memref<688x64xf32, #tpu.memory_space<vmem>>, vector<16xf32>,
      tpu.vector_store %arg15[%swap3A_50, %swap3A_51], %broadcast_in_dim3A_0 {strides = array<i32>} : memref<688x64xf32, #tpu.memory_space<vmem>>, vector<16xf32>,
      %scan3A_53 = arith.constant 0 : i32
      %scan3A_54 = arith.constant 1 : i32
      %scan3A_55 = arith.addi %scan3A_40, %scan3A_54 : i32
      %swap3A_56 = arith.index_cast %scan3A_55 : i32 to index
      %swap3A_57 = arith.constant 0 : index
      %swap3A_58 = tpu.vector_load %arg15[%swap3A_56, %swap3A_57] {strides = array<i32>} : memref<688x64xf32, #tpu.memory_space<vmem>>, vector<16xf32>,
      tpu.vector_store %arg15[%swap3A_56, %swap3A_57], %broadcast_in_dim3A_0 {strides = array<i32>} : memref<688x64xf32, #tpu.memory_space<vmem>>, vector<16xf32>,
      %swap3A_59 = arith.index_cast %scan3A_55 : i32 to index
      %swap3A_60 = arith.constant 16 : index
      %swap3A_61 = tpu.vector_load %arg15[%swap3A_59, %swap3A_60] {strides = array<i32>} : memref<688x64xf32, #tpu.memory_space<vmem>>, vector<16xf32>,
      tpu.vector_store %arg15[%swap3A_59, %swap3A_60], %broadcast_in_dim3A_0 {strides = array<i32>} : memref<688x64xf32, #tpu.memory_space<vmem>>, vector<16xf32>,
      %swap3A_62 = arith.index_cast %scan3A_55 : i32 to index
      %swap3A_63 = arith.constant 32 : index
      %swap3A_64 = tpu.vector_load %arg15[%swap3A_62, %swap3A_63] {strides = array<i32>} : memref<688x64xf32, #tpu.memory_space<vmem>>, vector<16xf32>,
      tpu.vector_store %arg15[%swap3A_62, %swap3A_63], %broadcast_in_dim3A_0 {strides = array<i32>} : memref<688x64xf32, #tpu.memory_space<vmem>>, vector<16xf32>,
      %swap3A_65 = arith.index_cast %scan3A_55 : i32 to index
      %swap3A_66 = arith.constant 48 : index
      %swap3A_67 = tpu.vector_load %arg15[%swap3A_65, %swap3A_66] {strides = array<i32>} : memref<688x64xf32, #tpu.memory_space<vmem>>, vector<16xf32>,
      tpu.vector_store %arg15[%swap3A_65, %swap3A_66], %broadcast_in_dim3A_0 {strides = array<i32>} : memref<688x64xf32, #tpu.memory_space<vmem>>, vector<16xf32>,
      %scan3A_68 = arith.constant 0 : i32
      scf.yield %scan3A_68 : i32
    }
    %scan3A_6 = arith.constant 640 : i32
    %scan3A_7 = arith.constant 0 : i32
    %scan3A_8 = arith.constant 0 : i32
    %scan3A_9 = arith.constant 688 : i32
    %scan3A_10 = arith.addi %scan3A_8, %scan3A_9 : i32
    %scan3A_11 = arith.constant 4 : i32
    %scan3A_12 = scf.for %scan3A_40 = %scan3A_8 to %scan3A_10 step %scan3A_11 iter_args(%scan3A_41 = %scan3A_7) -> (i32)  : i32 {
      %swap3A = arith.index_cast %scan3A_40 : i32 to index
      %swap3A_42 = arith.constant 0 : index
      %swap3A_43 = tpu.vector_load %arg14[%swap3A, %swap3A_42] {strides = array<i32>} : memref<688x16xf32, #tpu.memory_space<vmem>>, vector<16xf32>,
      tpu.vector_store %arg14[%swap3A, %swap3A_42], %broadcast_in_dim3A_0 {strides = array<i32>} : memref<688x16xf32, #tpu.memory_space<vmem>>, vector<16xf32>,
      %scan3A_44 = arith.constant 0 : i32
      %scan3A_45 = arith.constant 1 : i32
      %scan3A_46 = arith.addi %scan3A_40, %scan3A_45 : i32
      %swap3A_47 = arith.index_cast %scan3A_46 : i32 to index
      %swap3A_48 = arith.constant 0 : index
      %swap3A_49 = tpu.vector_load %arg14[%swap3A_47, %swap3A_48] {strides = array<i32>} : memref<688x16xf32, #tpu.memory_space<vmem>>, vector<16xf32>,
      tpu.vector_store %arg14[%swap3A_47, %swap3A_48], %broadcast_in_dim3A_0 {strides = array<i32>} : memref<688x16xf32, #tpu.memory_space<vmem>>, vector<16xf32>,
      %scan3A_50 = arith.constant 0 : i32
      %scan3A_51 = arith.constant 2 : i32
      %scan3A_52 = arith.addi %scan3A_40, %scan3A_51 : i32
      %swap3A_53 = arith.index_cast %scan3A_52 : i32 to index
      %swap3A_54 = arith.constant 0 : index
      %swap3A_55 = tpu.vector_load %arg14[%swap3A_53, %swap3A_54] {strides = array<i32>} : memref<688x16xf32, #tpu.memory_space<vmem>>, vector<16xf32>,
      tpu.vector_store %arg14[%swap3A_53, %swap3A_54], %broadcast_in_dim3A_0 {strides = array<i32>} : memref<688x16xf32, #tpu.memory_space<vmem>>, vector<16xf32>,
      %scan3A_56 = arith.constant 0 : i32
      %scan3A_57 = arith.constant 3 : i32
      %scan3A_58 = arith.addi %scan3A_40, %scan3A_57 : i32
      %swap3A_59 = arith.index_cast %scan3A_58 : i32 to index
      %swap3A_60 = arith.constant 0 : index
      %swap3A_61 = tpu.vector_load %arg14[%swap3A_59, %swap3A_60] {strides = array<i32>} : memref<688x16xf32, #tpu.memory_space<vmem>>, vector<16xf32>,
      tpu.vector_store %arg14[%swap3A_59, %swap3A_60], %broadcast_in_dim3A_0 {strides = array<i32>} : memref<688x16xf32, #tpu.memory_space<vmem>>, vector<16xf32>,
      %scan3A_62 = arith.constant 0 : i32
      scf.yield %scan3A_62 : i32
    }
    %scan3A_13 = arith.constant 688 : i32
    %mul3A = arith.constant 640 : i32
    %mul3A_14 = arith.muli %arg1, %mul3A : i32
    "tpu.region"() ({
      %run_scoped3A = tpu.sem_alloc : memref<!tpu.dma_semaphore, #tpu.memory_space<semaphore_mem>>
      %dma_start3A = arith.constant 0 : i32
      %dma_start3A_40 = arith.constant 0 : i32
      %dma_start3A_41 = tpu.memref_slice %arg15[%dma_start3A, %dma_start3A_40] : memref<688x64xf32, #tpu.memory_space<vmem>> -> memref<640x64xf32, #tpu.memory_space<vmem>>
      %dma_start3A_42 = arith.constant 0 : i32
      %dma_start3A_43 = tpu.memref_slice %arg17[%mul3A_14, %dma_start3A_42] : memref<10240x64xf32, #tpu.memory_space<vmem_shared>> -> memref<640x64xf32, #tpu.memory_space<vmem_shared>>
      %dma_start3A_44 = arith.constant 0 : i32
      %dma_start3A_45 = tpu.memref_slice %arg17[%mul3A_14, %dma_start3A_44] : memref<10240x64xf32, #tpu.memory_space<vmem_shared>> -> memref<640x64xf32, #tpu.memory_space<vmem_shared>>
      %dma_start3A_46 = arith.constant 0 : i32
      %dma_start3A_47 = arith.constant 0 : i32
      %dma_start3A_48 = tpu.memref_slice %arg15[%dma_start3A_46, %dma_start3A_47] : memref<688x64xf32, #tpu.memory_space<vmem>> -> memref<640x64xf32, #tpu.memory_space<vmem>>
      tpu.enqueue_dma source(%dma_start3A_48 : memref<640x64xf32, #tpu.memory_space<vmem>>) target(%dma_start3A_45 : memref<640x64xf32, #tpu.memory_space<vmem_shared>>) target_semaphore(%run_scoped3A : memref<!tpu.dma_semaphore, #tpu.memory_space<semaphore_mem>>)
      %dma_wait3A = arith.constant 0 : i32
      %dma_wait3A_49 = arith.constant 0 : i32
      %dma_wait3A_50 = tpu.memref_slice %arg15[%dma_wait3A, %dma_wait3A_49] : memref<688x64xf32, #tpu.memory_space<vmem>> -> memref<640x64xf32, #tpu.memory_space<vmem>>
      %dma_wait3A_51 = arith.constant 0 : i32
      %dma_wait3A_52 = tpu.memref_slice %arg17[%mul3A_14, %dma_wait3A_51] : memref<10240x64xf32, #tpu.memory_space<vmem_shared>> -> memref<640x64xf32, #tpu.memory_space<vmem_shared>>
      %dma_wait3A_53 = arith.constant 0 : i32
      %dma_wait3A_54 = tpu.memref_slice %arg17[%mul3A_14, %dma_wait3A_53] : memref<10240x64xf32, #tpu.memory_space<vmem_shared>> -> memref<640x64xf32, #tpu.memory_space<vmem_shared>>
      %dma_wait3A_55 = arith.constant 0 : i32
      %dma_wait3A_56 = arith.constant 0 : i32
      %dma_wait3A_57 = tpu.memref_slice %arg15[%dma_wait3A_55, %dma_wait3A_56] : memref<688x64xf32, #tpu.memory_space<vmem>> -> memref<640x64xf32, #tpu.memory_space<vmem>>
      tpu.wait_dma2 semaphore(%run_scoped3A : memref<!tpu.dma_semaphore, #tpu.memory_space<semaphore_mem>>) src(%dma_wait3A_57 : memref<640x64xf32, #tpu.memory_space<vmem>>) dst(%dma_wait3A_54 : memref<640x64xf32, #tpu.memory_space<vmem_shared>>)
      tpu.yield
    }) : () -> ()
    %mul3A_15 = arith.constant 640 : i32
    %mul3A_16 = arith.muli %arg1, %mul3A_15 : i32
    "tpu.region"() ({
      %run_scoped3A = tpu.sem_alloc : memref<!tpu.dma_semaphore, #tpu.memory_space<semaphore_mem>>
      %dma_start3A = arith.constant 0 : i32
      %dma_start3A_40 = arith.constant 0 : i32
      %dma_start3A_41 = tpu.memref_slice %arg14[%dma_start3A, %dma_start3A_40] : memref<688x16xf32, #tpu.memory_space<vmem>> -> memref<640x16xf32, #tpu.memory_space<vmem>>
      %dma_start3A_42 = arith.constant 0 : i32
      %dma_start3A_43 = tpu.memref_slice %arg16[%mul3A_16, %dma_start3A_42] : memref<10240x16xf32, #tpu.memory_space<vmem_shared>> -> memref<640x16xf32, #tpu.memory_space<vmem_shared>>
      %dma_start3A_44 = arith.constant 0 : i32
      %dma_start3A_45 = tpu.memref_slice %arg16[%mul3A_16, %dma_start3A_44] : memref<10240x16xf32, #tpu.memory_space<vmem_shared>> -> memref<640x16xf32, #tpu.memory_space<vmem_shared>>
      %dma_start3A_46 = arith.constant 0 : i32
      %dma_start3A_47 = arith.constant 0 : i32
      %dma_start3A_48 = tpu.memref_slice %arg14[%dma_start3A_46, %dma_start3A_47] : memref<688x16xf32, #tpu.memory_space<vmem>> -> memref<640x16xf32, #tpu.memory_space<vmem>>
      tpu.enqueue_dma source(%dma_start3A_48 : memref<640x16xf32, #tpu.memory_space<vmem>>) target(%dma_start3A_45 : memref<640x16xf32, #tpu.memory_space<vmem_shared>>) target_semaphore(%run_scoped3A : memref<!tpu.dma_semaphore, #tpu.memory_space<semaphore_mem>>)
      %dma_wait3A = arith.constant 0 : i32
      %dma_wait3A_49 = arith.constant 0 : i32
      %dma_wait3A_50 = tpu.memref_slice %arg14[%dma_wait3A, %dma_wait3A_49] : memref<688x16xf32, #tpu.memory_space<vmem>> -> memref<640x16xf32, #tpu.memory_space<vmem>>
      %dma_wait3A_51 = arith.constant 0 : i32
      %dma_wait3A_52 = tpu.memref_slice %arg16[%mul3A_16, %dma_wait3A_51] : memref<10240x16xf32, #tpu.memory_space<vmem_shared>> -> memref<640x16xf32, #tpu.memory_space<vmem_shared>>
      %dma_wait3A_53 = arith.constant 0 : i32
      %dma_wait3A_54 = tpu.memref_slice %arg16[%mul3A_16, %dma_wait3A_53] : memref<10240x16xf32, #tpu.memory_space<vmem_shared>> -> memref<640x16xf32, #tpu.memory_space<vmem_shared>>
      %dma_wait3A_55 = arith.constant 0 : i32
      %dma_wait3A_56 = arith.constant 0 : i32
      %dma_wait3A_57 = tpu.memref_slice %arg14[%dma_wait3A_55, %dma_wait3A_56] : memref<688x16xf32, #tpu.memory_space<vmem>> -> memref<640x16xf32, #tpu.memory_space<vmem>>
      tpu.wait_dma2 semaphore(%run_scoped3A : memref<!tpu.dma_semaphore, #tpu.memory_space<semaphore_mem>>) src(%dma_wait3A_57 : memref<640x16xf32, #tpu.memory_space<vmem>>) dst(%dma_wait3A_54 : memref<640x16xf32, #tpu.memory_space<vmem_shared>>)
      tpu.yield
    }) : () -> ()
    %barrier3A = arith.constant 0 : index
    tpu.barrier barrier_id(%barrier3A)
    %iota3A = tpu.iota {dimensions = array<i32: 0>} : vector<16xi32>
    %lt3A = arith.constant 8 : i32
    %lt3A_17 = vector.broadcast %lt3A : i32 to vector<16xi32>
    %lt3A_18 = arith.cmpi slt, %iota3A, %lt3A_17 : vector<16xi32>
    %add3A = arith.constant 8 : i32
    %add3A_19 = vector.broadcast %add3A : i32 to vector<16xi32>
    %add3A_20 = arith.addi %iota3A, %add3A_19 : vector<16xi32>
    %sub3A = arith.constant 8 : i32
    %sub3A_21 = vector.broadcast %sub3A : i32 to vector<16xi32>
    %sub3A_22 = arith.subi %iota3A, %sub3A_21 : vector<16xi32>
    %select_n3A = arith.select %lt3A_18, %add3A_20, %sub3A_22 : vector<16xi1>, vector<16xi32>
    %scan3A_23 = arith.constant 0 : i32
    %scan3A_24 = arith.constant 0 : i32
    %scan3A_25 = arith.constant 30 : i32
    %scan3A_26 = arith.addi %scan3A_24, %scan3A_25 : i32
    %scan3A_27 = arith.constant 1 : i32
    %scan3A_28 = scf.for %scan3A_40 = %scan3A_24 to %scan3A_26 step %scan3A_27 iter_args(%scan3A_41 = %scan3A_23) -> (i32)  : i32 {
      %mul3A_42 = arith.constant 20640 : i32
      %mul3A_43 = arith.muli %arg1, %mul3A_42 : i32
      %mul3A_44 = arith.constant 688 : i32
      %mul3A_45 = arith.muli %scan3A_40, %mul3A_44 : i32
      %add3A_46 = arith.addi %mul3A_43, %mul3A_45 : i32
      "tpu.region"() ({
        %run_scoped3A = tpu.sem_alloc : memref<!tpu.dma_semaphore, #tpu.memory_space<semaphore_mem>>
        %dma_start3A_94 = tpu.memref_slice %arg2[%add3A_46] : memref<330240xi32, #tpu.memory_space<hbm>> -> memref<688xi32, #tpu.memory_space<hbm>>
        %dma_start3A_95 = tpu.memref_slice %arg2[%add3A_46] : memref<330240xi32, #tpu.memory_space<hbm>> -> memref<688xi32, #tpu.memory_space<hbm>>
        tpu.enqueue_dma source(%dma_start3A_95 : memref<688xi32, #tpu.memory_space<hbm>>) target(%arg10 : memref<688xi32, #tpu.memory_space<vmem>>) target_semaphore(%run_scoped3A : memref<!tpu.dma_semaphore, #tpu.memory_space<semaphore_mem>>)
        %dma_wait3A_96 = tpu.memref_slice %arg2[%add3A_46] : memref<330240xi32, #tpu.memory_space<hbm>> -> memref<688xi32, #tpu.memory_space<hbm>>
        %dma_wait3A_97 = tpu.memref_slice %arg2[%add3A_46] : memref<330240xi32, #tpu.memory_space<hbm>> -> memref<688xi32, #tpu.memory_space<hbm>>
        tpu.wait_dma2 semaphore(%run_scoped3A : memref<!tpu.dma_semaphore, #tpu.memory_space<semaphore_mem>>) src(%dma_wait3A_97 : memref<688xi32, #tpu.memory_space<hbm>>) dst(%arg10 : memref<688xi32, #tpu.memory_space<vmem>>)
        tpu.yield
      }) : () -> ()
      "tpu.region"() ({
        %run_scoped3A = tpu.sem_alloc : memref<!tpu.dma_semaphore, #tpu.memory_space<semaphore_mem>>
        %dma_start3A_94 = tpu.memref_slice %arg3[%add3A_46] : memref<330240xi32, #tpu.memory_space<hbm>> -> memref<688xi32, #tpu.memory_space<hbm>>
        %dma_start3A_95 = tpu.memref_slice %arg3[%add3A_46] : memref<330240xi32, #tpu.memory_space<hbm>> -> memref<688xi32, #tpu.memory_space<hbm>>
        tpu.enqueue_dma source(%dma_start3A_95 : memref<688xi32, #tpu.memory_space<hbm>>) target(%arg11 : memref<688xi32, #tpu.memory_space<vmem>>) target_semaphore(%run_scoped3A : memref<!tpu.dma_semaphore, #tpu.memory_space<semaphore_mem>>)
        %dma_wait3A_96 = tpu.memref_slice %arg3[%add3A_46] : memref<330240xi32, #tpu.memory_space<hbm>> -> memref<688xi32, #tpu.memory_space<hbm>>
        %dma_wait3A_97 = tpu.memref_slice %arg3[%add3A_46] : memref<330240xi32, #tpu.memory_space<hbm>> -> memref<688xi32, #tpu.memory_space<hbm>>
        tpu.wait_dma2 semaphore(%run_scoped3A : memref<!tpu.dma_semaphore, #tpu.memory_space<semaphore_mem>>) src(%dma_wait3A_97 : memref<688xi32, #tpu.memory_space<hbm>>) dst(%arg11 : memref<688xi32, #tpu.memory_space<vmem>>)
        tpu.yield
      }) : () -> ()
      %dma_start3A = arith.constant 0 : i32
      %dma_start3A_47 = arith.constant 0 : i32
      %dma_start3A_48 = tpu.memref_slice %arg6[%arg0, %dma_start3A, %dma_start3A_47] : memref<2x10240x64xf32, #tpu.memory_space<hbm>> -> memref<1x10240x64xf32, #tpu.memory_space<hbm>>
      %dma_start3A_49 = tpu.memref_squeeze %dma_start3A_48 : memref<1x10240x64xf32, #tpu.memory_space<hbm>> -> memref<10240x64xf32, #tpu.memory_space<hbm>>
      %dma_start3A_50 = arith.constant 0 : i32
      %dma_start3A_51 = arith.constant 0 : i32
      %dma_start3A_52 = tpu.memref_slice %dma_start3A_49[%dma_start3A_50, %dma_start3A_51] : memref<10240x64xf32, #tpu.memory_space<hbm>> -> memref<10240x64xf32, #tpu.memory_space<hbm>>
      tpu.enqueue_indirect_dma source(%dma_start3A_52 : memref<10240x64xf32, #tpu.memory_space<hbm>>) target(%arg15 : memref<688x64xf32, #tpu.memory_space<vmem>>) offsets(%arg10 : memref<688xi32, #tpu.memory_space<vmem>>) semaphore(%arg20 : memref<!tpu.dma_semaphore, #tpu.memory_space<semaphore_mem>>)
      %dma_start3A_53 = arith.constant 0 : i32
      %dma_start3A_54 = arith.constant 0 : i32
      %dma_start3A_55 = tpu.memref_slice %arg4[%dma_start3A_53, %dma_start3A_54] : memref<10240x16xf32, #tpu.memory_space<hbm>> -> memref<10240x16xf32, #tpu.memory_space<hbm>>
      tpu.enqueue_indirect_dma source(%dma_start3A_55 : memref<10240x16xf32, #tpu.memory_space<hbm>>) target(%arg12 : memref<688x16xf32, #tpu.memory_space<vmem>>) offsets(%arg10 : memref<688xi32, #tpu.memory_space<vmem>>) semaphore(%arg18 : memref<!tpu.dma_semaphore, #tpu.memory_space<semaphore_mem>>)
      %dma_start3A_56 = arith.constant 0 : i32
      %dma_start3A_57 = arith.constant 0 : i32
      %dma_start3A_58 = tpu.memref_slice %arg5[%dma_start3A_56, %dma_start3A_57] : memref<10240x16xf32, #tpu.memory_space<hbm>> -> memref<10240x16xf32, #tpu.memory_space<hbm>>
      tpu.enqueue_indirect_dma source(%dma_start3A_58 : memref<10240x16xf32, #tpu.memory_space<hbm>>) target(%arg13 : memref<688x16xf32, #tpu.memory_space<vmem>>) offsets(%arg11 : memref<688xi32, #tpu.memory_space<vmem>>) semaphore(%arg19 : memref<!tpu.dma_semaphore, #tpu.memory_space<semaphore_mem>>)
      %dma_wait3A = arith.constant 0 : i32
      %dma_wait3A_59 = arith.constant 0 : i32
      %dma_wait3A_60 = tpu.memref_slice %arg4[%dma_wait3A, %dma_wait3A_59] : memref<10240x16xf32, #tpu.memory_space<hbm>> -> memref<10240x16xf32, #tpu.memory_space<hbm>>
      tpu.wait_indirect_dma semaphore(%arg18 : memref<!tpu.dma_semaphore, #tpu.memory_space<semaphore_mem>>) src(%dma_wait3A_60 : memref<10240x16xf32, #tpu.memory_space<hbm>>) dst(%arg12 : memref<688x16xf32, #tpu.memory_space<vmem>>)
      %dma_wait3A_61 = arith.constant 0 : i32
      %dma_wait3A_62 = arith.constant 0 : i32
      %dma_wait3A_63 = tpu.memref_slice %arg5[%dma_wait3A_61, %dma_wait3A_62] : memref<10240x16xf32, #tpu.memory_space<hbm>> -> memref<10240x16xf32, #tpu.memory_space<hbm>>
      tpu.wait_indirect_dma semaphore(%arg19 : memref<!tpu.dma_semaphore, #tpu.memory_space<semaphore_mem>>) src(%dma_wait3A_63 : memref<10240x16xf32, #tpu.memory_space<hbm>>) dst(%arg13 : memref<688x16xf32, #tpu.memory_space<vmem>>)
      %scan3A_64 = arith.constant 0 : i32
      %scan3A_65 = arith.constant 0 : i32
      %scan3A_66 = arith.constant 688 : i32
      %scan3A_67 = arith.addi %scan3A_65, %scan3A_66 : i32
      %scan3A_68 = arith.constant 4 : i32
      %scan3A_69 = scf.for %scan3A_94 = %scan3A_65 to %scan3A_67 step %scan3A_68 iter_args(%scan3A_95 = %scan3A_64) -> (i32)  : i32 {
        %get3A = arith.index_cast %scan3A_94 : i32 to index
        %get3A_96 = arith.constant 0 : index
        %get3A_97 = tpu.vector_load %arg12[%get3A, %get3A_96] {strides = array<i32>} : memref<688x16xf32, #tpu.memory_space<vmem>>, vector<16xf32>,
        %get3A_98 = arith.index_cast %scan3A_94 : i32 to index
        %get3A_99 = arith.constant 0 : index
        %get3A_100 = tpu.vector_load %arg13[%get3A_98, %get3A_99] {strides = array<i32>} : memref<688x16xf32, #tpu.memory_space<vmem>>, vector<16xf32>,
        %mul3A_101 = arith.mulf %get3A_97, %get3A_100 : vector<16xf32>
        %broadcast_in_dim3A_102 = vector.shape_cast %select_n3A : vector<16xi32> to vector<16x1xi32>
        %gather3A = vector.shape_cast %broadcast_in_dim3A_102 : vector<16x1xi32> to vector<16xi32>
        %gather3A_103 = tpu.dynamic_gather %mul3A_101[%gather3A] in [0] : vector<16xf32>, vector<16xi32> -> vector<16xf32>
        %max3A = arith.maximumf %mul3A_101, %gather3A_103 : vector<16xf32>
        %swap3A = arith.index_cast %scan3A_94 : i32 to index
        %swap3A_104 = arith.constant 0 : index
        %swap3A_105 = tpu.vector_load %arg14[%swap3A, %swap3A_104] {strides = array<i32>} : memref<688x16xf32, #tpu.memory_space<vmem>>, vector<16xf32>,
        tpu.vector_store %arg14[%swap3A, %swap3A_104], %max3A {strides = array<i32>} : memref<688x16xf32, #tpu.memory_space<vmem>>, vector<16xf32>,
        %scan3A_106 = arith.constant 0 : i32
        %scan3A_107 = arith.constant 1 : i32
        %scan3A_108 = arith.addi %scan3A_94, %scan3A_107 : i32
        %get3A_109 = arith.index_cast %scan3A_108 : i32 to index
        %get3A_110 = arith.constant 0 : index
        %get3A_111 = tpu.vector_load %arg12[%get3A_109, %get3A_110] {strides = array<i32>} : memref<688x16xf32, #tpu.memory_space<vmem>>, vector<16xf32>,
        %get3A_112 = arith.index_cast %scan3A_108 : i32 to index
        %get3A_113 = arith.constant 0 : index
        %get3A_114 = tpu.vector_load %arg13[%get3A_112, %get3A_113] {strides = array<i32>} : memref<688x16xf32, #tpu.memory_space<vmem>>, vector<16xf32>,
        %mul3A_115 = arith.mulf %get3A_111, %get3A_114 : vector<16xf32>
        %broadcast_in_dim3A_116 = vector.shape_cast %select_n3A : vector<16xi32> to vector<16x1xi32>
        %gather3A_117 = vector.shape_cast %broadcast_in_dim3A_116 : vector<16x1xi32> to vector<16xi32>
        %gather3A_118 = tpu.dynamic_gather %mul3A_115[%gather3A_117] in [0] : vector<16xf32>, vector<16xi32> -> vector<16xf32>
        %max3A_119 = arith.maximumf %mul3A_115, %gather3A_118 : vector<16xf32>
        %swap3A_120 = arith.index_cast %scan3A_108 : i32 to index
        %swap3A_121 = arith.constant 0 : index
        %swap3A_122 = tpu.vector_load %arg14[%swap3A_120, %swap3A_121] {strides = array<i32>} : memref<688x16xf32, #tpu.memory_space<vmem>>, vector<16xf32>,
        tpu.vector_store %arg14[%swap3A_120, %swap3A_121], %max3A_119 {strides = array<i32>} : memref<688x16xf32, #tpu.memory_space<vmem>>, vector<16xf32>,
        %scan3A_123 = arith.constant 0 : i32
        %scan3A_124 = arith.constant 2 : i32
        %scan3A_125 = arith.addi %scan3A_94, %scan3A_124 : i32
        %get3A_126 = arith.index_cast %scan3A_125 : i32 to index
        %get3A_127 = arith.constant 0 : index
        %get3A_128 = tpu.vector_load %arg12[%get3A_126, %get3A_127] {strides = array<i32>} : memref<688x16xf32, #tpu.memory_space<vmem>>, vector<16xf32>,
        %get3A_129 = arith.index_cast %scan3A_125 : i32 to index
        %get3A_130 = arith.constant 0 : index
        %get3A_131 = tpu.vector_load %arg13[%get3A_129, %get3A_130] {strides = array<i32>} : memref<688x16xf32, #tpu.memory_space<vmem>>, vector<16xf32>,
        %mul3A_132 = arith.mulf %get3A_128, %get3A_131 : vector<16xf32>
        %broadcast_in_dim3A_133 = vector.shape_cast %select_n3A : vector<16xi32> to vector<16x1xi32>
        %gather3A_134 = vector.shape_cast %broadcast_in_dim3A_133 : vector<16x1xi32> to vector<16xi32>
        %gather3A_135 = tpu.dynamic_gather %mul3A_132[%gather3A_134] in [0] : vector<16xf32>, vector<16xi32> -> vector<16xf32>
        %max3A_136 = arith.maximumf %mul3A_132, %gather3A_135 : vector<16xf32>
        %swap3A_137 = arith.index_cast %scan3A_125 : i32 to index
        %swap3A_138 = arith.constant 0 : index
        %swap3A_139 = tpu.vector_load %arg14[%swap3A_137, %swap3A_138] {strides = array<i32>} : memref<688x16xf32, #tpu.memory_space<vmem>>, vector<16xf32>,
        tpu.vector_store %arg14[%swap3A_137, %swap3A_138], %max3A_136 {strides = array<i32>} : memref<688x16xf32, #tpu.memory_space<vmem>>, vector<16xf32>,
        %scan3A_140 = arith.constant 0 : i32
        %scan3A_141 = arith.constant 3 : i32
        %scan3A_142 = arith.addi %scan3A_94, %scan3A_141 : i32
        %get3A_143 = arith.index_cast %scan3A_142 : i32 to index
        %get3A_144 = arith.constant 0 : index
        %get3A_145 = tpu.vector_load %arg12[%get3A_143, %get3A_144] {strides = array<i32>} : memref<688x16xf32, #tpu.memory_space<vmem>>, vector<16xf32>,
        %get3A_146 = arith.index_cast %scan3A_142 : i32 to index
        %get3A_147 = arith.constant 0 : index
        %get3A_148 = tpu.vector_load %arg13[%get3A_146, %get3A_147] {strides = array<i32>} : memref<688x16xf32, #tpu.memory_space<vmem>>, vector<16xf32>,
        %mul3A_149 = arith.mulf %get3A_145, %get3A_148 : vector<16xf32>
        %broadcast_in_dim3A_150 = vector.shape_cast %select_n3A : vector<16xi32> to vector<16x1xi32>
        %gather3A_151 = vector.shape_cast %broadcast_in_dim3A_150 : vector<16x1xi32> to vector<16xi32>
        %gather3A_152 = tpu.dynamic_gather %mul3A_149[%gather3A_151] in [0] : vector<16xf32>, vector<16xi32> -> vector<16xf32>
        %max3A_153 = arith.maximumf %mul3A_149, %gather3A_152 : vector<16xf32>
        %swap3A_154 = arith.index_cast %scan3A_142 : i32 to index
        %swap3A_155 = arith.constant 0 : index
        %swap3A_156 = tpu.vector_load %arg14[%swap3A_154, %swap3A_155] {strides = array<i32>} : memref<688x16xf32, #tpu.memory_space<vmem>>, vector<16xf32>,
        tpu.vector_store %arg14[%swap3A_154, %swap3A_155], %max3A_153 {strides = array<i32>} : memref<688x16xf32, #tpu.memory_space<vmem>>, vector<16xf32>,
        %scan3A_157 = arith.constant 0 : i32
        scf.yield %scan3A_157 : i32
      }
      %scan3A_70 = arith.constant 688 : i32
      %eq3A_71 = arith.constant 0 : i32
      %eq3A_72 = arith.cmpi eq, %arg0, %eq3A_71 : i32
      %convert_element_type3A_73 = arith.extui %eq3A_72 : i1 to i32
      %cond3A_74 = arith.constant 0 : i32
      %cond3A_75 = arith.cmpi ne, %convert_element_type3A_73, %cond3A_74 : i32
      scf.if %cond3A_75 {
        "tpu.region"() ({
          %run_scoped3A = tpu.sem_alloc : memref<!tpu.dma_semaphore, #tpu.memory_space<semaphore_mem>>
          %dma_start3A_94 = arith.constant 0 : i32
          %dma_start3A_95 = arith.constant 0 : i32
          %dma_start3A_96 = tpu.memref_slice %arg16[%dma_start3A_94, %dma_start3A_95] : memref<10240x16xf32, #tpu.memory_space<vmem_shared>> -> memref<10240x16xf32, #tpu.memory_space<vmem_shared>>
          tpu.enqueue_indirect_dma source(%arg14 : memref<688x16xf32, #tpu.memory_space<vmem>>) target(%dma_start3A_96 : memref<10240x16xf32, #tpu.memory_space<vmem_shared>>) offsets(%arg11 : memref<688xi32, #tpu.memory_space<vmem>>) semaphore(%run_scoped3A : memref<!tpu.dma_semaphore, #tpu.memory_space<semaphore_mem>>) {add = true}
          %dma_wait3A_97 = arith.constant 0 : i32
          %dma_wait3A_98 = arith.constant 0 : i32
          %dma_wait3A_99 = tpu.memref_slice %arg16[%dma_wait3A_97, %dma_wait3A_98] : memref<10240x16xf32, #tpu.memory_space<vmem_shared>> -> memref<10240x16xf32, #tpu.memory_space<vmem_shared>>
          tpu.wait_indirect_dma semaphore(%run_scoped3A : memref<!tpu.dma_semaphore, #tpu.memory_space<semaphore_mem>>) src(%arg14 : memref<688x16xf32, #tpu.memory_space<vmem>>) dst(%dma_wait3A_99 : memref<10240x16xf32, #tpu.memory_space<vmem_shared>>)
          tpu.yield
        }) : () -> ()
      } else {
      }
      %dma_wait3A_76 = arith.constant 0 : i32
      %dma_wait3A_77 = arith.constant 0 : i32
      %dma_wait3A_78 = tpu.memref_slice %arg6[%arg0, %dma_wait3A_76, %dma_wait3A_77] : memref<2x10240x64xf32, #tpu.memory_space<hbm>> -> memref<1x10240x64xf32, #tpu.memory_space<hbm>>
      %dma_wait3A_79 = tpu.memref_squeeze %dma_wait3A_78 : memref<1x10240x64xf32, #tpu.memory_space<hbm>> -> memref<10240x64xf32, #tpu.memory_space<hbm>>
      %dma_wait3A_80 = arith.constant 0 : i32
      %dma_wait3A_81 = arith.constant 0 : i32
      %dma_wait3A_82 = tpu.memref_slice %dma_wait3A_79[%dma_wait3A_80, %dma_wait3A_81] : memref<10240x64xf32, #tpu.memory_space<hbm>> -> memref<10240x64xf32, #tpu.memory_space<hbm>>
      tpu.wait_indirect_dma semaphore(%arg20 : memref<!tpu.dma_semaphore, #tpu.memory_space<semaphore_mem>>) src(%dma_wait3A_82 : memref<10240x64xf32, #tpu.memory_space<hbm>>) dst(%arg15 : memref<688x64xf32, #tpu.memory_space<vmem>>)
      %eq3A_83 = arith.constant 0 : i32
      %eq3A_84 = arith.cmpi eq, %arg0, %eq3A_83 : i32
      %convert_element_type3A_85 = arith.extui %eq3A_84 : i1 to i32
      %cond3A_86 = arith.constant 0 : i32
      %cond3A_87 = arith.cmpi ne, %convert_element_type3A_85, %cond3A_86 : i32
      scf.if %cond3A_87 {
        %scan3A_94 = arith.constant 0 : i32
        %scan3A_95 = arith.constant 0 : i32
        %scan3A_96 = arith.constant 688 : i32
        %scan3A_97 = arith.addi %scan3A_95, %scan3A_96 : i32
        %scan3A_98 = arith.constant 2 : i32
        %scan3A_99 = scf.for %scan3A_101 = %scan3A_95 to %scan3A_97 step %scan3A_98 iter_args(%scan3A_102 = %scan3A_94) -> (i32)  : i32 {
          %get3A = arith.index_cast %scan3A_101 : i32 to index
          %get3A_103 = arith.constant 0 : index
          %get3A_104 = tpu.vector_load %arg14[%get3A, %get3A_103] {strides = array<i32>} : memref<688x16xf32, #tpu.memory_space<vmem>>, vector<16xf32>,
          %get3A_105 = arith.index_cast %scan3A_101 : i32 to index
          %get3A_106 = arith.constant 0 : index
          %get3A_107 = tpu.vector_load %arg15[%get3A_105, %get3A_106] {strides = array<i32>} : memref<688x64xf32, #tpu.memory_space<vmem>>, vector<16xf32>,
          %slice3A = vector.extract_strided_slice %get3A_104 {offsets = [0], sizes = [1], strides = [1]} : vector<16xf32> to vector<1xf32>
          %squeeze3A = vector.extract %slice3A[0] : f32 from vector<1xf32>
          %mul3A_108 = vector.broadcast %squeeze3A : f32 to vector<16xf32>
          %mul3A_109 = arith.mulf %get3A_107, %mul3A_108 : vector<16xf32>
          %swap3A = arith.index_cast %scan3A_101 : i32 to index
          %swap3A_110 = arith.constant 0 : index
          %swap3A_111 = tpu.vector_load %arg15[%swap3A, %swap3A_110] {strides = array<i32>} : memref<688x64xf32, #tpu.memory_space<vmem>>, vector<16xf32>,
          tpu.vector_store %arg15[%swap3A, %swap3A_110], %mul3A_109 {strides = array<i32>} : memref<688x64xf32, #tpu.memory_space<vmem>>, vector<16xf32>,
          %get3A_112 = arith.index_cast %scan3A_101 : i32 to index
          %get3A_113 = arith.constant 16 : index
          %get3A_114 = tpu.vector_load %arg15[%get3A_112, %get3A_113] {strides = array<i32>} : memref<688x64xf32, #tpu.memory_space<vmem>>, vector<16xf32>,
          %slice3A_115 = vector.extract_strided_slice %get3A_104 {offsets = [1], sizes = [1], strides = [1]} : vector<16xf32> to vector<1xf32>
          %squeeze3A_116 = vector.extract %slice3A_115[0] : f32 from vector<1xf32>
          %mul3A_117 = vector.broadcast %squeeze3A_116 : f32 to vector<16xf32>
          %mul3A_118 = arith.mulf %get3A_114, %mul3A_117 : vector<16xf32>
          %swap3A_119 = arith.index_cast %scan3A_101 : i32 to index
          %swap3A_120 = arith.constant 16 : index
          %swap3A_121 = tpu.vector_load %arg15[%swap3A_119, %swap3A_120] {strides = array<i32>} : memref<688x64xf32, #tpu.memory_space<vmem>>, vector<16xf32>,
          tpu.vector_store %arg15[%swap3A_119, %swap3A_120], %mul3A_118 {strides = array<i32>} : memref<688x64xf32, #tpu.memory_space<vmem>>, vector<16xf32>,
          %get3A_122 = arith.index_cast %scan3A_101 : i32 to index
          %get3A_123 = arith.constant 32 : index
          %get3A_124 = tpu.vector_load %arg15[%get3A_122, %get3A_123] {strides = array<i32>} : memref<688x64xf32, #tpu.memory_space<vmem>>, vector<16xf32>,
          %slice3A_125 = vector.extract_strided_slice %get3A_104 {offsets = [2], sizes = [1], strides = [1]} : vector<16xf32> to vector<1xf32>
          %squeeze3A_126 = vector.extract %slice3A_125[0] : f32 from vector<1xf32>
          %mul3A_127 = vector.broadcast %squeeze3A_126 : f32 to vector<16xf32>
          %mul3A_128 = arith.mulf %get3A_124, %mul3A_127 : vector<16xf32>
          %swap3A_129 = arith.index_cast %scan3A_101 : i32 to index
          %swap3A_130 = arith.constant 32 : index
          %swap3A_131 = tpu.vector_load %arg15[%swap3A_129, %swap3A_130] {strides = array<i32>} : memref<688x64xf32, #tpu.memory_space<vmem>>, vector<16xf32>,
          tpu.vector_store %arg15[%swap3A_129, %swap3A_130], %mul3A_128 {strides = array<i32>} : memref<688x64xf32, #tpu.memory_space<vmem>>, vector<16xf32>,
          %get3A_132 = arith.index_cast %scan3A_101 : i32 to index
          %get3A_133 = arith.constant 48 : index
          %get3A_134 = tpu.vector_load %arg15[%get3A_132, %get3A_133] {strides = array<i32>} : memref<688x64xf32, #tpu.memory_space<vmem>>, vector<16xf32>,
          %slice3A_135 = vector.extract_strided_slice %get3A_104 {offsets = [3], sizes = [1], strides = [1]} : vector<16xf32> to vector<1xf32>
          %squeeze3A_136 = vector.extract %slice3A_135[0] : f32 from vector<1xf32>
          %mul3A_137 = vector.broadcast %squeeze3A_136 : f32 to vector<16xf32>
          %mul3A_138 = arith.mulf %get3A_134, %mul3A_137 : vector<16xf32>
          %swap3A_139 = arith.index_cast %scan3A_101 : i32 to index
          %swap3A_140 = arith.constant 48 : index
          %swap3A_141 = tpu.vector_load %arg15[%swap3A_139, %swap3A_140] {strides = array<i32>} : memref<688x64xf32, #tpu.memory_space<vmem>>, vector<16xf32>,
          tpu.vector_store %arg15[%swap3A_139, %swap3A_140], %mul3A_138 {strides = array<i32>} : memref<688x64xf32, #tpu.memory_space<vmem>>, vector<16xf32>,
          %scan3A_142 = arith.constant 0 : i32
          %scan3A_143 = arith.constant 1 : i32
          %scan3A_144 = arith.addi %scan3A_101, %scan3A_143 : i32
          %get3A_145 = arith.index_cast %scan3A_144 : i32 to index
          %get3A_146 = arith.constant 0 : index
          %get3A_147 = tpu.vector_load %arg14[%get3A_145, %get3A_146] {strides = array<i32>} : memref<688x16xf32, #tpu.memory_space<vmem>>, vector<16xf32>,
          %get3A_148 = arith.index_cast %scan3A_144 : i32 to index
          %get3A_149 = arith.constant 0 : index
          %get3A_150 = tpu.vector_load %arg15[%get3A_148, %get3A_149] {strides = array<i32>} : memref<688x64xf32, #tpu.memory_space<vmem>>, vector<16xf32>,
          %slice3A_151 = vector.extract_strided_slice %get3A_147 {offsets = [0], sizes = [1], strides = [1]} : vector<16xf32> to vector<1xf32>
          %squeeze3A_152 = vector.extract %slice3A_151[0] : f32 from vector<1xf32>
          %mul3A_153 = vector.broadcast %squeeze3A_152 : f32 to vector<16xf32>
          %mul3A_154 = arith.mulf %get3A_150, %mul3A_153 : vector<16xf32>
          %swap3A_155 = arith.index_cast %scan3A_144 : i32 to index
          %swap3A_156 = arith.constant 0 : index
          %swap3A_157 = tpu.vector_load %arg15[%swap3A_155, %swap3A_156] {strides = array<i32>} : memref<688x64xf32, #tpu.memory_space<vmem>>, vector<16xf32>,
          tpu.vector_store %arg15[%swap3A_155, %swap3A_156], %mul3A_154 {strides = array<i32>} : memref<688x64xf32, #tpu.memory_space<vmem>>, vector<16xf32>,
          %get3A_158 = arith.index_cast %scan3A_144 : i32 to index
          %get3A_159 = arith.constant 16 : index
          %get3A_160 = tpu.vector_load %arg15[%get3A_158, %get3A_159] {strides = array<i32>} : memref<688x64xf32, #tpu.memory_space<vmem>>, vector<16xf32>,
          %slice3A_161 = vector.extract_strided_slice %get3A_147 {offsets = [1], sizes = [1], strides = [1]} : vector<16xf32> to vector<1xf32>
          %squeeze3A_162 = vector.extract %slice3A_161[0] : f32 from vector<1xf32>
          %mul3A_163 = vector.broadcast %squeeze3A_162 : f32 to vector<16xf32>
          %mul3A_164 = arith.mulf %get3A_160, %mul3A_163 : vector<16xf32>
          %swap3A_165 = arith.index_cast %scan3A_144 : i32 to index
          %swap3A_166 = arith.constant 16 : index
          %swap3A_167 = tpu.vector_load %arg15[%swap3A_165, %swap3A_166] {strides = array<i32>} : memref<688x64xf32, #tpu.memory_space<vmem>>, vector<16xf32>,
          tpu.vector_store %arg15[%swap3A_165, %swap3A_166], %mul3A_164 {strides = array<i32>} : memref<688x64xf32, #tpu.memory_space<vmem>>, vector<16xf32>,
          %get3A_168 = arith.index_cast %scan3A_144 : i32 to index
          %get3A_169 = arith.constant 32 : index
          %get3A_170 = tpu.vector_load %arg15[%get3A_168, %get3A_169] {strides = array<i32>} : memref<688x64xf32, #tpu.memory_space<vmem>>, vector<16xf32>,
          %slice3A_171 = vector.extract_strided_slice %get3A_147 {offsets = [2], sizes = [1], strides = [1]} : vector<16xf32> to vector<1xf32>
          %squeeze3A_172 = vector.extract %slice3A_171[0] : f32 from vector<1xf32>
          %mul3A_173 = vector.broadcast %squeeze3A_172 : f32 to vector<16xf32>
          %mul3A_174 = arith.mulf %get3A_170, %mul3A_173 : vector<16xf32>
          %swap3A_175 = arith.index_cast %scan3A_144 : i32 to index
          %swap3A_176 = arith.constant 32 : index
          %swap3A_177 = tpu.vector_load %arg15[%swap3A_175, %swap3A_176] {strides = array<i32>} : memref<688x64xf32, #tpu.memory_space<vmem>>, vector<16xf32>,
          tpu.vector_store %arg15[%swap3A_175, %swap3A_176], %mul3A_174 {strides = array<i32>} : memref<688x64xf32, #tpu.memory_space<vmem>>, vector<16xf32>,
          %get3A_178 = arith.index_cast %scan3A_144 : i32 to index
          %get3A_179 = arith.constant 48 : index
          %get3A_180 = tpu.vector_load %arg15[%get3A_178, %get3A_179] {strides = array<i32>} : memref<688x64xf32, #tpu.memory_space<vmem>>, vector<16xf32>,
          %slice3A_181 = vector.extract_strided_slice %get3A_147 {offsets = [3], sizes = [1], strides = [1]} : vector<16xf32> to vector<1xf32>
          %squeeze3A_182 = vector.extract %slice3A_181[0] : f32 from vector<1xf32>
          %mul3A_183 = vector.broadcast %squeeze3A_182 : f32 to vector<16xf32>
          %mul3A_184 = arith.mulf %get3A_180, %mul3A_183 : vector<16xf32>
          %swap3A_185 = arith.index_cast %scan3A_144 : i32 to index
          %swap3A_186 = arith.constant 48 : index
          %swap3A_187 = tpu.vector_load %arg15[%swap3A_185, %swap3A_186] {strides = array<i32>} : memref<688x64xf32, #tpu.memory_space<vmem>>, vector<16xf32>,
          tpu.vector_store %arg15[%swap3A_185, %swap3A_186], %mul3A_184 {strides = array<i32>} : memref<688x64xf32, #tpu.memory_space<vmem>>, vector<16xf32>,
          %scan3A_188 = arith.constant 0 : i32
          scf.yield %scan3A_188 : i32
        }
        %scan3A_100 = arith.constant 688 : i32
      } else {
      }
      %eq3A_88 = arith.constant 1 : i32
      %eq3A_89 = arith.cmpi eq, %arg0, %eq3A_88 : i32
      %convert_element_type3A_90 = arith.extui %eq3A_89 : i1 to i32
      %cond3A_91 = arith.constant 0 : i32
      %cond3A_92 = arith.cmpi ne, %convert_element_type3A_90, %cond3A_91 : i32
      scf.if %cond3A_92 {
        %scan3A_94 = arith.constant 0 : i32
        %scan3A_95 = arith.constant 0 : i32
        %scan3A_96 = arith.constant 688 : i32
        %scan3A_97 = arith.addi %scan3A_95, %scan3A_96 : i32
        %scan3A_98 = arith.constant 2 : i32
        %scan3A_99 = scf.for %scan3A_101 = %scan3A_95 to %scan3A_97 step %scan3A_98 iter_args(%scan3A_102 = %scan3A_94) -> (i32)  : i32 {
          %get3A = arith.index_cast %scan3A_101 : i32 to index
          %get3A_103 = arith.constant 0 : index
          %get3A_104 = tpu.vector_load %arg14[%get3A, %get3A_103] {strides = array<i32>} : memref<688x16xf32, #tpu.memory_space<vmem>>, vector<16xf32>,
          %get3A_105 = arith.index_cast %scan3A_101 : i32 to index
          %get3A_106 = arith.constant 0 : index
          %get3A_107 = tpu.vector_load %arg15[%get3A_105, %get3A_106] {strides = array<i32>} : memref<688x64xf32, #tpu.memory_space<vmem>>, vector<16xf32>,
          %slice3A = vector.extract_strided_slice %get3A_104 {offsets = [4], sizes = [1], strides = [1]} : vector<16xf32> to vector<1xf32>
          %squeeze3A = vector.extract %slice3A[0] : f32 from vector<1xf32>
          %mul3A_108 = vector.broadcast %squeeze3A : f32 to vector<16xf32>
          %mul3A_109 = arith.mulf %get3A_107, %mul3A_108 : vector<16xf32>
          %swap3A = arith.index_cast %scan3A_101 : i32 to index
          %swap3A_110 = arith.constant 0 : index
          %swap3A_111 = tpu.vector_load %arg15[%swap3A, %swap3A_110] {strides = array<i32>} : memref<688x64xf32, #tpu.memory_space<vmem>>, vector<16xf32>,
          tpu.vector_store %arg15[%swap3A, %swap3A_110], %mul3A_109 {strides = array<i32>} : memref<688x64xf32, #tpu.memory_space<vmem>>, vector<16xf32>,
          %get3A_112 = arith.index_cast %scan3A_101 : i32 to index
          %get3A_113 = arith.constant 16 : index
          %get3A_114 = tpu.vector_load %arg15[%get3A_112, %get3A_113] {strides = array<i32>} : memref<688x64xf32, #tpu.memory_space<vmem>>, vector<16xf32>,
          %slice3A_115 = vector.extract_strided_slice %get3A_104 {offsets = [5], sizes = [1], strides = [1]} : vector<16xf32> to vector<1xf32>
          %squeeze3A_116 = vector.extract %slice3A_115[0] : f32 from vector<1xf32>
          %mul3A_117 = vector.broadcast %squeeze3A_116 : f32 to vector<16xf32>
          %mul3A_118 = arith.mulf %get3A_114, %mul3A_117 : vector<16xf32>
          %swap3A_119 = arith.index_cast %scan3A_101 : i32 to index
          %swap3A_120 = arith.constant 16 : index
          %swap3A_121 = tpu.vector_load %arg15[%swap3A_119, %swap3A_120] {strides = array<i32>} : memref<688x64xf32, #tpu.memory_space<vmem>>, vector<16xf32>,
          tpu.vector_store %arg15[%swap3A_119, %swap3A_120], %mul3A_118 {strides = array<i32>} : memref<688x64xf32, #tpu.memory_space<vmem>>, vector<16xf32>,
          %get3A_122 = arith.index_cast %scan3A_101 : i32 to index
          %get3A_123 = arith.constant 32 : index
          %get3A_124 = tpu.vector_load %arg15[%get3A_122, %get3A_123] {strides = array<i32>} : memref<688x64xf32, #tpu.memory_space<vmem>>, vector<16xf32>,
          %slice3A_125 = vector.extract_strided_slice %get3A_104 {offsets = [6], sizes = [1], strides = [1]} : vector<16xf32> to vector<1xf32>
          %squeeze3A_126 = vector.extract %slice3A_125[0] : f32 from vector<1xf32>
          %mul3A_127 = vector.broadcast %squeeze3A_126 : f32 to vector<16xf32>
          %mul3A_128 = arith.mulf %get3A_124, %mul3A_127 : vector<16xf32>
          %swap3A_129 = arith.index_cast %scan3A_101 : i32 to index
          %swap3A_130 = arith.constant 32 : index
          %swap3A_131 = tpu.vector_load %arg15[%swap3A_129, %swap3A_130] {strides = array<i32>} : memref<688x64xf32, #tpu.memory_space<vmem>>, vector<16xf32>,
          tpu.vector_store %arg15[%swap3A_129, %swap3A_130], %mul3A_128 {strides = array<i32>} : memref<688x64xf32, #tpu.memory_space<vmem>>, vector<16xf32>,
          %get3A_132 = arith.index_cast %scan3A_101 : i32 to index
          %get3A_133 = arith.constant 48 : index
          %get3A_134 = tpu.vector_load %arg15[%get3A_132, %get3A_133] {strides = array<i32>} : memref<688x64xf32, #tpu.memory_space<vmem>>, vector<16xf32>,
          %slice3A_135 = vector.extract_strided_slice %get3A_104 {offsets = [7], sizes = [1], strides = [1]} : vector<16xf32> to vector<1xf32>
          %squeeze3A_136 = vector.extract %slice3A_135[0] : f32 from vector<1xf32>
          %mul3A_137 = vector.broadcast %squeeze3A_136 : f32 to vector<16xf32>
          %mul3A_138 = arith.mulf %get3A_134, %mul3A_137 : vector<16xf32>
          %swap3A_139 = arith.index_cast %scan3A_101 : i32 to index
          %swap3A_140 = arith.constant 48 : index
          %swap3A_141 = tpu.vector_load %arg15[%swap3A_139, %swap3A_140] {strides = array<i32>} : memref<688x64xf32, #tpu.memory_space<vmem>>, vector<16xf32>,
          tpu.vector_store %arg15[%swap3A_139, %swap3A_140], %mul3A_138 {strides = array<i32>} : memref<688x64xf32, #tpu.memory_space<vmem>>, vector<16xf32>,
          %scan3A_142 = arith.constant 0 : i32
          %scan3A_143 = arith.constant 1 : i32
          %scan3A_144 = arith.addi %scan3A_101, %scan3A_143 : i32
          %get3A_145 = arith.index_cast %scan3A_144 : i32 to index
          %get3A_146 = arith.constant 0 : index
          %get3A_147 = tpu.vector_load %arg14[%get3A_145, %get3A_146] {strides = array<i32>} : memref<688x16xf32, #tpu.memory_space<vmem>>, vector<16xf32>,
          %get3A_148 = arith.index_cast %scan3A_144 : i32 to index
          %get3A_149 = arith.constant 0 : index
          %get3A_150 = tpu.vector_load %arg15[%get3A_148, %get3A_149] {strides = array<i32>} : memref<688x64xf32, #tpu.memory_space<vmem>>, vector<16xf32>,
          %slice3A_151 = vector.extract_strided_slice %get3A_147 {offsets = [4], sizes = [1], strides = [1]} : vector<16xf32> to vector<1xf32>
          %squeeze3A_152 = vector.extract %slice3A_151[0] : f32 from vector<1xf32>
          %mul3A_153 = vector.broadcast %squeeze3A_152 : f32 to vector<16xf32>
          %mul3A_154 = arith.mulf %get3A_150, %mul3A_153 : vector<16xf32>
          %swap3A_155 = arith.index_cast %scan3A_144 : i32 to index
          %swap3A_156 = arith.constant 0 : index
          %swap3A_157 = tpu.vector_load %arg15[%swap3A_155, %swap3A_156] {strides = array<i32>} : memref<688x64xf32, #tpu.memory_space<vmem>>, vector<16xf32>,
          tpu.vector_store %arg15[%swap3A_155, %swap3A_156], %mul3A_154 {strides = array<i32>} : memref<688x64xf32, #tpu.memory_space<vmem>>, vector<16xf32>,
          %get3A_158 = arith.index_cast %scan3A_144 : i32 to index
          %get3A_159 = arith.constant 16 : index
          %get3A_160 = tpu.vector_load %arg15[%get3A_158, %get3A_159] {strides = array<i32>} : memref<688x64xf32, #tpu.memory_space<vmem>>, vector<16xf32>,
          %slice3A_161 = vector.extract_strided_slice %get3A_147 {offsets = [5], sizes = [1], strides = [1]} : vector<16xf32> to vector<1xf32>
          %squeeze3A_162 = vector.extract %slice3A_161[0] : f32 from vector<1xf32>
          %mul3A_163 = vector.broadcast %squeeze3A_162 : f32 to vector<16xf32>
          %mul3A_164 = arith.mulf %get3A_160, %mul3A_163 : vector<16xf32>
          %swap3A_165 = arith.index_cast %scan3A_144 : i32 to index
          %swap3A_166 = arith.constant 16 : index
          %swap3A_167 = tpu.vector_load %arg15[%swap3A_165, %swap3A_166] {strides = array<i32>} : memref<688x64xf32, #tpu.memory_space<vmem>>, vector<16xf32>,
          tpu.vector_store %arg15[%swap3A_165, %swap3A_166], %mul3A_164 {strides = array<i32>} : memref<688x64xf32, #tpu.memory_space<vmem>>, vector<16xf32>,
          %get3A_168 = arith.index_cast %scan3A_144 : i32 to index
          %get3A_169 = arith.constant 32 : index
          %get3A_170 = tpu.vector_load %arg15[%get3A_168, %get3A_169] {strides = array<i32>} : memref<688x64xf32, #tpu.memory_space<vmem>>, vector<16xf32>,
          %slice3A_171 = vector.extract_strided_slice %get3A_147 {offsets = [6], sizes = [1], strides = [1]} : vector<16xf32> to vector<1xf32>
          %squeeze3A_172 = vector.extract %slice3A_171[0] : f32 from vector<1xf32>
          %mul3A_173 = vector.broadcast %squeeze3A_172 : f32 to vector<16xf32>
          %mul3A_174 = arith.mulf %get3A_170, %mul3A_173 : vector<16xf32>
          %swap3A_175 = arith.index_cast %scan3A_144 : i32 to index
          %swap3A_176 = arith.constant 32 : index
          %swap3A_177 = tpu.vector_load %arg15[%swap3A_175, %swap3A_176] {strides = array<i32>} : memref<688x64xf32, #tpu.memory_space<vmem>>, vector<16xf32>,
          tpu.vector_store %arg15[%swap3A_175, %swap3A_176], %mul3A_174 {strides = array<i32>} : memref<688x64xf32, #tpu.memory_space<vmem>>, vector<16xf32>,
          %get3A_178 = arith.index_cast %scan3A_144 : i32 to index
          %get3A_179 = arith.constant 48 : index
          %get3A_180 = tpu.vector_load %arg15[%get3A_178, %get3A_179] {strides = array<i32>} : memref<688x64xf32, #tpu.memory_space<vmem>>, vector<16xf32>,
          %slice3A_181 = vector.extract_strided_slice %get3A_147 {offsets = [7], sizes = [1], strides = [1]} : vector<16xf32> to vector<1xf32>
          %squeeze3A_182 = vector.extract %slice3A_181[0] : f32 from vector<1xf32>
          %mul3A_183 = vector.broadcast %squeeze3A_182 : f32 to vector<16xf32>
          %mul3A_184 = arith.mulf %get3A_180, %mul3A_183 : vector<16xf32>
          %swap3A_185 = arith.index_cast %scan3A_144 : i32 to index
          %swap3A_186 = arith.constant 48 : index
          %swap3A_187 = tpu.vector_load %arg15[%swap3A_185, %swap3A_186] {strides = array<i32>} : memref<688x64xf32, #tpu.memory_space<vmem>>, vector<16xf32>,
          tpu.vector_store %arg15[%swap3A_185, %swap3A_186], %mul3A_184 {strides = array<i32>} : memref<688x64xf32, #tpu.memory_space<vmem>>, vector<16xf32>,
          %scan3A_188 = arith.constant 0 : i32
          scf.yield %scan3A_188 : i32
        }
        %scan3A_100 = arith.constant 688 : i32
      } else {
      }
      "tpu.region"() ({
        %run_scoped3A = tpu.sem_alloc : memref<!tpu.dma_semaphore, #tpu.memory_space<semaphore_mem>>
        %dma_start3A_94 = arith.constant 0 : i32
        %dma_start3A_95 = arith.constant 0 : i32
        %dma_start3A_96 = tpu.memref_slice %arg17[%dma_start3A_94, %dma_start3A_95] : memref<10240x64xf32, #tpu.memory_space<vmem_shared>> -> memref<10240x64xf32, #tpu.memory_space<vmem_shared>>
        tpu.enqueue_indirect_dma source(%arg15 : memref<688x64xf32, #tpu.memory_space<vmem>>) target(%dma_start3A_96 : memref<10240x64xf32, #tpu.memory_space<vmem_shared>>) offsets(%arg11 : memref<688xi32, #tpu.memory_space<vmem>>) semaphore(%run_scoped3A : memref<!tpu.dma_semaphore, #tpu.memory_space<semaphore_mem>>) {add = true}
        %dma_wait3A_97 = arith.constant 0 : i32
        %dma_wait3A_98 = arith.constant 0 : i32
        %dma_wait3A_99 = tpu.memref_slice %arg17[%dma_wait3A_97, %dma_wait3A_98] : memref<10240x64xf32, #tpu.memory_space<vmem_shared>> -> memref<10240x64xf32, #tpu.memory_space<vmem_shared>>
        tpu.wait_indirect_dma semaphore(%run_scoped3A : memref<!tpu.dma_semaphore, #tpu.memory_space<semaphore_mem>>) src(%arg15 : memref<688x64xf32, #tpu.memory_space<vmem>>) dst(%dma_wait3A_99 : memref<10240x64xf32, #tpu.memory_space<vmem_shared>>)
        tpu.yield
      }) : () -> ()
      %scan3A_93 = arith.constant 0 : i32
      scf.yield %scan3A_93 : i32
    }
    %scan3A_29 = arith.constant 30 : i32
    %barrier3A_30 = arith.constant 0 : index
    tpu.barrier barrier_id(%barrier3A_30)
    %mul3A_31 = arith.constant 640 : i32
    %mul3A_32 = arith.muli %arg1, %mul3A_31 : i32
    %eq3A = arith.constant 0 : i32
    %eq3A_33 = arith.cmpi eq, %arg0, %eq3A : i32
    %convert_element_type3A = arith.extui %eq3A_33 : i1 to i32
    %cond3A = arith.constant 0 : i32
    %cond3A_34 = arith.cmpi ne, %convert_element_type3A, %cond3A : i32
    scf.if %cond3A_34 {
      "tpu.region"() ({
        %run_scoped3A = tpu.sem_alloc : memref<!tpu.dma_semaphore, #tpu.memory_space<semaphore_mem>>
        %dma_start3A = arith.constant 0 : i32
        %dma_start3A_40 = tpu.memref_slice %arg7[%mul3A_32, %dma_start3A] : memref<10240x16xf32, #tpu.memory_space<hbm>> -> memref<640x16xf32, #tpu.memory_space<hbm>>
        %dma_start3A_41 = arith.constant 0 : i32
        %dma_start3A_42 = tpu.memref_slice %arg16[%mul3A_32, %dma_start3A_41] : memref<10240x16xf32, #tpu.memory_space<vmem_shared>> -> memref<640x16xf32, #tpu.memory_space<vmem_shared>>
        tpu.enqueue_dma source(%dma_start3A_42 : memref<640x16xf32, #tpu.memory_space<vmem_shared>>) target(%dma_start3A_40 : memref<640x16xf32, #tpu.memory_space<hbm>>) target_semaphore(%run_scoped3A : memref<!tpu.dma_semaphore, #tpu.memory_space<semaphore_mem>>)
        %dma_wait3A = arith.constant 0 : i32
        %dma_wait3A_43 = tpu.memref_slice %arg7[%mul3A_32, %dma_wait3A] : memref<10240x16xf32, #tpu.memory_space<hbm>> -> memref<640x16xf32, #tpu.memory_space<hbm>>
        %dma_wait3A_44 = arith.constant 0 : i32
        %dma_wait3A_45 = tpu.memref_slice %arg16[%mul3A_32, %dma_wait3A_44] : memref<10240x16xf32, #tpu.memory_space<vmem_shared>> -> memref<640x16xf32, #tpu.memory_space<vmem_shared>>
        tpu.wait_dma2 semaphore(%run_scoped3A : memref<!tpu.dma_semaphore, #tpu.memory_space<semaphore_mem>>) src(%dma_wait3A_45 : memref<640x16xf32, #tpu.memory_space<vmem_shared>>) dst(%dma_wait3A_43 : memref<640x16xf32, #tpu.memory_space<hbm>>)
        tpu.yield
      }) : () -> ()
      "tpu.region"() ({
        %run_scoped3A = tpu.sem_alloc : memref<!tpu.dma_semaphore, #tpu.memory_space<semaphore_mem>>
        %dma_start3A = arith.constant 0 : i32
        %dma_start3A_40 = tpu.memref_slice %arg8[%mul3A_32, %dma_start3A] : memref<10240x64xf32, #tpu.memory_space<hbm>> -> memref<640x64xf32, #tpu.memory_space<hbm>>
        %dma_start3A_41 = arith.constant 0 : i32
        %dma_start3A_42 = tpu.memref_slice %arg17[%mul3A_32, %dma_start3A_41] : memref<10240x64xf32, #tpu.memory_space<vmem_shared>> -> memref<640x64xf32, #tpu.memory_space<vmem_shared>>
        tpu.enqueue_dma source(%dma_start3A_42 : memref<640x64xf32, #tpu.memory_space<vmem_shared>>) target(%dma_start3A_40 : memref<640x64xf32, #tpu.memory_space<hbm>>) target_semaphore(%run_scoped3A : memref<!tpu.dma_semaphore, #tpu.memory_space<semaphore_mem>>)
        %dma_wait3A = arith.constant 0 : i32
        %dma_wait3A_43 = tpu.memref_slice %arg8[%mul3A_32, %dma_wait3A] : memref<10240x64xf32, #tpu.memory_space<hbm>> -> memref<640x64xf32, #tpu.memory_space<hbm>>
        %dma_wait3A_44 = arith.constant 0 : i32
        %dma_wait3A_45 = tpu.memref_slice %arg17[%mul3A_32, %dma_wait3A_44] : memref<10240x64xf32, #tpu.memory_space<vmem_shared>> -> memref<640x64xf32, #tpu.memory_space<vmem_shared>>
        tpu.wait_dma2 semaphore(%run_scoped3A : memref<!tpu.dma_semaphore, #tpu.memory_space<semaphore_mem>>) src(%dma_wait3A_45 : memref<640x64xf32, #tpu.memory_space<vmem_shared>>) dst(%dma_wait3A_43 : memref<640x64xf32, #tpu.memory_space<hbm>>)
        tpu.yield
      }) : () -> ()
    } else {
    }
    %eq3A_35 = arith.constant 1 : i32
    %eq3A_36 = arith.cmpi eq, %arg0, %eq3A_35 : i32
    %convert_element_type3A_37 = arith.extui %eq3A_36 : i1 to i32
    %cond3A_38 = arith.constant 0 : i32
    %cond3A_39 = arith.cmpi ne, %convert_element_type3A_37, %cond3A_38 : i32
    scf.if %cond3A_39 {
      "tpu.region"() ({
        %run_scoped3A = tpu.sem_alloc : memref<!tpu.dma_semaphore, #tpu.memory_space<semaphore_mem>>
        %dma_start3A = arith.constant 0 : i32
        %dma_start3A_40 = tpu.memref_slice %arg9[%mul3A_32, %dma_start3A] : memref<10240x64xf32, #tpu.memory_space<hbm>> -> memref<640x64xf32, #tpu.memory_space<hbm>>
        %dma_start3A_41 = arith.constant 0 : i32
        %dma_start3A_42 = tpu.memref_slice %arg17[%mul3A_32, %dma_start3A_41] : memref<10240x64xf32, #tpu.memory_space<vmem_shared>> -> memref<640x64xf32, #tpu.memory_space<vmem_shared>>
        tpu.enqueue_dma source(%dma_start3A_42 : memref<640x64xf32, #tpu.memory_space<vmem_shared>>) target(%dma_start3A_40 : memref<640x64xf32, #tpu.memory_space<hbm>>) target_semaphore(%run_scoped3A : memref<!tpu.dma_semaphore, #tpu.memory_space<semaphore_mem>>)
        %dma_wait3A = arith.constant 0 : i32
        %dma_wait3A_43 = tpu.memref_slice %arg9[%mul3A_32, %dma_wait3A] : memref<10240x64xf32, #tpu.memory_space<hbm>> -> memref<640x64xf32, #tpu.memory_space<hbm>>
        %dma_wait3A_44 = arith.constant 0 : i32
        %dma_wait3A_45 = tpu.memref_slice %arg17[%mul3A_32, %dma_wait3A_44] : memref<10240x64xf32, #tpu.memory_space<vmem_shared>> -> memref<640x64xf32, #tpu.memory_space<vmem_shared>>
        tpu.wait_dma2 semaphore(%run_scoped3A : memref<!tpu.dma_semaphore, #tpu.memory_space<semaphore_mem>>) src(%dma_wait3A_45 : memref<640x64xf32, #tpu.memory_space<vmem_shared>>) dst(%dma_wait3A_43 : memref<640x64xf32, #tpu.memory_space<hbm>>)
        tpu.yield
      }) : () -> ()
    } else {
    }
    return
  }
}

module attributes {stable_mosaic.version = 14 : i64} {
  func.func @_tc1_body(%arg0: i32, %arg1: memref<1024x128xf32, #tpu.memory_space<vmem>>, %arg2: memref<128x128xf32, #tpu.memory_space<vmem>>, %arg3: memref<128x16xf32, #tpu.memory_space<vmem>>, %arg4: memref<128x16xf32, #tpu.memory_space<vmem>>, %arg5: memref<2x1024x64xf32, #tpu.memory_space<vmem>>, %arg6: memref<1024x16xf32, #tpu.memory_space<vmem>>, %arg7: memref<1024x16xf32, #tpu.memory_space<vmem>>) attributes {dimension_semantics = [#tpu.dimension_semantics<arbitrary>], iteration_bounds = array<i64: 10>, scalar_prefetch = 0 : i64, scratch_operands = 0 : i64, tpu.core_type = #tpu.core_type<tc>, window_params = [{transform_indices = @transform_0, window_bounds = array<i64: 1024, 128>}, {pipeline_mode = #tpu.pipeline_mode<synchronous>, transform_indices = @transform_1, window_bounds = array<i64: 128, 128>}, {pipeline_mode = #tpu.pipeline_mode<synchronous>, transform_indices = @transform_2, window_bounds = array<i64: 128, 16>}, {pipeline_mode = #tpu.pipeline_mode<synchronous>, transform_indices = @transform_3, window_bounds = array<i64: 128, 16>}, {transform_indices = @transform_4, window_bounds = array<i64: 2, 1024, 64>}, {transform_indices = @transform_5, window_bounds = array<i64: 1024, 16>}, {transform_indices = @transform_6, window_bounds = array<i64: 1024, 16>}]} {
    %get3A = arith.constant 0 : index
    %get3A_0 = arith.constant 0 : index
    %get3A_1 = vector.load %arg1[%get3A, %get3A_0] : memref<1024x128xf32, #tpu.memory_space<vmem>>, vector<1024x128xf32>
    %get3A_2 = arith.constant 0 : index
    %get3A_3 = arith.constant 0 : index
    %get3A_4 = vector.load %arg2[%get3A_2, %get3A_3] : memref<128x128xf32, #tpu.memory_space<vmem>>, vector<128x128xf32>
    %dot_general3A = arith.constant dense<0.000000e+00> : vector<1024x128xf32>
    %dot_general3A_5 = tpu.matmul %get3A_1, %get3A_4, %dot_general3A {dimension_numbers = #tpu.dot_dimension_numbers<[1], [0], [0], [1], [0, 0, 1, 1], [], []>, transpose_lhs_hint = false} : vector<1024x128xf32>, vector<128x128xf32>, vector<1024x128xf32> -> vector<1024x128xf32>
    %slice3A = vector.extract_strided_slice %dot_general3A_5 {offsets = [0, 0], sizes = [1024, 64], strides = [1, 1]} : vector<1024x128xf32> to vector<1024x64xf32>
    %swap3A = arith.constant 0 : index
    %swap3A_6 = arith.constant 0 : index
    %swap3A_7 = arith.constant 0 : index
    %swap3A_8 = vector.load %arg5[%swap3A, %swap3A_6, %swap3A_7] : memref<2x1024x64xf32, #tpu.memory_space<vmem>>, vector<1x1024x64xf32>
    %swap3A_9 = vector.shape_cast %swap3A_8 : vector<1x1024x64xf32> to vector<1024x64xf32>
    %swap3A_10 = vector.shape_cast %slice3A : vector<1024x64xf32> to vector<1x1024x64xf32>
    tpu.vector_store %arg5[%swap3A, %swap3A_6, %swap3A_7], %swap3A_10 {strides = array<i32>} : memref<2x1024x64xf32, #tpu.memory_space<vmem>>, vector<1x1024x64xf32>,
    %slice3A_11 = vector.extract_strided_slice %dot_general3A_5 {offsets = [0, 64], sizes = [1024, 64], strides = [1, 1]} : vector<1024x128xf32> to vector<1024x64xf32>
    %swap3A_12 = arith.constant 1 : index
    %swap3A_13 = arith.constant 0 : index
    %swap3A_14 = arith.constant 0 : index
    %swap3A_15 = vector.load %arg5[%swap3A_12, %swap3A_13, %swap3A_14] : memref<2x1024x64xf32, #tpu.memory_space<vmem>>, vector<1x1024x64xf32>
    %swap3A_16 = vector.shape_cast %swap3A_15 : vector<1x1024x64xf32> to vector<1024x64xf32>
    %swap3A_17 = vector.shape_cast %slice3A_11 : vector<1024x64xf32> to vector<1x1024x64xf32>
    tpu.vector_store %arg5[%swap3A_12, %swap3A_13, %swap3A_14], %swap3A_17 {strides = array<i32>} : memref<2x1024x64xf32, #tpu.memory_space<vmem>>, vector<1x1024x64xf32>,
    %iota3A = tpu.iota {dimensions = array<i32: 1>} : vector<1024x16xi32>
    %lt3A = arith.constant 8 : i32
    %lt3A_18 = vector.broadcast %lt3A : i32 to vector<1024x16xi32>
    %lt3A_19 = arith.cmpi slt, %iota3A, %lt3A_18 : vector<1024x16xi32>
    %jit3A = arith.constant 1.000000e+00 : f32
    %jit3A_20 = arith.constant 2.000000e-01 : f32
    %broadcast_in_dim3A = vector.broadcast %jit3A : f32 to vector<1024x16xf32>
    %broadcast_in_dim3A_21 = vector.broadcast %jit3A_20 : f32 to vector<1024x16xf32>
    %select_n3A = arith.select %lt3A_19, %broadcast_in_dim3A, %broadcast_in_dim3A_21 : vector<1024x16xi1>, vector<1024x16xf32>
    %get3A_22 = arith.constant 0 : index
    %get3A_23 = arith.constant 0 : index
    %get3A_24 = vector.load %arg3[%get3A_22, %get3A_23] : memref<128x16xf32, #tpu.memory_space<vmem>>, vector<128x16xf32>
    %dot_general3A_25 = arith.constant dense<0.000000e+00> : vector<1024x16xf32>
    %dot_general3A_26 = tpu.matmul %dot_general3A_5, %get3A_24, %dot_general3A_25 {dimension_numbers = #tpu.dot_dimension_numbers<[1], [0], [0], [1], [0, 0, 1, 1], [], []>, transpose_lhs_hint = false} : vector<1024x128xf32>, vector<128x16xf32>, vector<1024x16xf32> -> vector<1024x16xf32>
    %get3A_27 = arith.constant 0 : index
    %get3A_28 = arith.constant 0 : index
    %get3A_29 = vector.load %arg4[%get3A_27, %get3A_28] : memref<128x16xf32, #tpu.memory_space<vmem>>, vector<128x16xf32>
    %dot_general3A_30 = arith.constant dense<0.000000e+00> : vector<1024x16xf32>
    %dot_general3A_31 = tpu.matmul %dot_general3A_5, %get3A_29, %dot_general3A_30 {dimension_numbers = #tpu.dot_dimension_numbers<[1], [0], [0], [1], [0, 0, 1, 1], [], []>, transpose_lhs_hint = false} : vector<1024x128xf32>, vector<128x16xf32>, vector<1024x16xf32> -> vector<1024x16xf32>
    %mul3A = arith.mulf %dot_general3A_26, %select_n3A : vector<1024x16xf32>
    %exp3A = math.exp %mul3A : vector<1024x16xf32>
    %swap3A_32 = arith.constant 0 : index
    %swap3A_33 = arith.constant 0 : index
    %swap3A_34 = vector.load %arg6[%swap3A_32, %swap3A_33] : memref<1024x16xf32, #tpu.memory_space<vmem>>, vector<1024x16xf32>
    tpu.vector_store %arg6[%swap3A_32, %swap3A_33], %exp3A {strides = array<i32>} : memref<1024x16xf32, #tpu.memory_space<vmem>>, vector<1024x16xf32>,
    %mul3A_35 = arith.mulf %dot_general3A_31, %select_n3A : vector<1024x16xf32>
    %exp3A_36 = math.exp %mul3A_35 : vector<1024x16xf32>
    %swap3A_37 = arith.constant 0 : index
    %swap3A_38 = arith.constant 0 : index
    %swap3A_39 = vector.load %arg7[%swap3A_37, %swap3A_38] : memref<1024x16xf32, #tpu.memory_space<vmem>>, vector<1024x16xf32>
    tpu.vector_store %arg7[%swap3A_37, %swap3A_38], %exp3A_36 {strides = array<i32>} : memref<1024x16xf32, #tpu.memory_space<vmem>>, vector<1024x16xf32>,
    return
  }
  func.func @transform_0(%arg0: i32) -> (i32, i32) {
    %c0_i32 = arith.constant 0 : i32
    %c0_i32_0 = arith.constant 0 : i32
    return %arg0, %c0_i32 : i32, i32
  }
  func.func @transform_1(%arg0: i32) -> (i32, i32) {
    %c0_i32 = arith.constant 0 : i32
    %c0_i32_0 = arith.constant 0 : i32
    %c0_i32_1 = arith.constant 0 : i32
    return %c0_i32, %c0_i32_0 : i32, i32
  }
  func.func @transform_2(%arg0: i32) -> (i32, i32) {
    %c0_i32 = arith.constant 0 : i32
    %c0_i32_0 = arith.constant 0 : i32
    %c0_i32_1 = arith.constant 0 : i32
    return %c0_i32, %c0_i32_0 : i32, i32
  }
  func.func @transform_3(%arg0: i32) -> (i32, i32) {
    %c0_i32 = arith.constant 0 : i32
    %c0_i32_0 = arith.constant 0 : i32
    %c0_i32_1 = arith.constant 0 : i32
    return %c0_i32, %c0_i32_0 : i32, i32
  }
  func.func @transform_4(%arg0: i32) -> (i32, i32, i32) {
    %c0_i32 = arith.constant 0 : i32
    %c0_i32_0 = arith.constant 0 : i32
    %c0_i32_1 = arith.constant 0 : i32
    return %c0_i32, %arg0, %c0_i32_0 : i32, i32, i32
  }
  func.func @transform_5(%arg0: i32) -> (i32, i32) {
    %c0_i32 = arith.constant 0 : i32
    %c0_i32_0 = arith.constant 0 : i32
    return %arg0, %c0_i32 : i32, i32
  }
  func.func @transform_6(%arg0: i32) -> (i32, i32) {
    %c0_i32 = arith.constant 0 : i32
    %c0_i32_0 = arith.constant 0 : i32
    return %arg0, %c0_i32 : i32, i32
  }
}

module attributes {stable_mosaic.version = 14 : i64} {
  func.func @_tc2_body(%arg0: i32, %arg1: memref<1024x64xf32, #tpu.memory_space<vmem>>, %arg2: memref<1024x64xf32, #tpu.memory_space<vmem>>, %arg3: memref<1024x16xf32, #tpu.memory_space<vmem>>, %arg4: memref<8x128xf32, #tpu.memory_space<vmem>>, %arg5: memref<1x128xf32, #tpu.memory_space<vmem>>, %arg6: memref<128x64xf32, #tpu.memory_space<vmem>>, %arg7: memref<64x8xf32, #tpu.memory_space<vmem>>, %arg8: memref<64x8xf32, #tpu.memory_space<vmem>>, %arg9: memref<2x1024x32xf32, #tpu.memory_space<vmem>>, %arg10: memref<1024x8xf32, #tpu.memory_space<vmem>>, %arg11: memref<1024x8xf32, #tpu.memory_space<vmem>>) attributes {dimension_semantics = [#tpu.dimension_semantics<arbitrary>], iteration_bounds = array<i64: 10>, scalar_prefetch = 0 : i64, scratch_operands = 0 : i64, tpu.core_type = #tpu.core_type<tc>, window_params = [{transform_indices = @transform_0, window_bounds = array<i64: 1024, 64>}, {transform_indices = @transform_1, window_bounds = array<i64: 1024, 64>}, {transform_indices = @transform_2, window_bounds = array<i64: 1024, 16>}, {pipeline_mode = #tpu.pipeline_mode<synchronous>, transform_indices = @transform_3, window_bounds = array<i64: 8, 128>}, {pipeline_mode = #tpu.pipeline_mode<synchronous>, transform_indices = @transform_4, window_bounds = array<i64: 1, 128>}, {pipeline_mode = #tpu.pipeline_mode<synchronous>, transform_indices = @transform_5, window_bounds = array<i64: 128, 64>}, {pipeline_mode = #tpu.pipeline_mode<synchronous>, transform_indices = @transform_6, window_bounds = array<i64: 64, 8>}, {pipeline_mode = #tpu.pipeline_mode<synchronous>, transform_indices = @transform_7, window_bounds = array<i64: 64, 8>}, {transform_indices = @transform_8, window_bounds = array<i64: 2, 1024, 32>}, {transform_indices = @transform_9, window_bounds = array<i64: 1024, 8>}, {transform_indices = @transform_10, window_bounds = array<i64: 1024, 8>}]} {
    %get3A = arith.constant 0 : index
    %get3A_0 = arith.constant 0 : index
    %get3A_1 = vector.load %arg3[%get3A, %get3A_0] : memref<1024x16xf32, #tpu.memory_space<vmem>>, vector<1024x16xf32>
    %slice3A = vector.extract_strided_slice %get3A_1 {offsets = [0, 0], sizes = [1024, 8], strides = [1, 1]} : vector<1024x16xf32> to vector<1024x8xf32>
    %get3A_2 = arith.constant 0 : index
    %get3A_3 = arith.constant 0 : index
    %get3A_4 = vector.load %arg4[%get3A_2, %get3A_3] : memref<8x128xf32, #tpu.memory_space<vmem>>, vector<8x128xf32>
    %dot_general3A = arith.constant dense<0.000000e+00> : vector<1024x128xf32>
    %dot_general3A_5 = tpu.matmul %slice3A, %get3A_4, %dot_general3A {dimension_numbers = #tpu.dot_dimension_numbers<[1], [0], [0], [1], [0, 0, 1, 1], [], []>, transpose_lhs_hint = false} : vector<1024x8xf32>, vector<8x128xf32>, vector<1024x128xf32> -> vector<1024x128xf32>
    %get3A_6 = arith.constant 0 : index
    %get3A_7 = arith.constant 0 : index
    %get3A_8 = vector.load %arg1[%get3A_6, %get3A_7] : memref<1024x64xf32, #tpu.memory_space<vmem>>, vector<1024x64xf32>
    %get3A_9 = arith.constant 0 : index
    %get3A_10 = arith.constant 0 : index
    %get3A_11 = vector.load %arg2[%get3A_9, %get3A_10] : memref<1024x64xf32, #tpu.memory_space<vmem>>, vector<1024x64xf32>
    %concatenate3A = tpu.concatenate %get3A_8, %get3A_11 in 1 : vector<1024x64xf32>, vector<1024x64xf32> -> vector<1024x128xf32>
    %add3A = arith.constant 1.000000e-16 : f32
    %add3A_12 = vector.broadcast %add3A : f32 to vector<1024x128xf32>
    %add3A_13 = arith.addf %dot_general3A_5, %add3A_12 : vector<1024x128xf32>
    %div3A = arith.divf %concatenate3A, %add3A_13 : vector<1024x128xf32>
    %get3A_14 = arith.constant 0 : index
    %get3A_15 = arith.constant 0 : index
    %get3A_16 = vector.load %arg5[%get3A_14, %get3A_15] : memref<1x128xf32, #tpu.memory_space<vmem>>, vector<1x128xf32>
    %add3A_17 = vector.broadcast %get3A_16 : vector<1x128xf32> to vector<1024x128xf32>
    %add3A_18 = arith.addf %div3A, %add3A_17 : vector<1024x128xf32>
    %gt3A = arith.constant 0.000000e+00 : f32
    %gt3A_19 = vector.broadcast %gt3A : f32 to vector<1024x128xf32>
    %gt3A_20 = arith.cmpf ogt, %add3A_18, %gt3A_19 : vector<1024x128xf32>
    %exp3A = math.exp %add3A_18 : vector<1024x128xf32>
    %sub3A = arith.constant 1.000000e+00 : f32
    %sub3A_21 = vector.broadcast %sub3A : f32 to vector<1024x128xf32>
    %sub3A_22 = arith.subf %exp3A, %sub3A_21 : vector<1024x128xf32>
    %select_n3A = arith.select %gt3A_20, %add3A_18, %sub3A_22 : vector<1024x128xi1>, vector<1024x128xf32>
    %get3A_23 = arith.constant 0 : index
    %get3A_24 = arith.constant 0 : index
    %get3A_25 = vector.load %arg6[%get3A_23, %get3A_24] : memref<128x64xf32, #tpu.memory_space<vmem>>, vector<128x64xf32>
    %dot_general3A_26 = arith.constant dense<0.000000e+00> : vector<1024x64xf32>
    %dot_general3A_27 = tpu.matmul %select_n3A, %get3A_25, %dot_general3A_26 {dimension_numbers = #tpu.dot_dimension_numbers<[1], [0], [0], [1], [0, 0, 1, 1], [], []>, transpose_lhs_hint = false} : vector<1024x128xf32>, vector<128x64xf32>, vector<1024x64xf32> -> vector<1024x64xf32>
    %slice3A_28 = vector.extract_strided_slice %dot_general3A_27 {offsets = [0, 0], sizes = [1024, 32], strides = [1, 1]} : vector<1024x64xf32> to vector<1024x32xf32>
    %swap3A = arith.constant 0 : index
    %swap3A_29 = arith.constant 0 : index
    %swap3A_30 = arith.constant 0 : index
    %swap3A_31 = vector.load %arg9[%swap3A, %swap3A_29, %swap3A_30] : memref<2x1024x32xf32, #tpu.memory_space<vmem>>, vector<1x1024x32xf32>
    %swap3A_32 = vector.shape_cast %swap3A_31 : vector<1x1024x32xf32> to vector<1024x32xf32>
    %swap3A_33 = vector.shape_cast %slice3A_28 : vector<1024x32xf32> to vector<1x1024x32xf32>
    tpu.vector_store %arg9[%swap3A, %swap3A_29, %swap3A_30], %swap3A_33 {strides = array<i32>} : memref<2x1024x32xf32, #tpu.memory_space<vmem>>, vector<1x1024x32xf32>,
    %slice3A_34 = vector.extract_strided_slice %dot_general3A_27 {offsets = [0, 32], sizes = [1024, 32], strides = [1, 1]} : vector<1024x64xf32> to vector<1024x32xf32>
    %swap3A_35 = arith.constant 1 : index
    %swap3A_36 = arith.constant 0 : index
    %swap3A_37 = arith.constant 0 : index
    %swap3A_38 = vector.load %arg9[%swap3A_35, %swap3A_36, %swap3A_37] : memref<2x1024x32xf32, #tpu.memory_space<vmem>>, vector<1x1024x32xf32>
    %swap3A_39 = vector.shape_cast %swap3A_38 : vector<1x1024x32xf32> to vector<1024x32xf32>
    %swap3A_40 = vector.shape_cast %slice3A_34 : vector<1024x32xf32> to vector<1x1024x32xf32>
    tpu.vector_store %arg9[%swap3A_35, %swap3A_36, %swap3A_37], %swap3A_40 {strides = array<i32>} : memref<2x1024x32xf32, #tpu.memory_space<vmem>>, vector<1x1024x32xf32>,
    %get3A_41 = arith.constant 0 : index
    %get3A_42 = arith.constant 0 : index
    %get3A_43 = vector.load %arg7[%get3A_41, %get3A_42] : memref<64x8xf32, #tpu.memory_space<vmem>>, vector<64x8xf32>
    %dot_general3A_44 = arith.constant dense<0.000000e+00> : vector<1024x8xf32>
    %dot_general3A_45 = tpu.matmul %dot_general3A_27, %get3A_43, %dot_general3A_44 {dimension_numbers = #tpu.dot_dimension_numbers<[1], [0], [0], [1], [0, 0, 1, 1], [], []>, transpose_lhs_hint = false} : vector<1024x64xf32>, vector<64x8xf32>, vector<1024x8xf32> -> vector<1024x8xf32>
    %swap3A_46 = arith.constant 0 : index
    %swap3A_47 = arith.constant 0 : index
    %swap3A_48 = vector.load %arg10[%swap3A_46, %swap3A_47] : memref<1024x8xf32, #tpu.memory_space<vmem>>, vector<1024x8xf32>
    tpu.vector_store %arg10[%swap3A_46, %swap3A_47], %dot_general3A_45 {strides = array<i32>} : memref<1024x8xf32, #tpu.memory_space<vmem>>, vector<1024x8xf32>,
    %get3A_49 = arith.constant 0 : index
    %get3A_50 = arith.constant 0 : index
    %get3A_51 = vector.load %arg8[%get3A_49, %get3A_50] : memref<64x8xf32, #tpu.memory_space<vmem>>, vector<64x8xf32>
    %dot_general3A_52 = arith.constant dense<0.000000e+00> : vector<1024x8xf32>
    %dot_general3A_53 = tpu.matmul %dot_general3A_27, %get3A_51, %dot_general3A_52 {dimension_numbers = #tpu.dot_dimension_numbers<[1], [0], [0], [1], [0, 0, 1, 1], [], []>, transpose_lhs_hint = false} : vector<1024x64xf32>, vector<64x8xf32>, vector<1024x8xf32> -> vector<1024x8xf32>
    %swap3A_54 = arith.constant 0 : index
    %swap3A_55 = arith.constant 0 : index
    %swap3A_56 = vector.load %arg11[%swap3A_54, %swap3A_55] : memref<1024x8xf32, #tpu.memory_space<vmem>>, vector<1024x8xf32>
    tpu.vector_store %arg11[%swap3A_54, %swap3A_55], %dot_general3A_53 {strides = array<i32>} : memref<1024x8xf32, #tpu.memory_space<vmem>>, vector<1024x8xf32>,
    return
  }
  func.func @transform_0(%arg0: i32) -> (i32, i32) {
    %c0_i32 = arith.constant 0 : i32
    %c0_i32_0 = arith.constant 0 : i32
    return %arg0, %c0_i32 : i32, i32
  }
  func.func @transform_1(%arg0: i32) -> (i32, i32) {
    %c0_i32 = arith.constant 0 : i32
    %c0_i32_0 = arith.constant 0 : i32
    return %arg0, %c0_i32 : i32, i32
  }
  func.func @transform_2(%arg0: i32) -> (i32, i32) {
    %c0_i32 = arith.constant 0 : i32
    %c0_i32_0 = arith.constant 0 : i32
    return %arg0, %c0_i32 : i32, i32
  }
  func.func @transform_3(%arg0: i32) -> (i32, i32) {
    %c0_i32 = arith.constant 0 : i32
    %c0_i32_0 = arith.constant 0 : i32
    %c0_i32_1 = arith.constant 0 : i32
    return %c0_i32, %c0_i32_0 : i32, i32
  }
  func.func @transform_4(%arg0: i32) -> (i32, i32) {
    %c0_i32 = arith.constant 0 : i32
    %c0_i32_0 = arith.constant 0 : i32
    %c0_i32_1 = arith.constant 0 : i32
    return %c0_i32, %c0_i32_0 : i32, i32
  }
  func.func @transform_5(%arg0: i32) -> (i32, i32) {
    %c0_i32 = arith.constant 0 : i32
    %c0_i32_0 = arith.constant 0 : i32
    %c0_i32_1 = arith.constant 0 : i32
    return %c0_i32, %c0_i32_0 : i32, i32
  }
  func.func @transform_6(%arg0: i32) -> (i32, i32) {
    %c0_i32 = arith.constant 0 : i32
    %c0_i32_0 = arith.constant 0 : i32
    %c0_i32_1 = arith.constant 0 : i32
    return %c0_i32, %c0_i32_0 : i32, i32
  }
  func.func @transform_7(%arg0: i32) -> (i32, i32) {
    %c0_i32 = arith.constant 0 : i32
    %c0_i32_0 = arith.constant 0 : i32
    %c0_i32_1 = arith.constant 0 : i32
    return %c0_i32, %c0_i32_0 : i32, i32
  }
  func.func @transform_8(%arg0: i32) -> (i32, i32, i32) {
    %c0_i32 = arith.constant 0 : i32
    %c0_i32_0 = arith.constant 0 : i32
    %c0_i32_1 = arith.constant 0 : i32
    return %c0_i32, %arg0, %c0_i32_0 : i32, i32, i32
  }
  func.func @transform_9(%arg0: i32) -> (i32, i32) {
    %c0_i32 = arith.constant 0 : i32
    %c0_i32_0 = arith.constant 0 : i32
    return %arg0, %c0_i32 : i32, i32
  }
  func.func @transform_10(%arg0: i32) -> (i32, i32) {
    %c0_i32 = arith.constant 0 : i32
    %c0_i32_0 = arith.constant 0 : i32
    return %arg0, %c0_i32 : i32, i32
  }
}

module attributes {stable_mosaic.version = 14 : i64} {
  func.func @_tc3_body(%arg0: i32, %arg1: memref<1024x32xf32, #tpu.memory_space<vmem>>, %arg2: memref<1024x32xf32, #tpu.memory_space<vmem>>, %arg3: memref<1024x1xf32, #tpu.memory_space<vmem>>, %arg4: memref<1x64xf32, #tpu.memory_space<vmem>>, %arg5: memref<1024x64xf32, #tpu.memory_space<vmem>>, %arg6: memref<1024x64xf32, #tpu.memory_space<vmem>>) attributes {dimension_semantics = [#tpu.dimension_semantics<arbitrary>], iteration_bounds = array<i64: 10>, scalar_prefetch = 0 : i64, scratch_operands = 0 : i64, tpu.core_type = #tpu.core_type<tc>, window_params = [{transform_indices = @transform_0, window_bounds = array<i64: 1024, 32>}, {transform_indices = @transform_1, window_bounds = array<i64: 1024, 32>}, {transform_indices = @transform_2, window_bounds = array<i64: 1024, 1>}, {pipeline_mode = #tpu.pipeline_mode<synchronous>, transform_indices = @transform_3, window_bounds = array<i64: 1, 64>}, {transform_indices = @transform_4, window_bounds = array<i64: 1024, 64>}, {transform_indices = @transform_5, window_bounds = array<i64: 1024, 64>}]} {
    %get3A = arith.constant 0 : index
    %get3A_0 = arith.constant 0 : index
    %get3A_1 = vector.load %arg3[%get3A, %get3A_0] : memref<1024x1xf32, #tpu.memory_space<vmem>>, vector<1024x1xf32>
    %add3A = arith.constant 1.000000e-16 : f32
    %add3A_2 = vector.broadcast %add3A : f32 to vector<1024x1xf32>
    %add3A_3 = arith.addf %get3A_1, %add3A_2 : vector<1024x1xf32>
    %get3A_4 = arith.constant 0 : index
    %get3A_5 = arith.constant 0 : index
    %get3A_6 = vector.load %arg1[%get3A_4, %get3A_5] : memref<1024x32xf32, #tpu.memory_space<vmem>>, vector<1024x32xf32>
    %get3A_7 = arith.constant 0 : index
    %get3A_8 = arith.constant 0 : index
    %get3A_9 = vector.load %arg2[%get3A_7, %get3A_8] : memref<1024x32xf32, #tpu.memory_space<vmem>>, vector<1024x32xf32>
    %concatenate3A = tpu.concatenate %get3A_6, %get3A_9 in 1 : vector<1024x32xf32>, vector<1024x32xf32> -> vector<1024x64xf32>
    %div3A = vector.broadcast %add3A_3 : vector<1024x1xf32> to vector<1024x64xf32>
    %div3A_10 = arith.divf %concatenate3A, %div3A : vector<1024x64xf32>
    %get3A_11 = arith.constant 0 : index
    %get3A_12 = arith.constant 0 : index
    %get3A_13 = vector.load %arg4[%get3A_11, %get3A_12] : memref<1x64xf32, #tpu.memory_space<vmem>>, vector<1x64xf32>
    %add3A_14 = vector.broadcast %get3A_13 : vector<1x64xf32> to vector<1024x64xf32>
    %add3A_15 = arith.addf %div3A_10, %add3A_14 : vector<1024x64xf32>
    %swap3A = arith.constant 0 : index
    %swap3A_16 = arith.constant 0 : index
    %swap3A_17 = vector.load %arg5[%swap3A, %swap3A_16] : memref<1024x64xf32, #tpu.memory_space<vmem>>, vector<1024x64xf32>
    tpu.vector_store %arg5[%swap3A, %swap3A_16], %add3A_15 {strides = array<i32>} : memref<1024x64xf32, #tpu.memory_space<vmem>>, vector<1024x64xf32>,
    %reduce_max3A = arith.constant dense<0xFF800000> : vector<1024xf32>
    %reduce_max3A_18 = vector.multi_reduction <maximumf>, %add3A_15, %reduce_max3A [1] : vector<1024x64xf32> to vector<1024xf32>
    %broadcast_in_dim3A = vector.shape_cast %reduce_max3A_18 : vector<1024xf32> to vector<1024x1xf32>
    %sub3A = vector.broadcast %broadcast_in_dim3A : vector<1024x1xf32> to vector<1024x64xf32>
    %sub3A_19 = arith.subf %add3A_15, %sub3A : vector<1024x64xf32>
    %exp3A = math.exp %sub3A_19 : vector<1024x64xf32>
    %reduce_sum3A = arith.constant dense<0.000000e+00> : vector<1024xf32>
    %reduce_sum3A_20 = vector.multi_reduction <add>, %exp3A, %reduce_sum3A [1] : vector<1024x64xf32> to vector<1024xf32>
    %broadcast_in_dim3A_21 = vector.shape_cast %reduce_sum3A_20 : vector<1024xf32> to vector<1024x1xf32>
    %log3A = math.log %broadcast_in_dim3A_21 : vector<1024x1xf32>
    %sub3A_22 = vector.broadcast %broadcast_in_dim3A : vector<1024x1xf32> to vector<1024x64xf32>
    %sub3A_23 = arith.subf %add3A_15, %sub3A_22 : vector<1024x64xf32>
    %sub3A_24 = vector.broadcast %log3A : vector<1024x1xf32> to vector<1024x64xf32>
    %sub3A_25 = arith.subf %sub3A_23, %sub3A_24 : vector<1024x64xf32>
    %swap3A_26 = arith.constant 0 : index
    %swap3A_27 = arith.constant 0 : index
    %swap3A_28 = vector.load %arg6[%swap3A_26, %swap3A_27] : memref<1024x64xf32, #tpu.memory_space<vmem>>, vector<1024x64xf32>
    tpu.vector_store %arg6[%swap3A_26, %swap3A_27], %sub3A_25 {strides = array<i32>} : memref<1024x64xf32, #tpu.memory_space<vmem>>, vector<1024x64xf32>,
    return
  }
  func.func @transform_0(%arg0: i32) -> (i32, i32) {
    %c0_i32 = arith.constant 0 : i32
    %c0_i32_0 = arith.constant 0 : i32
    return %arg0, %c0_i32 : i32, i32
  }
  func.func @transform_1(%arg0: i32) -> (i32, i32) {
    %c0_i32 = arith.constant 0 : i32
    %c0_i32_0 = arith.constant 0 : i32
    return %arg0, %c0_i32 : i32, i32
  }
  func.func @transform_2(%arg0: i32) -> (i32, i32) {
    %c0_i32 = arith.constant 0 : i32
    %c0_i32_0 = arith.constant 0 : i32
    return %arg0, %c0_i32 : i32, i32
  }
  func.func @transform_3(%arg0: i32) -> (i32, i32) {
    %c0_i32 = arith.constant 0 : i32
    %c0_i32_0 = arith.constant 0 : i32
    %c0_i32_1 = arith.constant 0 : i32
    return %c0_i32, %c0_i32_0 : i32, i32
  }
  func.func @transform_4(%arg0: i32) -> (i32, i32) {
    %c0_i32 = arith.constant 0 : i32
    %c0_i32_0 = arith.constant 0 : i32
    return %arg0, %c0_i32 : i32, i32
  }
  func.func @transform_5(%arg0: i32) -> (i32, i32) {
    %c0_i32 = arith.constant 0 : i32
    %c0_i32_0 = arith.constant 0 : i32
    return %arg0, %c0_i32 : i32, i32
  }
}

</mosaic_0001>

<sc_bundles>
// kernel: kernel.10.cloned.1.call-start
scs
__scs_entry_jumppad:
0x0: {  	(pc) =	sbr.rel $0x88, $3  }
0x1: {  	(tag) =	ssettag $0x0;
	lr =	simm.s32 $0x1  }
0x2: {  	[smem:$0x3F97] =	sst lr;
	_ =	strace $0xD0000000  }
0x3: {  	_ = 	snop  }
0x4: {  	_ = 	snop  }
0x5: {  	_ = 	snop  }
0x6: {  	_ = 	snop  }
0x7: {  	_ = 	snop  }
__scs_overlays_trampoline_lowered:
0x8: {  	[smem:$0x3FA6] =	sst s0  }
0x9: {  	[smem:$0x3FA7] =	sst s1  }
0xa: {  	[smem:$0x3FA8] =	sst s2  }
0xb: {  	[smem:$0x3FA9] =	sst s3  }
0xc: {  	[smem:$0x3FAA] =	sst s4  }
0xd: {  	[smem:$0x3FAB] =	sst s5  }
0xe: {  	[smem:$0x3FAC] =	sst s6  }
0xf: {  	[smem:$0x3FAD] =	sst s7  }
0x10: {  	[smem:$0x3FAE] =	sst s8  }
0x11: {  	[smem:$0x3FAF] =	sst s9;
	s0 =	simm.s32 @!p0 $0x0  }
0x12: {  	s1 =	sld [smem:$0x3F95];
	s0 =	simm.s32 @p0 $0x1  }
0x13: {  	[smem:$0x3FB0] =	sst s0;
	s0 =	simm.s32 @!p1 $0x0  }
0x14: {  	s2 =	sld [smem:$0x3F94];
	s0 =	simm.s32 @p1 $0x1  }
0x15: {  	[smem:$0x3FB1] =	sst s0;
	s0 =	simm.s32 @!p2 $0x0  }
0x16: {  	s3 =	sld [smem:$0x3FDB];
	s0 =	simm.s32 @p2 $0x1  }
0x17: {  	s4 =	simm.s32 $0x1BF5;
	[smem:$0x3FB3] =	sst s0  }
0x18: {  	s0 =	sld [smem:$0x3F96];
	_ =	swait.ge [sflag:s4], $0x0  }
0x19: {  	s7 =	sld [smem:$0x3F97]  }
0x1a: {  	s8 =	sadd.s32 $0xFFFFE003, lr  }
0x1b: {  	s9 =	sadd.s32 $0xFFFFFEF7, lr;
	s5 =	simm.s32 $0xFFFFFFFF;
	p2 =	slt.u32 s8, $0xFFFFF086  }
0x1c: {  	p1 =	slt.u32 s9, $0xF7A;
	s5 =	simm.s32 @!p2 $0x0  }
0x1d: {  	s5 =	simm.s32 @p1 $0x1;
	p0 =	seq.s32 s7, s2  }
0x1e: {  	s7 =	smul.u32 @!p0 $0xF7A, s2;
	p2 =	seq.s32 @!p0 s5, $0x0  }
0x1f: {  	s9 =	smul.u32 $0xF7A, s1;
	s8 =	simm.s32 @!p0 $0x1BF5;
	p2 =	por !p2, p0  }
0x20: {  	[sflag:s8] =	ssyncset.s32 @!p0 $0xFFFFF086;
	s6 =	sadd.s32 @!p0 s3, s7;
	s7 =	simm.s32 @!p0 $0x108  }
0x21: {  	s3 =	sadd.s32 s3, s9;
	s6 =	sadd.s32 @!p0 $0x88, s6;
	s7 =	simm.s32 @p2 $0x1082  }
0x22: {  	[simem:s7], [sflag:s8] =	dma.local @!p0 [hbm:s6], $0xF7A  }
0x23: {  	s9 =	sor.u32 $0xD0000000, s2;
	s6 =	simm.s32 $0x108;
	_ =	swait.ge @!p0 [sflag:s8], $0x0  }
0x24: {  	s3 =	sadd.s32 $0x88, s3;
	s6 =	simm.s32 @!p1 $0x1082;
	[sflag:s4] =	ssyncset.s32 $0xFFFFF086  }
0x25: {  	[simem:s6], [sflag:s4] =	dma.local [hbm:s3], $0xF7A  }
0x26: {  	[smem:$0x3F97] =	sst s1;
	(tag) =	ssettag s2;
	_ =	strace s9  }
0x27: {  	s1 =	sld [smem:$0x3FA7]  }
0x28: {  	s2 =	sld [smem:$0x3FA8]  }
0x29: {  	s4 =	sld [smem:$0x3FAA]  }
0x2a: {  	p0 =	seq.s32 s5, $0x0;
	s5 =	sld [smem:$0x3FAB]  }
0x2b: {  	s6 =	sld [smem:$0x3FAC]  }
0x2c: {  	s7 =	sld [smem:$0x3FAD]  }
0x2d: {  	s3 =	simm.s32 $0x108;
	s8 =	sld [smem:$0x3FAE]  }
0x2e: {  	s3 =	simm.s32 @!p0 $0x1082;
	s9 =	sld [smem:$0x3FAF]  }
0x2f: {  	lr =	sadd.s32 s0, s3;
	s0 =	sld [smem:$0x3FA6]  }
0x30: {  	s3 =	sld [smem:$0x3FA9]  }
0x31: {  	[smem:$0x3FB2] =	sst s10  }
0x32: {  	s10 =	sld [smem:$0x3FB0];
	_ =	sdelay $0x3  }
0x33: {  	p0 =	seq.s32 s10, $0x1;
	s10 =	sld [smem:$0x3FB2];
	_ =	sdelay $0x3  }
0x34: {  	[smem:$0x3FB2] =	sst s10  }
0x35: {  	s10 =	sld [smem:$0x3FB1];
	_ =	sdelay $0x3  }
0x36: {  	p1 =	seq.s32 s10, $0x1;
	s10 =	sld [smem:$0x3FB2];
	_ =	sdelay $0x3  }
0x37: {  	[smem:$0x3FB2] =	sst s10  }
0x38: {  	s10 =	sld [smem:$0x3FB3]  }
0x39: {  	_ = 	snop;
	(pc) =	sbr.ind lr, $3  }
0x3a: {  	_ = 	snop  }
0x3b: {  	_ = 	snop  }
0x3c: {  	p2 =	seq.s32 s10, $0x1;
	s10 =	sld [smem:$0x3FB2]  }
0x3d: {  	_ =	shalt  }
0x3e: {  	_ =	shalt  }
0x3f: {  	_ =	shalt  }
0x40: {  	_ =	shalt  }
0x41: {  	_ =	shalt  }
0x42: {  	_ =	shalt  }
0x43: {  	_ =	shalt  }
0x44: {  	_ =	shalt  }
0x45: {  	_ =	shalt  }
0x46: {  	_ =	shalt  }
0x47: {  	_ =	shalt  }
0x48: {  	_ =	shalt  }
0x49: {  	_ =	shalt  }
0x4a: {  	_ =	shalt  }
0x4b: {  	_ =	shalt  }
0x4c: {  	_ =	shalt  }
0x4d: {  	_ =	shalt  }
0x4e: {  	_ =	shalt  }
0x4f: {  	_ =	shalt  }
0x50: {  	_ =	shalt  }
0x51: {  	_ =	shalt  }
0x52: {  	_ =	shalt  }
0x53: {  	_ =	shalt  }
0x54: {  	_ =	shalt  }
0x55: {  	_ =	shalt  }
0x56: {  	_ =	shalt  }
0x57: {  	_ =	shalt  }
0x58: {  	_ =	shalt  }
0x59: {  	_ =	shalt  }
0x5a: {  	_ =	shalt  }
0x5b: {  	_ =	shalt  }
0x5c: {  	_ =	shalt  }
0x5d: {  	_ =	shalt  }
0x5e: {  	_ =	shalt  }
0x5f: {  	_ =	shalt  }
0x60: {  	_ =	shalt  }
0x61: {  	_ =	shalt  }
0x62: {  	_ =	shalt  }
0x63: {  	_ =	shalt  }
0x64: {  	_ =	shalt  }
0x65: {  	_ =	shalt  }
0x66: {  	_ =	shalt  }
0x67: {  	_ =	shalt  }
0x68: {  	_ =	shalt  }
0x69: {  	_ =	shalt  }
0x6a: {  	_ =	shalt  }
0x6b: {  	_ =	shalt  }
0x6c: {  	_ =	shalt  }
0x6d: {  	_ =	shalt  }
0x6e: {  	_ =	shalt  }
0x6f: {  	_ =	shalt  }
0x70: {  	_ =	shalt  }
0x71: {  	_ =	shalt  }
0x72: {  	_ =	shalt  }
0x73: {  	_ =	shalt  }
0x74: {  	_ =	shalt  }
0x75: {  	_ =	shalt  }
0x76: {  	_ =	shalt  }
0x77: {  	_ =	shalt  }
0x78: {  	_ =	shalt  }
0x79: {  	_ =	shalt  }
0x7a: {  	_ =	shalt  }
0x7b: {  	_ =	shalt  }
0x7c: {  	_ =	shalt  }
0x7d: {  	_ =	shalt  }
0x7e: {  	_ =	shalt  }
0x7f: {  	_ =	shalt  }
0x80: {  	_ =	shalt  }
0x81: {  	_ =	shalt  }
0x82: {  	_ =	shalt  }
0x83: {  	_ =	shalt  }
0x84: {  	_ =	shalt  }
0x85: {  	_ =	shalt  }
0x86: {  	_ =	shalt  }
0x87: {  	_ =	shalt  }
.Lfunc_end0:
.L_simem_size_0:
called_computation.1_lowered:
.L_overlay_start_0:
0x88: {  	s2 =	sld [smem:$0x3FD9]  }
0x89: {  	s3 =	sld [smem:$0x3FFE];
	_ =	sdelay $0x1  }
0x8a: {  	s1 =	srdreg.scid  }
0x8b: {  	s0 =	sand.u32 $0x1, s1  }
0x8c: {  	s14 =	sshll.u32 s0, $0xA;
	s2 =	sadd.s32 s3, s2  }
0x8d: {  	s2 =	sadd.s32 s2, s14  }
0x8e: {  	[smem:$0x3FBE] =	sst s2  }
0x8f: {  	_ = 	snop  }
0x90: {  	s2 =	sld [smem:$0x3FD0];
	_ =	sdelay $0x2  }
0x91: {  	s15 =	simm.s32 $0xA;
	s4 =	simm.s32 $0x10  }
0x92: {  	[smem:s4], [sflag:s15] =	dma.local [hbm:s2], $0x1  }
0x93: {  	_ =	swait.eq [sflag:s15], $0x1  }
0x94: {  	[sflag:s15] =	ssyncset.done $0x0  }
0x95: {  	s16 =	sld [smem:$0x10];
	[sflag:s15] =	ssyncadd.s32 $0xFFFFFFFF  }
0x96: {  	s17 =	sld [smem:$0x11];
	(tm) =	ssettm $0x1  }
0x97: {  	s18 =	sld [smem:$0x3FFB];
	_ =	sdelay $0x3  }
0x98: {  	_ =	strace s18  }
0x99: {  	s4 =	sld [smem:$0x3FFC];
	_ =	sdelay $0x3  }
0x9a: {  	_ =	strace s4  }
0x9b: {  	s4 =	sld [smem:$0x3FFD];
	_ =	sdelay $0x3  }
0x9c: {  	_ =	strace s4  }
0x9d: {  	_ =	strace $0x8FFFFFFF  }
0x9e: {  	s19 =	sld [smem:$0x3FDB];
	_ =	sdelay $0x1  }
0x9f: {  	s5 =	simm.s32 $_scs_section_size  }
0xa0: {  	s6 =	simm.s32 $_size__tile_overlayer_lowered;
	s7 =	simm.s32 $_tile_overlayer_lowered  }
0xa1: {  	s22 =	simm.s32 $0x1BFF;
	s21 =	sshll.u32 s7, $0x1;
	s4 =	sadd.s32 s5, s19  }
0xa2: {  	s8 =	simm.s32 $0x0;
	s20 =	sshll.u32 s6, $0x1;
	s6 =	sadd.s32 s21, s4  }
0xa3: {  	[timem:s8], [sflag:s22] =	dma.local [hbm:s6], s20  }
0xa4: {  	_ =	swait.ge [sflag:s22], s20  }
0xa5: {  	s5 =	ssub.s32 $0x0, s20;
	[sflag:s22] =	ssyncset.done $0x0  }
0xa6: {  	[sflag:s22] =	ssyncadd.s32 s5;
	_ =	sdelay $0x1  }
0xa7: {  	s23 =	simm.s32 $0x1B8B  }
0xa8: {  	_ =	swait.ge [sflag:s23], $0x1  }
0xa9: {  	[sflag:s23] =	ssyncset.done $0x0  }
0xaa: {  	s25 =	simm.s32 $0x1B8E;
	s24 =	sld [smem:$0x3FFE];
	[sflag:s23] =	ssyncadd.s32 $0xFFFFFFFF  }
0xab: {  	s26 =	simm.s32 $execute0_lowered;
	[smem:$0x3FD2] =	sst s25  }
0xac: {  	s6 =	sshll.u32 s26, $0x1;
	_ =	strace $0x80000049;
	[dreg:$0x1] =	wrdreg $0xFFFFFFFF  }
0xad: {  	s28 =	simm.s32 $_size_execute0_lowered;
	s4 =	sadd.s32 s4, s6;
	[dreg:$0x0] =	wrdreg $0x0  }
0xae: {  	s6 =	sshll.u32 s28, $0x1;
	[dreg:$0x2] =	wrdreg s4  }
0xaf: {  	[dreg:$0x3] =	wrdreg s6  }
0xb0: {  	[dreg:$0x4] =	wrdreg $0xC0  }
0xb1: {  	_ =	task [dreg:s8], $0x5FFFF  }
0xb2: {  	[dreg:$0x1] =	wrdreg $0xFFFFFFFF  }
0xb3: {  	[dreg:$0x0] =	wrdreg $0x60  }
0xb4: {  	[dreg:$0x2] =	wrdreg s17  }
0xb5: {  	[dreg:$0x3] =	wrdreg s16  }
0xb6: {  	[dreg:$0x4] =	wrdreg s24  }
0xb7: {  	[dreg:$0x5] =	wrdreg $0xB0900  }
0xb8: {  	[dreg:$0x6] =	wrdreg $0xAE100  }
0xb9: {  	[dreg:$0x7] =	wrdreg $0x9  }
0xba: {  	_ =	task.clear_ibuf [dreg:s8], $0x8FFFF;
	_ =	strace $0x90000049  }
0xbb: {  	s29 =	simm.s32 $0x9;
	_ =	strace $0x8000004B  }
0xbc: {  	_ =	swait.ge [sflag:s29], $0x1  }
0xbd: {  	[sflag:s29] =	ssyncadd.s32 $0xFFFFFFFF  }
0xbe: {  	_ =	strace $0x9000004B  }
0xbf: {  	_ =	sfence  }
0xc0: {  	s30 =	sld [smem:$0x0];
	_ =	sdelay $0x2  }
0xc1: {  	s31 =	sshll.u32 s1, $0xD;
	s1 =	sshrl.u32 s1, $0x2  }
0xc2: {  	s3 =	sand.u32 $0x4000, s31;
	s1 =	sadd.s32 s1, s30  }
0xc3: {  	s0 =	sor.u32 s3, s0;
	s1 =	sshll.u32 s1, $0x11  }
0xc4: {  	s0 =	sor.u32 s1, s0  }
0xc5: {  	s0 =	sadd.s32 $0x8F2B, s0  }
0xc6: {  	[sflag:s0] =	ssyncadd.remote.s32 $0x1  }
0xc7: {  	_ =	sfence.sel $0xFFFF  }
0xc8: {  	[dreg:$0x0] =	wrdreg $0xFFFFFFFF;
	(pc) =	sbr.abs _section_cstart, $3  }
0xc9: {  	[dreg:$0x1] =	wrdreg $0xFFFFFFFF  }
0xca: {  	_ =	task.clear_ibuf [dreg:s8], $0x2FFFF;
	_ =	strace $0x9FFFFFFF  }
0xcb: {  	(tm) =	ssettm $0x7FFFFFFF  }
tec
execute0_lowered:
.L_overlay_start_1:
0x0: {  	(tag) =	ssettag $0x1  }
0x1: {  	s1 =	rddreg [dreg:$0x0]  }
0x2: {  	s2 =	rddreg [dreg:$0x1]  }
0x3: {  	s9 =	rddreg [dreg:$0x2]  }
0x4: {  	s3 =	rddreg [dreg:$0x3]  }
0x5: {  	s4 =	rddreg [dreg:$0x4]  }
0x6: {  	s5 =	srdreg.scid;
	s0 =	rddreg [dreg:$0x5]  }
0x7: {  	s6 =	simm.s32 $0x0;
	s17 =	simm.s32 $0x5810;
	s18 =	simm.s32 $0x2  }
0x8: {  	s19 =	simm.s32 $0x5560;
	s20 =	simm.s32 $0x560;
	s21 =	simm.s32 $0x2D60  }
0x9: {  	s22 =	simm.s32 $0x2B0;
	s23 =	sand.u32 $0x1, s5;
	s5 =	stileid.u32  }
0xa: {  	s24 =	simm.s32 $0x0;
	[smem:$0x7FF] =	sst s6;
	s10 =	smul.u32 $0xA000, s23  }
0xb: {  	s7 =	sadd.s32 $0x2600, s9;
	s8 =	sadd.s32 $0x2C00, s9;
	s11 =	smul.u32 $0x280, s5  }
0xc: {  	_ =	strace $0x8000004A;
	s12 =	smul.u32 $0x5000, s5;
	s31 =	ssub.s32 $0x2, s23  }
0xd: {  	p0 =	seq.s32 s23, $0x1;
	p1 =	sne.s32 s23, $0x0;
	s23 =	simm.s32 $0x1  }
0xe: {  	s16 =	sshrl.u32 s31, $0x1;
	s13 =	sadd.s32 s10, s9;
	s14 =	sshrl.u32 s11, $0x3  }
0xf: {  	s15 =	sshrl.u32 s12, $0x3;
	s16 =	ssub.s32 s31, s16;
	s10 =	sadd.s32 s11, s4  }
0x10: {  	s11 =	smul.u32 $0x50A0, s5;
	s14 =	sadd.s32 s14, s9;
	s15 =	sadd.s32 s15, s9  }
0x11: {  	s9 =	sadd.s32 s12, s3;
	s12 =	sadd.s32 $0x3200, s13;
	s16 =	smax.u32 s16, $0x1  }
0x12: {  	v0 =	vimm.f32 $0.0e+00;
	s13 =	sadd.s32 $0x2B200, s14;
	s14 =	sadd.s32 $0x21200, s15;
	s15 =	sadd.s32 $0x17200, s15  }
.LBB2_1:
0x13: {  	s25 =	simm.s32 $0x5830  }
0x14: {  	[tilespmem:s25+$0xFFFFFFE0] =	vst v0  }
0x15: {  	[tilespmem:s25+$0x10] =	vst v0  }
0x16: {  	s26 =	simm.s32 $0x0;
	[tilespmem:s25+$0x0] =	vst v0  }
.LBB2_2:
0x17: {  	s26 =	sadd.s32 $0x2, s26  }
0x18: {  	[tilespmem:s25+$0xFFFFFFF0] =	vst v0;
	s25 =	sadd.s32 $0x40, s25;
	p2 =	slt.u32 s26, $0x27E  }
.Ltmp0:
0x19: {  	[tilespmem:s25+$0xFFFFFFE0] =	vst v0;
	(pc) =	sbr.rel @p2 .LBB2_2-.Ltmp0, $3  }
0x1a: {  	_ =	sdelay $0x1  }
0x1b: {  	[tilespmem:s25+$0x10] =	vst v0  }
0x1c: {  	[tilespmem:s25+$0x0] =	vst v0  }
0x1d: {  	[tilespmem:s25+$0xFFFFFFF0] =	vst v0  }
0x1e: {  	[tilespmem:$0x5560] =	vst v0  }
0x1f: {  	[tilespmem:$0x5570] =	vst v0  }
0x20: {  	[tilespmem:$0x5580] =	vst v0  }
0x21: {  	[tilespmem:$0x5590] =	vst v0  }
0x22: {  	[tilespmem:$0x55A0] =	vst v0  }
0x23: {  	[tilespmem:$0x55B0] =	vst v0  }
0x24: {  	[tilespmem:$0x55C0] =	vst v0  }
0x25: {  	[tilespmem:$0x55D0] =	vst v0  }
0x26: {  	[tilespmem:$0x55E0] =	vst v0  }
0x27: {  	[tilespmem:$0x55F0] =	vst v0  }
0x28: {  	[tilespmem:$0x5600] =	vst v0  }
0x29: {  	[tilespmem:$0x5610] =	vst v0  }
0x2a: {  	[tilespmem:$0x5620] =	vst v0  }
0x2b: {  	[tilespmem:$0x5630] =	vst v0  }
0x2c: {  	[tilespmem:$0x5640] =	vst v0  }
0x2d: {  	[tilespmem:$0x5650] =	vst v0  }
0x2e: {  	[tilespmem:$0x5660] =	vst v0  }
0x2f: {  	[tilespmem:$0x5670] =	vst v0  }
0x30: {  	[tilespmem:$0x5680] =	vst v0  }
0x31: {  	[tilespmem:$0x5690] =	vst v0  }
0x32: {  	[tilespmem:$0x56A0] =	vst v0  }
0x33: {  	[tilespmem:$0x56B0] =	vst v0  }
0x34: {  	[tilespmem:$0x56C0] =	vst v0  }
0x35: {  	[tilespmem:$0x56D0] =	vst v0  }
0x36: {  	[tilespmem:$0x56E0] =	vst v0  }
0x37: {  	[tilespmem:$0x56F0] =	vst v0  }
0x38: {  	[tilespmem:$0x5700] =	vst v0  }
0x39: {  	[tilespmem:$0x5710] =	vst v0  }
0x3a: {  	[tilespmem:$0x5720] =	vst v0  }
0x3b: {  	[tilespmem:$0x5730] =	vst v0  }
0x3c: {  	[tilespmem:$0x5740] =	vst v0  }
0x3d: {  	[tilespmem:$0x5750] =	vst v0  }
0x3e: {  	[tilespmem:$0x5760] =	vst v0  }
0x3f: {  	[tilespmem:$0x5770] =	vst v0  }
0x40: {  	[tilespmem:$0x5780] =	vst v0  }
0x41: {  	[tilespmem:$0x5790] =	vst v0  }
0x42: {  	[tilespmem:$0x57A0] =	vst v0  }
0x43: {  	[tilespmem:$0x57B0] =	vst v0  }
0x44: {  	[tilespmem:$0x57C0] =	vst v0  }
0x45: {  	[tilespmem:$0x57D0] =	vst v0  }
0x46: {  	[tilespmem:$0x57E0] =	vst v0  }
0x47: {  	[tilespmem:$0x57F0] =	vst v0  }
0x48: {  	[tilespmem:$0x5800] =	vst v0  }
0x49: {  	[spmem:s9] =	stream.linear.scatter [tilespmem:s17], [sflag:$0x2], $0x5000, $0x38;
	[tilespmem:$0x10090] =	vst v63  }
0x4a: {  	_ =	swait.ge [sflag:s18], $0x5000  }
0x4b: {  	[sflag:s18] =	ssyncset.done $0x0  }
0x4c: {  	[sflag:s18] =	ssyncadd.s32 $0xFFFFB000  }
0x4d: {  	[spmem:s10] =	stream.linear.scatter [tilespmem:s19], [sflag:$0x2], $0x280, $0x38;
	[tilespmem:$0x10090] =	vst v63  }
0x4e: {  	_ =	swait.ge [sflag:s18], $0x280  }
0x4f: {  	[sflag:s18] =	ssyncset.done $0x0  }
0x50: {  	s25 =	simm.s32 $0x0;
	[sflag:s18] =	ssyncadd.s32 $0xFFFFFD80  }
0x51: {  	[tilespmem:s20], [sflag:$0x2] =	stream.linear.gather [hbm4b:s7+s25], $0x2800, $0x38;
	[tilespmem:$0x10090] =	vst v63  }
0x52: {  	_ =	swait.ge [sflag:s18], $0x2800  }
0x53: {  	[sflag:s18] =	ssyncset.done $0x0  }
0x54: {  	[sflag:s18] =	ssyncadd.s32 $0xFFFFD800  }
0x55: {  	[tilespmem:s21], [sflag:$0x2] =	stream.linear.gather [hbm4b:s8+s25], $0x2800, $0x38;
	[tilespmem:$0x10090] =	vst v63  }
0x56: {  	_ =	swait.ge [sflag:s18], $0x2800  }
0x57: {  	[sflag:s18] =	ssyncset.done $0x0  }
0x58: {  	[sflag:s18] =	ssyncadd.s32 $0xFFFFD800  }
0x59: {  	[bflag:$0x0] =	sbarrier.arrive $0xFFFF  }
.LBB2_4:
0x5a: {  	s26 =	smul.u32 $0x2B0, s25;
	_ =	sdelay $0x1  }
0x5b: {  	s26 =	sadd.s32 s11, s26  }
0x5c: {  	s26 =	sshrl.u32 s26, $0x3  }
0x5d: {  	s28 =	sadd.s32 s1, s26  }
0x5e: {  	[tilespmem:s6], [sflag:$0x2] =	stream.linear.gather [hbm4b:s28+s6], $0x2B0, $0x38;
	[tilespmem:$0x10090] =	vst v63  }
0x5f: {  	_ =	swait.ge [sflag:s18], $0x2B0  }
0x60: {  	[sflag:s18] =	ssyncset.done $0x0  }
0x61: {  	s26 =	sadd.s32 s2, s26;
	[sflag:s18] =	ssyncadd.s32 $0xFFFFFD50  }
0x62: {  	[tilespmem:s22], [sflag:$0x2] =	stream.linear.gather [hbm4b:s26+s6], $0x2B0, $0x38;
	[tilespmem:$0x10090] =	vst v63  }
0x63: {  	_ =	swait.ge [sflag:s18], $0x2B0  }
0x64: {  	s29 =	simm.s32 $0x2D0;
	s30 =	simm.s32 $0x5580;
	[sflag:s18] =	ssyncset.done $0x0  }
0x65: {  	s28 =	simm.s32 $0x20;
	s26 =	simm.s32 $0xFFFFFFFC;
	[sflag:s18] =	ssyncadd.s32 $0xFFFFFD50  }
0x66: {  	[tilespmem:s17], [sflag:$0x1] =	stream.indirect.gather [hbm4b:s12+s22], $0x20, s6, s22, $0xb8;
	[tilespmem:$0x10090] =	vst v63  }
.LBB2_5:
0x67: {  	v1 =	vld [tilespmem:s28+$0xFFFFFFE0]  }
0x68: {  	v2 =	vld [tilespmem:s29+$0xFFFFFFE0];
	_ =	sdelay $0x6  }
0x69: {  	v1 =	vld.idx.msk [tilespmem:v1+s20+$0x0], $0xffff  }
0x6a: {  	v2 =	vld.idx.msk [tilespmem:v2+s21+$0x0], $0xffff;
	_ =	sdelay $0x4  }
0x6b: {  	v1 =	vadd.f32 v2, v1;
	_ =	sdelay $0x1  }
0x6c: {  	v2 =	vmul.f32 $2.000000030e-01, v1  }
0x6d: {  	vm0 =	vge.f32 v1, $0.0e+00  }
0x6e: {  	v1 =	vsel vm0, v1, v2  }
0x6f: {  	v1 =	vmul.f32 $1.442695020e+00, v1;
	_ =	sdelay $0x1  }
0x70: {  	(erf) = vpow2.f32 v1;
	_ =	sdelay $0x8  }
0x71: {  	v1 =	vpop (erf)  }
0x72: {  	[tilespmem:s30+$0xFFFFFFE0] =	vst v1  }
0x73: {  	v1 =	vld [tilespmem:s28+$0xFFFFFFF0]  }
0x74: {  	v2 =	vld [tilespmem:s29+$0xFFFFFFF0];
	_ =	sdelay $0x6  }
0x75: {  	v1 =	vld.idx.msk [tilespmem:v1+s20+$0x0], $0xffff  }
0x76: {  	v2 =	vld.idx.msk [tilespmem:v2+s21+$0x0], $0xffff;
	_ =	sdelay $0x4  }
0x77: {  	v1 =	vadd.f32 v2, v1;
	_ =	sdelay $0x1  }
0x78: {  	v2 =	vmul.f32 $2.000000030e-01, v1  }
0x79: {  	vm13 =	vge.f32 v1, $0.0e+00  }
0x7a: {  	v1 =	vsel vm13, v1, v2  }
0x7b: {  	v1 =	vmul.f32 $1.442695020e+00, v1;
	_ =	sdelay $0x1  }
0x7c: {  	(erf) = vpow2.f32 v1;
	_ =	sdelay $0x8  }
0x7d: {  	v1 =	vpop (erf)  }
0x7e: {  	[tilespmem:s30+$0xFFFFFFF0] =	vst v1  }
0x7f: {  	v1 =	vld [tilespmem:s28+$0x0]  }
0x80: {  	v2 =	vld [tilespmem:s29+$0x0];
	_ =	sdelay $0x6  }
0x81: {  	v1 =	vld.idx.msk [tilespmem:v1+s20+$0x0], $0xffff  }
0x82: {  	v2 =	vld.idx.msk [tilespmem:v2+s21+$0x0], $0xffff;
	_ =	sdelay $0x4  }
0x83: {  	v1 =	vadd.f32 v2, v1;
	_ =	sdelay $0x1  }
0x84: {  	v2 =	vmul.f32 $2.000000030e-01, v1  }
0x85: {  	vm14 =	vge.f32 v1, $0.0e+00  }
0x86: {  	v1 =	vsel vm14, v1, v2  }
0x87: {  	v1 =	vmul.f32 $1.442695020e+00, v1;
	_ =	sdelay $0x1  }
0x88: {  	(erf) = vpow2.f32 v1;
	_ =	sdelay $0x8  }
0x89: {  	v1 =	vpop (erf)  }
0x8a: {  	[tilespmem:s30+$0x0] =	vst v1  }
0x8b: {  	v1 =	vld [tilespmem:s28+$0x10]  }
0x8c: {  	v2 =	vld [tilespmem:s29+$0x10];
	_ =	sdelay $0x6  }
0x8d: {  	v1 =	vld.idx.msk [tilespmem:v1+s20+$0x0], $0xffff  }
0x8e: {  	v2 =	vld.idx.msk [tilespmem:v2+s21+$0x0], $0xffff;
	_ =	sdelay $0x4  }
0x8f: {  	v1 =	vadd.f32 v2, v1;
	_ =	sdelay $0x1  }
0x90: {  	v2 =	vmul.f32 $2.000000030e-01, v1  }
0x91: {  	vm15 =	vge.f32 v1, $0.0e+00  }
0x92: {  	v1 =	vsel vm15, v1, v2  }
0x93: {  	v1 =	vmul.f32 $1.442695020e+00, v1;
	_ =	sdelay $0x1  }
0x94: {  	(erf) = vpow2.f32 v1;
	_ =	sdelay $0x3  }
0x95: {  	s26 =	sadd.s32 $0x4, s26  }
0x96: {  	p2 =	slt.u32 s26, $0x24  }
.Ltmp1:
0x97: {  	_ = 	snop;
	(pc) =	sbr.rel @p2 .LBB2_5-.Ltmp1, $3  }
0x98: {  	_ =	sdelay $0x1  }
0x99: {  	v1 =	vpop (erf)  }
0x9a: {  	s28 =	sadd.s32 $0x40, s28;
	s29 =	sadd.s32 $0x40, s29;
	[tilespmem:s30+$0x10] =	vst v1;
	s30 =	sadd.s32 $0x40, s30  }
0x9b: {  	v1 =	vld [tilespmem:$0x280]  }
0x9c: {  	v2 =	vld [tilespmem:$0x530];
	_ =	sdelay $0x6  }
0x9d: {  	v1 =	vld.idx.msk [tilespmem:v1+s20+$0x0], $0xffff  }
0x9e: {  	v2 =	vld.idx.msk [tilespmem:v2+s21+$0x0], $0xffff;
	_ =	sdelay $0x4  }
0x9f: {  	v1 =	vadd.f32 v2, v1;
	_ =	sdelay $0x1  }
0xa0: {  	v2 =	vmul.f32 $2.000000030e-01, v1  }
0xa1: {  	vm0 =	vge.f32 v1, $0.0e+00  }
0xa2: {  	v1 =	vsel vm0, v1, v2  }
0xa3: {  	v1 =	vmul.f32 $1.442695020e+00, v1;
	_ =	sdelay $0x1  }
0xa4: {  	(erf) = vpow2.f32 v1;
	_ =	sdelay $0x2  }
0xa5: {  	v1 =	vld [tilespmem:$0x290]  }
0xa6: {  	v2 =	vld [tilespmem:$0x540];
	_ =	sdelay $0x4  }
0xa7: {  	v3 =	vpop (erf)  }
0xa8: {  	[tilespmem:$0x57E0] =	vst v3  }
0xa9: {  	v1 =	vld.idx.msk [tilespmem:v1+s20+$0x0], $0xffff  }
0xaa: {  	v2 =	vld.idx.msk [tilespmem:v2+s21+$0x0], $0xffff;
	_ =	sdelay $0x4  }
0xab: {  	v1 =	vadd.f32 v2, v1;
	_ =	sdelay $0x1  }
0xac: {  	v2 =	vmul.f32 $2.000000030e-01, v1  }
0xad: {  	vm14 =	vge.f32 v1, $0.0e+00  }
0xae: {  	v1 =	vsel vm14, v1, v2  }
0xaf: {  	v1 =	vmul.f32 $1.442695020e+00, v1;
	_ =	sdelay $0x1  }
0xb0: {  	(erf) = vpow2.f32 v1;
	_ =	sdelay $0x2  }
0xb1: {  	v1 =	vld [tilespmem:$0x2A0]  }
0xb2: {  	v2 =	vld [tilespmem:$0x550];
	_ =	sdelay $0x4  }
0xb3: {  	v3 =	vpop (erf)  }
0xb4: {  	[tilespmem:$0x57F0] =	vst v3  }
0xb5: {  	v1 =	vld.idx.msk [tilespmem:v1+s20+$0x0], $0xffff  }
0xb6: {  	v2 =	vld.idx.msk [tilespmem:v2+s21+$0x0], $0xffff;
	_ =	sdelay $0x4  }
0xb7: {  	v1 =	vadd.f32 v2, v1;
	_ =	sdelay $0x1  }
0xb8: {  	v2 =	vmul.f32 $2.000000030e-01, v1  }
0xb9: {  	vm15 =	vge.f32 v1, $0.0e+00  }
0xba: {  	v1 =	vsel vm15, v1, v2  }
0xbb: {  	v1 =	vmul.f32 $1.442695020e+00, v1;
	_ =	sdelay $0x1  }
0xbc: {  	(erf) = vpow2.f32 v1;
	_ =	sdelay $0x8  }
0xbd: {  	v1 =	vpop (erf)  }
0xbe: {  	s26 =	simm.s32 @!p1 $0x2B0;
	s28 =	simm.s32 @!p1 $0x5560;
	[tilespmem:$0x5800] =	vst v1  }
0xbf: {  	[spmem:s4] =	stream.indirect.scatter.add.f32 @!p1 [tilespmem:s28], [sflag:$0x2], $0x1, s26, s26, $0xb8;
	[tilespmem:$0x10090] =	vst v63  }
0xc0: {  	s26 =	simm.s32 @!p1 $0x2  }
0xc1: {  	_ =	swait.ge @!p1 [sflag:s26], $0x2B0  }
0xc2: {  	[sflag:s26] =	ssyncset.done @!p1 $0x0  }
0xc3: {  	[sflag:s26] =	ssyncadd.s32 @!p1 $0xFFFFFD50  }
0xc4: {  	_ =	swait.ge [sflag:s23], $0x5600  }
0xc5: {  	[sflag:s23] =	ssyncset.done $0x0  }
0xc6: {  	s26 =	simm.s32 $0x5910;
	[sflag:s23] =	ssyncadd.s32 $0xFFFFAA00  }
0xc7: {  	v6 =	vld [tilespmem:s26+$0xFFFFFFA0]  }
0xc8: {  	v4 =	vld [tilespmem:s26+$0xFFFFFFF0]  }
0xc9: {  	v1 =	vld [tilespmem:s26+$0xFFFFFF60]  }
0xca: {  	v7 =	vld [tilespmem:s26+$0xFFFFFFD0]  }
0xcb: {  	v8 =	vld [tilespmem:s26+$0x80]  }
0xcc: {  	v11 =	vld [tilespmem:s26+$0xFFFFFF10]  }
0xcd: {  	v15 =	vld [tilespmem:s26+$0xE0]  }
0xce: {  	v10 =	vld [tilespmem:s26+$0xFFFFFF40]  }
0xcf: {  	s28 =	simm.s32 $0x0;
	v2 =	vld [tilespmem:s26+$0xFFFFFF90]  }
0xd0: {  	v3 =	vld [tilespmem:s28+$0x5560]  }
0xd1: {  	v9 =	vld [tilespmem:s26+$0xFFFFFFC0]  }
0xd2: {  	v12 =	vld [tilespmem:s26+$0xFFFFFF00]  }
0xd3: {  	v13 =	vld [tilespmem:s26+$0xD0]  }
0xd4: {  	v22 =	vld [tilespmem:s26+$0xC0]  }
0xd5: {  	v20 =	vld [tilespmem:s26+$0x90];
	v18 =	vbroadcast v3, $0x0;
	v5 =	vbroadcast v3, $0xF  }
0xd6: {  	v21 =	vld [tilespmem:s26+$0xFFFFFF50];
	v19 =	vbroadcast v3, $0x2;
	v17 =	vbroadcast v3, $0xE  }
0xd7: {  	v16 =	vld [tilespmem:s26+$0xB0];
	v14 =	vbroadcast v3, $0xC;
	v24 =	vmul.f32 v18, v12  }
0xd8: {  	s29 =	simm.s32 $0x5910;
	s28 =	simm.s32 $0x40;
	v12 =	vbroadcast v3, $0xD;
	v23 =	vmul.f32 v10, v19;
	v10 =	vld [tilespmem:s26+$0x60]  }
.LBB2_7:
0xd9: {  	p2 =	sne.s32 s28, $0xA80  }
0xda: {  	[tilespmem:s26+$0xFFFFFF00] =	vst v24;
	v24 =	vld [tilespmem:s26+$0xFFFFFFB0];
	v22 =	vmul.f32 v22, v17;
	v15 =	vmul.f32 v15, v5;
	s29 =	sadd.s32 $0x200, s29;
	s30 =	smov.u32 s28;
	s28 =	sadd.s32 $0x40, s28  }
0xdb: {  	[tilespmem:s26+$0xFFFFFF40] =	vst v23;
	v23 =	vbroadcast v3, $0xA;
	v20 =	vmul.f32 v20, v14;
	v25 =	vld [tilespmem:s26+$0xA0]  }
0xdc: {  	v11 =	vmul.f32 v11, v18;
	v18 =	vmul.f32 v21, v19;
	v19 =	vld [tilespmem:s26+$0x70];
	[tilespmem:s26+$0xE0] =	vst v15  }
0xdd: {  	v15 =	vbroadcast v3, $0x5;
	v21 =	vld [tilespmem:s26+$0xFFFFFFE0];
	v16 =	vmul.f32 v16, v12;
	[tilespmem:s26+$0xC0] =	vst v22  }
0xde: {  	v13 =	vmul.f32 v13, v17;
	[tilespmem:s26+$0xFFFFFF10] =	vst v11;
	v11 =	vbroadcast v3, $0x6;
	v22 =	vld [tilespmem:s26+$0x40]  }
0xdf: {  	v26 =	vbroadcast v3, $0xB;
	v6 =	vmul.f32 v6, v15;
	v17 =	vld [tilespmem:s26+$0xFFFFFF20];
	[tilespmem:s26+$0x90] =	vst v20  }
0xe0: {  	v20 =	vbroadcast v3, $0x9;
	[tilespmem:s26+$0xFFFFFF50] =	vst v18;
	v18 =	vld [tilespmem:s26+$0x20];
	v12 =	vmul.f32 v25, v12  }
0xe1: {  	v15 =	vmul.f32 v24, v15;
	v24 =	vld [tilespmem:s26+$0x50];
	v19 =	vmul.f32 v19, v26;
	[tilespmem:s26+$0xD0] =	vst v13  }
0xe2: {  	v8 =	vmul.f32 v8, v14;
	v13 =	vbroadcast v3, $0x7;
	v25 =	vld [tilespmem:s26+$0x30];
	[tilespmem:s26+$0xA0] =	vst v12  }
0xe3: {  	v9 =	vmul.f32 v9, v11;
	v12 =	vbroadcast v3, $0x3;
	v14 =	vld [tilespmem:s26+$0x0];
	[tilespmem:s26+$0x70] =	vst v19  }
0xe4: {  	v10 =	vmul.f32 v10, v26;
	v7 =	vmul.f32 v7, v11;
	v11 =	vld [tilespmem:s26+$0x10];
	[tilespmem:s26+$0x80] =	vst v8  }
0xe5: {  	v19 =	vbroadcast v3, $0x8;
	v22 =	vmul.f32 v22, v23;
	v8 =	vld [tilespmem:s26+$0xFFFFFF30];
	[tilespmem:s26+$0xB0] =	vst v16  }
0xe6: {  	v16 =	vbroadcast v3, $0x1;
	v26 =	vld [tilespmem:s26+$0xFFFFFF70];
	[tilespmem:s26+$0xFFFFFFD0] =	vst v7;
	v23 =	vmul.f32 v24, v23  }
0xe7: {  	v4 =	vmul.f32 v4, v13;
	v7 =	vmul.f32 v21, v13;
	[tilespmem:s26+$0xFFFFFFC0] =	vst v9;
	v9 =	vld [tilespmem:s26+$0xF0]  }
0xe8: {  	v21 =	vmul.f32 v25, v20;
	v13 =	vld [tilespmem:s26+$0xFFFFFF80];
	[tilespmem:s26+$0xFFFFFFA0] =	vst v6;
	v14 =	vmul.f32 v14, v19  }
0xe9: {  	v6 =	vld [tilespmem:s29+$0xFFFFFFA0];
	[tilespmem:s26+$0xFFFFFFF0] =	vst v4;
	v19 =	vmul.f32 v11, v19;
	v11 =	vmul.f32 v18, v20  }
0xea: {  	v4 =	vmul.f32 v17, v16;
	v16 =	vmul.f32 v8, v16;
	[tilespmem:s26+$0x60] =	vst v10  }
0xeb: {  	v1 =	vmul.f32 v1, v12;
	v8 =	vmul.f32 v26, v12;
	[tilespmem:s26+$0xFFFFFFB0] =	vst v15  }
0xec: {  	v3 =	vbroadcast v3, $0x4;
	[tilespmem:s26+$0xFFFFFF20] =	vst v4;
	v4 =	vmul.f32 v9, v5  }
0xed: {  	[tilespmem:s26+$0xFFFFFF60] =	vst v1  }
0xee: {  	v5 =	vmul.f32 v13, v3;
	v1 =	vmul.f32 v2, v3;
	[tilespmem:s26+$0x40] =	vst v22  }
0xef: {  	[tilespmem:s26+$0xFFFFFFE0] =	vst v7  }
0xf0: {  	[tilespmem:s26+$0xF0] =	vst v4  }
0xf1: {  	[tilespmem:s26+$0xFFFFFF90] =	vst v1  }
0xf2: {  	v4 =	vld [tilespmem:s29+$0xFFFFFFF0];
	[tilespmem:s26+$0xFFFFFF70] =	vst v8  }
0xf3: {  	v1 =	vld [tilespmem:s29+$0xFFFFFF60];
	[tilespmem:s26+$0x20] =	vst v11  }
0xf4: {  	v7 =	vld [tilespmem:s29+$0xFFFFFFD0];
	[tilespmem:s26+$0x30] =	vst v21  }
0xf5: {  	v8 =	vld [tilespmem:s29+$0x80];
	[tilespmem:s26+$0xFFFFFF80] =	vst v5  }
0xf6: {  	v11 =	vld [tilespmem:s29+$0xFFFFFF10];
	[tilespmem:s26+$0x50] =	vst v23  }
0xf7: {  	v15 =	vld [tilespmem:s29+$0xE0];
	[tilespmem:s26+$0x0] =	vst v14  }
0xf8: {  	v10 =	vld [tilespmem:s29+$0xFFFFFF40];
	[tilespmem:s26+$0xFFFFFF30] =	vst v16  }
0xf9: {  	s30 =	sshra.s32 s30, $0x2;
	v2 =	vld [tilespmem:s29+$0xFFFFFF90];
	[tilespmem:s26+$0x10] =	vst v19;
	s26 =	smov.u32 s29  }
0xfa: {  	v3 =	vld [tilespmem:s30+$0x5560]  }
0xfb: {  	v9 =	vld [tilespmem:s29+$0xFFFFFFC0]  }
0xfc: {  	v12 =	vld [tilespmem:s29+$0xFFFFFF00]  }
0xfd: {  	v13 =	vld [tilespmem:s29+$0xD0]  }
.Ltmp2:
0xfe: {  	v22 =	vld [tilespmem:s29+$0xC0];
	(pc) =	sbr.rel @p2 .LBB2_7-.Ltmp2, $4  }
0xff: {  	v18 =	vbroadcast v3, $0x0;
	v20 =	vld [tilespmem:s29+$0x90];
	v5 =	vbroadcast v3, $0xF  }
0x100: {  	v19 =	vbroadcast v3, $0x2;
	v17 =	vbroadcast v3, $0xE;
	v21 =	vld [tilespmem:s29+$0xFFFFFF50]  }
0x101: {  	v24 =	vmul.f32 v18, v12;
	v12 =	vbroadcast v3, $0xD;
	v16 =	vld [tilespmem:s29+$0xB0]  }
0x102: {  	v14 =	vbroadcast v3, $0xC;
	v23 =	vmul.f32 v10, v19;
	v10 =	vld [tilespmem:s29+$0x60]  }
0x103: {  	[tilespmem:s26+$0xFFFFFF00] =	vst v24;
	v15 =	vmul.f32 v15, v5  }
0x104: {  	v22 =	vmul.f32 v22, v17;
	[tilespmem:s26+$0xFFFFFF40] =	vst v23  }
0x105: {  	v11 =	vmul.f32 v11, v18;
	[tilespmem:s26+$0xE0] =	vst v15  }
0x106: {  	v35 =	vmul.f32 v13, v17;
	[tilespmem:s26+$0xC0] =	vst v22  }
0x107: {  	v33 =	vmul.f32 v20, v14;
	[tilespmem:s26+$0xFFFFFF10] =	vst v11  }
0x108: {  	v41 =	vbroadcast v3, $0x6;
	v8 =	vmul.f32 v8, v14;
	[tilespmem:s26+$0xD0] =	vst v35  }
0x109: {  	v19 =	vmul.f32 v21, v19;
	[tilespmem:s26+$0x90] =	vst v33  }
0x10a: {  	v45 =	vbroadcast v3, $0x5;
	v7 =	vmul.f32 v7, v41;
	[tilespmem:s26+$0x80] =	vst v8  }
0x10b: {  	v47 =	vbroadcast v3, $0x7;
	v9 =	vmul.f32 v9, v41;
	[tilespmem:s26+$0xFFFFFF50] =	vst v19  }
0x10c: {  	v54 =	vbroadcast v3, $0x3;
	v6 =	vmul.f32 v6, v45;
	[tilespmem:s26+$0xFFFFFFD0] =	vst v7  }
0x10d: {  	v31 =	vld [tilespmem:s26+$0xA0];
	v59 =	vbroadcast v3, $0x4;
	v4 =	vmul.f32 v4, v47;
	[tilespmem:s26+$0xFFFFFFC0] =	vst v9  }
0x10e: {  	v32 =	vld [tilespmem:s26+$0x70];
	v1 =	vmul.f32 v1, v54;
	[tilespmem:s26+$0xFFFFFFA0] =	vst v6  }
0x10f: {  	v34 =	vld [tilespmem:s26+$0xFFFFFFB0];
	v37 =	vbroadcast v3, $0xB;
	v2 =	vmul.f32 v2, v59;
	[tilespmem:s26+$0xFFFFFFF0] =	vst v4  }
0x110: {  	v36 =	vld [tilespmem:s26+$0xFFFFFF20];
	v43 =	vmul.f32 v16, v12;
	[tilespmem:s26+$0xFFFFFF60] =	vst v1  }
0x111: {  	v40 =	vld [tilespmem:s26+$0x40];
	v10 =	vmul.f32 v10, v37;
	[tilespmem:s26+$0xFFFFFF90] =	vst v2  }
0x112: {  	v38 =	vld [tilespmem:s26+$0xFFFFFFE0];
	v39 =	vmul.f32 v31, v12;
	[tilespmem:s26+$0xB0] =	vst v43  }
0x113: {  	v52 =	vbroadcast v3, $0x1;
	v55 =	vld [tilespmem:s26+$0xF0];
	v18 =	vmul.f32 v32, v37;
	[tilespmem:s26+$0x60] =	vst v10  }
0x114: {  	v49 =	vld [tilespmem:s26+$0xFFFFFF70];
	v56 =	vbroadcast v3, $0xA;
	v53 =	vmul.f32 v34, v45;
	[tilespmem:s26+$0xA0] =	vst v39  }
0x115: {  	v46 =	vld [tilespmem:s26+$0x30];
	v13 =	vmul.f32 v36, v52;
	[tilespmem:s26+$0x70] =	vst v18  }
0x116: {  	v50 =	vld [tilespmem:s26+$0xFFFFFF80];
	v58 =	vmul.f32 v40, v56;
	[tilespmem:s26+$0xFFFFFFB0] =	vst v53  }
0x117: {  	v44 =	vld [tilespmem:s26+$0x20];
	v8 =	vmul.f32 v38, v47;
	[tilespmem:s26+$0xFFFFFF20] =	vst v13  }
0x118: {  	v57 =	vld [tilespmem:s26+$0xFFFFFF30];
	v60 =	vbroadcast v3, $0x9;
	v1 =	vmul.f32 v55, v5;
	[tilespmem:s26+$0x40] =	vst v58  }
0x119: {  	v42 =	vld [tilespmem:s26+$0x50];
	v61 =	vmul.f32 v49, v54;
	[tilespmem:s26+$0xFFFFFFE0] =	vst v8  }
0x11a: {  	v48 =	vld [tilespmem:s26+$0x0];
	v2 =	vmul.f32 v46, v60;
	[tilespmem:s26+$0xF0] =	vst v1  }
0x11b: {  	v51 =	vld [tilespmem:s26+$0x10];
	v62 =	vmul.f32 v50, v59;
	[tilespmem:s26+$0xFFFFFF70] =	vst v61  }
0x11c: {  	v1 =	vmul.f32 v44, v60;
	[tilespmem:s26+$0x30] =	vst v2  }
0x11d: {  	v3 =	vbroadcast v3, $0x8;
	v63 =	vmul.f32 v57, v52;
	[tilespmem:s26+$0xFFFFFF80] =	vst v62  }
0x11e: {  	[tilespmem:s26+$0x20] =	vst v1;
	v1 =	vmul.f32 v42, v56  }
0x11f: {  	v2 =	vmul.f32 v48, v3;
	[tilespmem:s26+$0xFFFFFF30] =	vst v63  }
0x120: {  	s25 =	sadd.s32 $0x1, s25;
	[tilespmem:s26+$0x50] =	vst v1;
	v1 =	vmul.f32 v51, v3  }
0x121: {  	p2 =	sne.s32 s25, $0x1E;
	[tilespmem:s26+$0x0] =	vst v2  }
.Ltmp3:
0x122: {  	[tilespmem:s26+$0x10] =	vst v1;
	(pc) =	sbr.rel @p2 .LBB2_4-.Ltmp3, $4  }
0x123: {  	[spmem:s3] =	stream.indirect.scatter.add.f32 [tilespmem:s17], [sflag:$0x2], $0x20, s22, s22, $0xb8;
	[tilespmem:$0x10090] =	vst v63  }
0x124: {  	_ =	swait.ge [sflag:s18], $0x5600  }
0x125: {  	[sflag:s18] =	ssyncset.done $0x0  }
0x126: {  	[sflag:s18] =	ssyncadd.s32 $0xFFFFAA00  }
0x127: {  	s25 =	sshll.u32 @p0 s5, $0x6  }
0x128: {  	[bflag:$0x0] =	sbarrier.arrive $0xFFFF;
	s26 =	sshrl.u32 @p0 s9, $0x3;
	s25 =	sor.u32 @p0 $0x1C02, s25  }
0x129: {  	[hbm:s15], [sflag:s25] =	dma.local @p0 [spmem:s26], $0xA00  }
0x12a: {  	s25 =	sshll.u32 @!p0 s5, $0x6  }
0x12b: {  	s26 =	sshrl.u32 @!p0 s10, $0x3;
	s25 =	sor.u32 @!p0 $0x1C02, s25  }
0x12c: {  	[hbm:s13], [sflag:s25] =	dma.local @!p0 [spmem:s26], $0x50  }
0x12d: {  	s26 =	simm.s32 @!p0 $0x2  }
0x12e: {  	s24 =	sadd.s32 $0x1, s24;
	_ =	swait.ge @!p0 [sflag:s26], $0x50  }
0x12f: {  	p2 =	sne.s32 s24, s16;
	[sflag:s26] =	ssyncset.done @!p0 $0x0  }
.Ltmp4:
0x130: {  	[sflag:s26] =	ssyncadd.s32 @!p0 $0xFFFFFFB0;
	s26 =	sshrl.u32 @!p0 s9, $0x3;
	(pc) =	sbr.rel @p2 .LBB2_1-.Ltmp4, $4  }
0x131: {  	[hbm:s14], [sflag:s25] =	dma.local @!p0 [spmem:s26], $0xA00  }
0x132: {  	_ =	swait.ge [sflag:s18], $0xA00  }
0x133: {  	[sflag:s18] =	ssyncset.done $0x0  }
0x134: {  	[sflag:s18] =	ssyncadd.s32 $0xFFFFF600  }
0x135: {  	_ =	sfence.sel $0x180000  }
0x136: {  	[bflag:$0x0] =	sbarrier.arrive $0xFFFF  }
0x137: {  	p0 =	sne.s32 s5, $0x0;
	_ =	strace $0x9000004A  }
0x138: {  	s0 =	sadd.s32 @!p0 $0x100000, s0;
	[bflag:$0x2] =	sbarrier.arrive $0xFFFF  }
0x139: {  	[sflag:s0] =	ssyncadd.tile.s32 @!p0 $0x1;
	_ =	shalt  }
.Lfunc_end2:
_tile_overlayer_lowered:
.L_overlay_start_2:
0x13a: {  	(tag) =	ssettag $0x2  }
0x13b: {  	s0 =	rddreg [dreg:$0x0];
	s2 =	stileid.u32  }
0x13c: {  	s1 =	rddreg [dreg:$0x1];
	p0 =	sne.s32 s2, $0x0  }
0x13d: {  	s3 =	rddreg [dreg:$0x2];
	[bflag:$0x3] =	sbarrier.arrive $0xFFFF;
	s2 =	simm.s32 @!p0 $0x1C02  }
0x13e: {  	[timem:s3], [sflag:s2] =	dma.local @!p0 [hbm:s0], s1  }
0x13f: {  	s0 =	simm.s32 @!p0 $0x2  }
0x140: {  	_ =	swait.ge @!p0 [sflag:s0], s1  }
0x141: {  	s1 =	ssub.s32 @!p0 $0x0, s1;
	[sflag:s0] =	ssyncset.done @!p0 $0x0  }
0x142: {  	[sflag:s0] =	ssyncadd.s32 @!p0 s1  }
0x143: {  	[bflag:$0x3] =	sbarrier.arrive $0xFFFF  }
0x144: {  	_ =	shalt  }

// kernel: kernel.7.cloned.1.call-start
scs
__scs_entry_jumppad:
0x0: {  	(pc) =	sbr.rel $0x88, $3  }
0x1: {  	(tag) =	ssettag $0x0;
	lr =	simm.s32 $0x1  }
0x2: {  	[smem:$0x3F97] =	sst lr;
	_ =	strace $0xD0000000  }
0x3: {  	_ = 	snop  }
0x4: {  	_ = 	snop  }
0x5: {  	_ = 	snop  }
0x6: {  	_ = 	snop  }
0x7: {  	_ = 	snop  }
__scs_overlays_trampoline_lowered:
0x8: {  	[smem:$0x3FA6] =	sst s0  }
0x9: {  	[smem:$0x3FA7] =	sst s1  }
0xa: {  	[smem:$0x3FA8] =	sst s2  }
0xb: {  	[smem:$0x3FA9] =	sst s3  }
0xc: {  	[smem:$0x3FAA] =	sst s4  }
0xd: {  	[smem:$0x3FAB] =	sst s5  }
0xe: {  	[smem:$0x3FAC] =	sst s6  }
0xf: {  	[smem:$0x3FAD] =	sst s7  }
0x10: {  	[smem:$0x3FAE] =	sst s8  }
0x11: {  	[smem:$0x3FAF] =	sst s9;
	s0 =	simm.s32 @!p0 $0x0  }
0x12: {  	s1 =	sld [smem:$0x3F95];
	s0 =	simm.s32 @p0 $0x1  }
0x13: {  	[smem:$0x3FB0] =	sst s0;
	s0 =	simm.s32 @!p1 $0x0  }
0x14: {  	s2 =	sld [smem:$0x3F94];
	s0 =	simm.s32 @p1 $0x1  }
0x15: {  	[smem:$0x3FB1] =	sst s0;
	s0 =	simm.s32 @!p2 $0x0  }
0x16: {  	s3 =	sld [smem:$0x3FDB];
	s0 =	simm.s32 @p2 $0x1  }
0x17: {  	s4 =	simm.s32 $0x1BF5;
	[smem:$0x3FB3] =	sst s0  }
0x18: {  	s0 =	sld [smem:$0x3F96];
	_ =	swait.ge [sflag:s4], $0x0  }
0x19: {  	s7 =	sld [smem:$0x3F97]  }
0x1a: {  	s8 =	sadd.s32 $0xFFFFE003, lr  }
0x1b: {  	s9 =	sadd.s32 $0xFFFFFEF7, lr;
	s5 =	simm.s32 $0xFFFFFFFF;
	p2 =	slt.u32 s8, $0xFFFFF086  }
0x1c: {  	p1 =	slt.u32 s9, $0xF7A;
	s5 =	simm.s32 @!p2 $0x0  }
0x1d: {  	s5 =	simm.s32 @p1 $0x1;
	p0 =	seq.s32 s7, s2  }
0x1e: {  	s7 =	smul.u32 @!p0 $0xF7A, s2;
	p2 =	seq.s32 @!p0 s5, $0x0  }
0x1f: {  	s9 =	smul.u32 $0xF7A, s1;
	s8 =	simm.s32 @!p0 $0x1BF5;
	p2 =	por !p2, p0  }
0x20: {  	[sflag:s8] =	ssyncset.s32 @!p0 $0xFFFFF086;
	s6 =	sadd.s32 @!p0 s3, s7;
	s7 =	simm.s32 @!p0 $0x108  }
0x21: {  	s3 =	sadd.s32 s3, s9;
	s6 =	sadd.s32 @!p0 $0x88, s6;
	s7 =	simm.s32 @p2 $0x1082  }
0x22: {  	[simem:s7], [sflag:s8] =	dma.local @!p0 [hbm:s6], $0xF7A  }
0x23: {  	s9 =	sor.u32 $0xD0000000, s2;
	s6 =	simm.s32 $0x108;
	_ =	swait.ge @!p0 [sflag:s8], $0x0  }
0x24: {  	s3 =	sadd.s32 $0x88, s3;
	s6 =	simm.s32 @!p1 $0x1082;
	[sflag:s4] =	ssyncset.s32 $0xFFFFF086  }
0x25: {  	[simem:s6], [sflag:s4] =	dma.local [hbm:s3], $0xF7A  }
0x26: {  	[smem:$0x3F97] =	sst s1;
	(tag) =	ssettag s2;
	_ =	strace s9  }
0x27: {  	s1 =	sld [smem:$0x3FA7]  }
0x28: {  	s2 =	sld [smem:$0x3FA8]  }
0x29: {  	s4 =	sld [smem:$0x3FAA]  }
0x2a: {  	p0 =	seq.s32 s5, $0x0;
	s5 =	sld [smem:$0x3FAB]  }
0x2b: {  	s6 =	sld [smem:$0x3FAC]  }
0x2c: {  	s7 =	sld [smem:$0x3FAD]  }
0x2d: {  	s3 =	simm.s32 $0x108;
	s8 =	sld [smem:$0x3FAE]  }
0x2e: {  	s3 =	simm.s32 @!p0 $0x1082;
	s9 =	sld [smem:$0x3FAF]  }
0x2f: {  	lr =	sadd.s32 s0, s3;
	s0 =	sld [smem:$0x3FA6]  }
0x30: {  	s3 =	sld [smem:$0x3FA9]  }
0x31: {  	[smem:$0x3FB2] =	sst s10  }
0x32: {  	s10 =	sld [smem:$0x3FB0];
	_ =	sdelay $0x3  }
0x33: {  	p0 =	seq.s32 s10, $0x1;
	s10 =	sld [smem:$0x3FB2];
	_ =	sdelay $0x3  }
0x34: {  	[smem:$0x3FB2] =	sst s10  }
0x35: {  	s10 =	sld [smem:$0x3FB1];
	_ =	sdelay $0x3  }
0x36: {  	p1 =	seq.s32 s10, $0x1;
	s10 =	sld [smem:$0x3FB2];
	_ =	sdelay $0x3  }
0x37: {  	[smem:$0x3FB2] =	sst s10  }
0x38: {  	s10 =	sld [smem:$0x3FB3]  }
0x39: {  	_ = 	snop;
	(pc) =	sbr.ind lr, $3  }
0x3a: {  	_ = 	snop  }
0x3b: {  	_ = 	snop  }
0x3c: {  	p2 =	seq.s32 s10, $0x1;
	s10 =	sld [smem:$0x3FB2]  }
0x3d: {  	_ =	shalt  }
0x3e: {  	_ =	shalt  }
0x3f: {  	_ =	shalt  }
0x40: {  	_ =	shalt  }
0x41: {  	_ =	shalt  }
0x42: {  	_ =	shalt  }
0x43: {  	_ =	shalt  }
0x44: {  	_ =	shalt  }
0x45: {  	_ =	shalt  }
0x46: {  	_ =	shalt  }
0x47: {  	_ =	shalt  }
0x48: {  	_ =	shalt  }
0x49: {  	_ =	shalt  }
0x4a: {  	_ =	shalt  }
0x4b: {  	_ =	shalt  }
0x4c: {  	_ =	shalt  }
0x4d: {  	_ =	shalt  }
0x4e: {  	_ =	shalt  }
0x4f: {  	_ =	shalt  }
0x50: {  	_ =	shalt  }
0x51: {  	_ =	shalt  }
0x52: {  	_ =	shalt  }
0x53: {  	_ =	shalt  }
0x54: {  	_ =	shalt  }
0x55: {  	_ =	shalt  }
0x56: {  	_ =	shalt  }
0x57: {  	_ =	shalt  }
0x58: {  	_ =	shalt  }
0x59: {  	_ =	shalt  }
0x5a: {  	_ =	shalt  }
0x5b: {  	_ =	shalt  }
0x5c: {  	_ =	shalt  }
0x5d: {  	_ =	shalt  }
0x5e: {  	_ =	shalt  }
0x5f: {  	_ =	shalt  }
0x60: {  	_ =	shalt  }
0x61: {  	_ =	shalt  }
0x62: {  	_ =	shalt  }
0x63: {  	_ =	shalt  }
0x64: {  	_ =	shalt  }
0x65: {  	_ =	shalt  }
0x66: {  	_ =	shalt  }
0x67: {  	_ =	shalt  }
0x68: {  	_ =	shalt  }
0x69: {  	_ =	shalt  }
0x6a: {  	_ =	shalt  }
0x6b: {  	_ =	shalt  }
0x6c: {  	_ =	shalt  }
0x6d: {  	_ =	shalt  }
0x6e: {  	_ =	shalt  }
0x6f: {  	_ =	shalt  }
0x70: {  	_ =	shalt  }
0x71: {  	_ =	shalt  }
0x72: {  	_ =	shalt  }
0x73: {  	_ =	shalt  }
0x74: {  	_ =	shalt  }
0x75: {  	_ =	shalt  }
0x76: {  	_ =	shalt  }
0x77: {  	_ =	shalt  }
0x78: {  	_ =	shalt  }
0x79: {  	_ =	shalt  }
0x7a: {  	_ =	shalt  }
0x7b: {  	_ =	shalt  }
0x7c: {  	_ =	shalt  }
0x7d: {  	_ =	shalt  }
0x7e: {  	_ =	shalt  }
0x7f: {  	_ =	shalt  }
0x80: {  	_ =	shalt  }
0x81: {  	_ =	shalt  }
0x82: {  	_ =	shalt  }
0x83: {  	_ =	shalt  }
0x84: {  	_ =	shalt  }
0x85: {  	_ =	shalt  }
0x86: {  	_ =	shalt  }
0x87: {  	_ =	shalt  }
.Lfunc_end0:
.L_simem_size_0:
called_computation_lowered:
.L_overlay_start_0:
0x88: {  	s2 =	sld [smem:$0x3FD9]  }
0x89: {  	s3 =	sld [smem:$0x3FFE];
	_ =	sdelay $0x1  }
0x8a: {  	s1 =	srdreg.scid  }
0x8b: {  	s0 =	sand.u32 $0x1, s1  }
0x8c: {  	s14 =	sshll.u32 s0, $0xA;
	s2 =	sadd.s32 s3, s2  }
0x8d: {  	s2 =	sadd.s32 s2, s14  }
0x8e: {  	[smem:$0x3FBE] =	sst s2  }
0x8f: {  	_ = 	snop  }
0x90: {  	s2 =	sld [smem:$0x3FD0];
	_ =	sdelay $0x2  }
0x91: {  	s15 =	simm.s32 $0xA;
	s4 =	simm.s32 $0x10  }
0x92: {  	[smem:s4], [sflag:s15] =	dma.local [hbm:s2], $0x1  }
0x93: {  	_ =	swait.eq [sflag:s15], $0x1  }
0x94: {  	[sflag:s15] =	ssyncset.done $0x0  }
0x95: {  	s16 =	sld [smem:$0x10];
	[sflag:s15] =	ssyncadd.s32 $0xFFFFFFFF  }
0x96: {  	s17 =	sld [smem:$0x11];
	(tm) =	ssettm $0x1  }
0x97: {  	s18 =	sld [smem:$0x3FFB];
	_ =	sdelay $0x3  }
0x98: {  	_ =	strace s18  }
0x99: {  	s4 =	sld [smem:$0x3FFC];
	_ =	sdelay $0x3  }
0x9a: {  	_ =	strace s4  }
0x9b: {  	s4 =	sld [smem:$0x3FFD];
	_ =	sdelay $0x3  }
0x9c: {  	_ =	strace s4  }
0x9d: {  	_ =	strace $0x8FFFFFFF  }
0x9e: {  	s19 =	sld [smem:$0x3FDB];
	_ =	sdelay $0x1  }
0x9f: {  	s5 =	simm.s32 $_scs_section_size  }
0xa0: {  	s6 =	simm.s32 $_size__tile_overlayer_lowered;
	s7 =	simm.s32 $_tile_overlayer_lowered  }
0xa1: {  	s22 =	simm.s32 $0x1BFF;
	s21 =	sshll.u32 s7, $0x1;
	s4 =	sadd.s32 s5, s19  }
0xa2: {  	s8 =	simm.s32 $0x0;
	s20 =	sshll.u32 s6, $0x1;
	s6 =	sadd.s32 s21, s4  }
0xa3: {  	[timem:s8], [sflag:s22] =	dma.local [hbm:s6], s20  }
0xa4: {  	_ =	swait.ge [sflag:s22], s20  }
0xa5: {  	s5 =	ssub.s32 $0x0, s20;
	[sflag:s22] =	ssyncset.done $0x0  }
0xa6: {  	[sflag:s22] =	ssyncadd.s32 s5;
	_ =	sdelay $0x1  }
0xa7: {  	s23 =	simm.s32 $0x1B8B  }
0xa8: {  	_ =	swait.ge [sflag:s23], $0x1  }
0xa9: {  	[sflag:s23] =	ssyncset.done $0x0  }
0xaa: {  	s25 =	simm.s32 $0x1B8E;
	s24 =	sld [smem:$0x3FFE];
	[sflag:s23] =	ssyncadd.s32 $0xFFFFFFFF  }
0xab: {  	s26 =	simm.s32 $execute0_lowered;
	[smem:$0x3FD2] =	sst s25  }
0xac: {  	s6 =	sshll.u32 s26, $0x1;
	_ =	strace $0x80000046;
	[dreg:$0x1] =	wrdreg $0xFFFFFFFF  }
0xad: {  	s28 =	simm.s32 $_size_execute0_lowered;
	s4 =	sadd.s32 s4, s6;
	[dreg:$0x0] =	wrdreg $0x0  }
0xae: {  	s6 =	sshll.u32 s28, $0x1;
	[dreg:$0x2] =	wrdreg s4  }
0xaf: {  	[dreg:$0x3] =	wrdreg s6  }
0xb0: {  	[dreg:$0x4] =	wrdreg $0xC0  }
0xb1: {  	_ =	task [dreg:s8], $0x5FFFF  }
0xb2: {  	[dreg:$0x1] =	wrdreg $0xFFFFFFFF  }
0xb3: {  	[dreg:$0x0] =	wrdreg $0x60  }
0xb4: {  	[dreg:$0x2] =	wrdreg s17  }
0xb5: {  	[dreg:$0x3] =	wrdreg s16  }
0xb6: {  	[dreg:$0x4] =	wrdreg s24  }
0xb7: {  	[dreg:$0x5] =	wrdreg $0x15A600  }
0xb8: {  	[dreg:$0x6] =	wrdreg $0x132600  }
0xb9: {  	[dreg:$0x7] =	wrdreg $0x9  }
0xba: {  	_ =	task.clear_ibuf [dreg:s8], $0x8FFFF;
	_ =	strace $0x90000046  }
0xbb: {  	s29 =	simm.s32 $0x9;
	_ =	strace $0x80000048  }
0xbc: {  	_ =	swait.ge [sflag:s29], $0x1  }
0xbd: {  	[sflag:s29] =	ssyncadd.s32 $0xFFFFFFFF  }
0xbe: {  	_ =	strace $0x90000048  }
0xbf: {  	_ =	sfence  }
0xc0: {  	s30 =	sld [smem:$0x0];
	_ =	sdelay $0x2  }
0xc1: {  	s31 =	sshll.u32 s1, $0xD;
	s1 =	sshrl.u32 s1, $0x2  }
0xc2: {  	s3 =	sand.u32 $0x4000, s31;
	s1 =	sadd.s32 s1, s30  }
0xc3: {  	s0 =	sor.u32 s3, s0;
	s1 =	sshll.u32 s1, $0x11  }
0xc4: {  	s0 =	sor.u32 s1, s0  }
0xc5: {  	s0 =	sadd.s32 $0x8F2B, s0  }
0xc6: {  	[sflag:s0] =	ssyncadd.remote.s32 $0x1  }
0xc7: {  	_ =	sfence.sel $0xFFFF  }
0xc8: {  	[dreg:$0x0] =	wrdreg $0xFFFFFFFF;
	(pc) =	sbr.abs _section_cstart, $3  }
0xc9: {  	[dreg:$0x1] =	wrdreg $0xFFFFFFFF  }
0xca: {  	_ =	task.clear_ibuf [dreg:s8], $0x2FFFF;
	_ =	strace $0x9FFFFFFF  }
0xcb: {  	(tm) =	ssettm $0x7FFFFFFF  }
tec
execute0_lowered:
.L_overlay_start_1:
0x0: {  	(tag) =	ssettag $0x1  }
0x1: {  	s1 =	rddreg [dreg:$0x0]  }
0x2: {  	s2 =	rddreg [dreg:$0x1]  }
0x3: {  	s0 =	rddreg [dreg:$0x2]  }
0x4: {  	s3 =	rddreg [dreg:$0x3]  }
0x5: {  	s4 =	rddreg [dreg:$0x4];
	s5 =	srdreg.scid  }
0x6: {  	s6 =	simm.s32 $0x0;
	s17 =	stileid.u32;
	s18 =	simm.s32 $0x4  }
0x7: {  	s19 =	simm.s32 $0x5B60;
	s20 =	simm.s32 $0x2B0;
	s21 =	simm.s32 $0x560  }
0x8: {  	s22 =	simm.s32 $0x3060;
	s23 =	simm.s32 $0x1;
	s24 =	simm.s32 $0x2  }
0x9: {  	s25 =	simm.s32 $0x3;
	s26 =	simm.s32 $0x0;
	s10 =	smul.u32 $0x2800, s17  }
0xa: {  	s5 =	sand.u32 $0x1, s5;
	[smem:$0x7FF] =	sst s6;
	s11 =	smul.u32 $0xA000, s17  }
0xb: {  	v0 =	vimm.s32 $0xFEDCBA98;
	s7 =	sadd.s32 $0x52600, s0;
	s8 =	sadd.s32 $0x57600, s0;
	s9 =	smul.u32 $0x14000, s5  }
0xc: {  	v1 =	vimm.s32 $0x76543210;
	v0 =	vunpack.c.l.s4.s8 v0;
	_ =	strace $0x80000047;
	s14 =	ssub.s32 $0x2, s5;
	p0 =	seq.s32 s5, $0x1  }
0xd: {  	v1 =	vunpack.c.l.s4.s8 v1;
	p1 =	sne.s32 s5, $0x0;
	s30 =	sshrl.u32 s10, $0x3;
	s13 =	sshrl.u32 s11, $0x3  }
.Ltmp0:
0xe: {  	s31 =	sshrl.u32 s14, $0x1;
	s10 =	sadd.s32 s10, s4;
	v0 =	vunpack.c.0.s8.s32 v0;
	(pc) =	sbr.rel .LBB2_1-.Ltmp0, $4  }
0xf: {  	v1 =	vunpack.c.0.s8.s32 v1;
	s12 =	sadd.s32 s9, s0;
	s15 =	sadd.s32 s30, s0;
	s0 =	sadd.s32 s13, s0  }
0x10: {  	s16 =	ssub.s32 s14, s31;
	s9 =	sadd.s32 s11, s3;
	s11 =	smul.u32 $0x50A0, s17;
	v2 =	vand.u32 $0xF, v0  }
0x11: {  	s17 =	simm.s32 $0x8660;
	s12 =	sadd.s32 $0x2600, s12;
	s13 =	sadd.s32 $0x5C600, s15;
	v1 =	vcombine.low v2, v1  }
0x12: {  	s14 =	sadd.s32 $0x3E600, s0;
	s15 =	sadd.s32 $0x2A600, s0;
	s16 =	smax.u32 s16, $0x1;
	v0 =	vimm.f32 $0.0e+00  }
.LBB2_16:
0x13: {  	s29 =	stileid.u32  }
0x14: {  	s0 =	sshll.u32 @p0 s29, $0x6  }
0x15: {  	[bflag:$0x0] =	sbarrier.arrive $0xFFFF;
	s5 =	sshrl.u32 @p0 s9, $0x3;
	s0 =	sor.u32 @p0 $0x1C04, s0  }
0x16: {  	[hbm:s15], [sflag:s0] =	dma.local @p0 [spmem:s5], $0x1400  }
0x17: {  	s0 =	sshll.u32 @!p0 s29, $0x6  }
0x18: {  	s5 =	sshrl.u32 @!p0 s10, $0x3;
	s0 =	sor.u32 @!p0 $0x1C04, s0  }
0x19: {  	[hbm:s13], [sflag:s0] =	dma.local @!p0 [spmem:s5], $0x500  }
0x1a: {  	s5 =	simm.s32 @!p0 $0x4  }
0x1b: {  	s26 =	sadd.s32 $0x1, s26;
	_ =	swait.ge @!p0 [sflag:s5], $0x500  }
0x1c: {  	p2 =	sne.s32 s26, s16;
	[sflag:s5] =	ssyncset.done @!p0 $0x0  }
.Ltmp1:
0x1d: {  	[sflag:s5] =	ssyncadd.s32 @!p0 $0xFFFFFB00;
	s5 =	sshrl.u32 @!p0 s9, $0x3;
	(pc) =	sbr.rel @!p2 .LBB2_17-.Ltmp1, $4  }
0x1e: {  	[hbm:s14], [sflag:s0] =	dma.local @!p0 [spmem:s5], $0x1400  }
0x1f: {  	_ =	swait.ge [sflag:s18], $0x1400  }
0x20: {  	[sflag:s18] =	ssyncset.done $0x0  }
0x21: {  	s28 =	stileid.u32;
	[sflag:s18] =	ssyncadd.s32 $0xFFFFEC00  }
.LBB2_1:
0x22: {  	s5 =	simm.s32 $0x86A0  }
0x23: {  	[tilespmem:s5+$0xFFFFFFC0] =	vst v0  }
0x24: {  	[tilespmem:s5+$0x30] =	vst v0  }
0x25: {  	[tilespmem:s5+$0x20] =	vst v0  }
0x26: {  	[tilespmem:s5+$0x10] =	vst v0  }
0x27: {  	[tilespmem:s5+$0x0] =	vst v0  }
0x28: {  	[tilespmem:s5+$0xFFFFFFF0] =	vst v0  }
0x29: {  	s28 =	simm.s32 $0x0;
	s0 =	simm.s32 $0x5B80;
	[tilespmem:s5+$0xFFFFFFE0] =	vst v0  }
.LBB2_2:
0x2a: {  	s28 =	sadd.s32 $0x2, s28;
	[tilespmem:s5+$0xFFFFFFD0] =	vst v0;
	s5 =	sadd.s32 $0x80, s5  }
0x2b: {  	[tilespmem:s5+$0xFFFFFFC0] =	vst v0;
	p2 =	slt.u32 s28, $0x27E  }
0x2c: {  	[tilespmem:s5+$0x30] =	vst v0  }
.Ltmp2:
0x2d: {  	[tilespmem:s5+$0x20] =	vst v0;
	(pc) =	sbr.rel @p2 .LBB2_2-.Ltmp2, $4  }
0x2e: {  	[tilespmem:s5+$0x10] =	vst v0  }
0x2f: {  	[tilespmem:s5+$0x0] =	vst v0  }
0x30: {  	[tilespmem:s5+$0xFFFFFFF0] =	vst v0  }
0x31: {  	[tilespmem:s5+$0xFFFFFFE0] =	vst v0  }
0x32: {  	[tilespmem:s5+$0xFFFFFFD0] =	vst v0  }
0x33: {  	[tilespmem:s0+$0xFFFFFFE0] =	vst v0  }
0x34: {  	[tilespmem:s0+$0x10] =	vst v0  }
0x35: {  	s5 =	simm.s32 $0x0;
	[tilespmem:s0+$0x0] =	vst v0  }
.LBB2_4:
0x36: {  	s5 =	sadd.s32 $0x4, s5  }
0x37: {  	[tilespmem:s0+$0xFFFFFFF0] =	vst v0;
	s0 =	sadd.s32 $0x40, s0;
	p2 =	slt.u32 s5, $0x2AC  }
.Ltmp3:
0x38: {  	[tilespmem:s0+$0xFFFFFFE0] =	vst v0;
	(pc) =	sbr.rel @p2 .LBB2_4-.Ltmp3, $3  }
0x39: {  	_ =	sdelay $0x1  }
0x3a: {  	[tilespmem:s0+$0x10] =	vst v0  }
0x3b: {  	[tilespmem:s0+$0x0] =	vst v0  }
0x3c: {  	[tilespmem:s0+$0xFFFFFFF0] =	vst v0  }
0x3d: {  	[spmem:s9] =	stream.linear.scatter [tilespmem:s17], [sflag:$0x4], $0xA000, $0x38;
	[tilespmem:$0x1FA60] =	vst v63  }
0x3e: {  	_ =	swait.ge [sflag:s18], $0xA000  }
0x3f: {  	[sflag:s18] =	ssyncset.done $0x0  }
0x40: {  	[sflag:s18] =	ssyncadd.s32 $0xFFFF6000  }
0x41: {  	[spmem:s10] =	stream.linear.scatter [tilespmem:s19], [sflag:$0x4], $0x2800, $0x38;
	[tilespmem:$0x1FA60] =	vst v63  }
.Ltmp4:
0x42: {  	_ =	swait.ge [sflag:s18], $0x2800;
	(pc) =	sbr.rel .LBB2_6-.Ltmp4, $4  }
0x43: {  	[sflag:s18] =	ssyncset.done $0x0  }
0x44: {  	[sflag:s18] =	ssyncadd.s32 $0xFFFFD800  }
0x45: {  	[bflag:$0x0] =	sbarrier.arrive $0xFFFF  }
0x46: {  	s28 =	simm.s32 $0x0  }
.LBB2_15:
0x47: {  	s28 =	sadd.s32 $0x1, s28  }
0x48: {  	p2 =	sne.s32 s28, $0x1E  }
.Ltmp5:
0x49: {  	_ = 	snop;
	(pc) =	sbr.rel @!p2 .LBB2_16-.Ltmp5, $4  }
0x4a: {  	[spmem:s3] =	stream.indirect.scatter.add.f32 [tilespmem:s17], [sflag:$0x4], $0x40, s20, s20, $0xb8;
	[tilespmem:$0x1FA60] =	vst v63  }
0x4b: {  	_ =	swait.ge [sflag:s18], $0xAC00  }
0x4c: {  	[sflag:s18] =	ssyncset.done $0x0  }
0x4d: {  	[sflag:s18] =	ssyncadd.s32 $0xFFFF5400  }
.LBB2_6:
0x4e: {  	s0 =	smul.u32 $0x2B0, s28;
	_ =	sdelay $0x1  }
0x4f: {  	s0 =	sadd.s32 s11, s0  }
0x50: {  	s0 =	sshrl.u32 s0, $0x3  }
0x51: {  	s5 =	sadd.s32 s1, s0  }
0x52: {  	[tilespmem:s6], [sflag:$0x4] =	stream.linear.gather [hbm4b:s5+s6], $0x2B0, $0x38;
	[tilespmem:$0x1FA60] =	vst v63  }
0x53: {  	_ =	swait.ge [sflag:s18], $0x2B0  }
0x54: {  	[sflag:s18] =	ssyncset.done $0x0  }
0x55: {  	s0 =	sadd.s32 s2, s0;
	[sflag:s18] =	ssyncadd.s32 $0xFFFFFD50  }
0x56: {  	[tilespmem:s20], [sflag:$0x4] =	stream.linear.gather [hbm4b:s0+s6], $0x2B0, $0x38;
	[tilespmem:$0x1FA60] =	vst v63  }
0x57: {  	_ =	swait.ge [sflag:s18], $0x2B0  }
0x58: {  	[sflag:s18] =	ssyncset.done $0x0  }
0x59: {  	[sflag:s18] =	ssyncadd.s32 $0xFFFFFD50  }
0x5a: {  	[tilespmem:s17], [sflag:$0x3] =	stream.indirect.gather [hbm4b:s12+s20], $0x40, s6, s20, $0xb8;
	[tilespmem:$0x1FA60] =	vst v63  }
0x5b: {  	_ = 	snop  }
0x5c: {  	[tilespmem:s21], [sflag:$0x1] =	stream.indirect.gather [hbm4b:s7+s20], $0x10, s6, s20, $0xb8;
	[tilespmem:$0x1FA60] =	vst v63  }
0x5d: {  	_ = 	snop  }
0x5e: {  	[tilespmem:s22], [sflag:$0x2] =	stream.indirect.gather [hbm4b:s8+s20], $0x10, s20, s20, $0xb8;
	[tilespmem:$0x1FA60] =	vst v63  }
0x5f: {  	_ =	swait.ge [sflag:s23], $0x2B00  }
0x60: {  	[sflag:s23] =	ssyncset.done $0x0  }
0x61: {  	[sflag:s23] =	ssyncadd.s32 $0xFFFFD500  }
0x62: {  	_ =	swait.ge [sflag:s24], $0x2B00  }
0x63: {  	[sflag:s24] =	ssyncset.done $0x0  }
0x64: {  	s5 =	simm.s32 $0x580;
	[sflag:s24] =	ssyncadd.s32 $0xFFFFD500  }
0x65: {  	s29 =	simm.s32 $0x3080;
	v2 =	vld [tilespmem:s5+$0xFFFFFFE0]  }
0x66: {  	v3 =	vld [tilespmem:s29+$0xFFFFFFE0];
	_ =	sdelay $0x4  }
0x67: {  	v2 =	vmul.f32 v3, v2;
	_ =	sdelay $0x1  }
0x68: {  	v3 =	vperm.xlane v2, v1;
	_ =	sdelay $0x1  }
0x69: {  	s30 =	simm.s32 $0x5B80;
	v2 =	vmax.f32 v2, v3  }
0x6a: {  	[tilespmem:s30+$0xFFFFFFE0] =	vst v2  }
0x6b: {  	v2 =	vld [tilespmem:s5+$0xFFFFFFF0]  }
0x6c: {  	v3 =	vld [tilespmem:s29+$0xFFFFFFF0];
	_ =	sdelay $0x4  }
0x6d: {  	v2 =	vmul.f32 v3, v2;
	_ =	sdelay $0x1  }
0x6e: {  	v3 =	vperm.xlane v2, v1;
	_ =	sdelay $0x1  }
0x6f: {  	v2 =	vmax.f32 v2, v3  }
0x70: {  	[tilespmem:s30+$0xFFFFFFF0] =	vst v2  }
0x71: {  	v2 =	vld [tilespmem:s5+$0x0]  }
0x72: {  	v3 =	vld [tilespmem:s29+$0x0];
	_ =	sdelay $0x4  }
0x73: {  	v2 =	vmul.f32 v3, v2;
	_ =	sdelay $0x1  }
0x74: {  	v3 =	vperm.xlane v2, v1;
	_ =	sdelay $0x1  }
0x75: {  	v2 =	vmax.f32 v2, v3  }
0x76: {  	[tilespmem:s30+$0x0] =	vst v2  }
0x77: {  	v2 =	vld [tilespmem:s5+$0x10]  }
0x78: {  	v3 =	vld [tilespmem:s29+$0x10];
	_ =	sdelay $0x4  }
0x79: {  	v2 =	vmul.f32 v3, v2  }
0x7a: {  	s31 =	simm.s32 $0x0;
	s0 =	simm.s32 $0x5B80;
	s5 =	simm.s32 $0x5C0  }
.LBB2_7:
0x7b: {  	s31 =	sadd.s32 $0x4, s31;
	v3 =	vperm.xlane v2, v1;
	s30 =	sadd.s32 $0x40, s30;
	s29 =	sadd.s32 $0x40, s29  }
0x7c: {  	p2 =	slt.u32 s31, $0x2AC  }
0x7d: {  	v2 =	vmax.f32 v2, v3  }
0x7e: {  	[tilespmem:s0+$0x10] =	vst v2;
	s0 =	smov.u32 s30  }
0x7f: {  	v2 =	vld [tilespmem:s5+$0xFFFFFFE0]  }
0x80: {  	v3 =	vld [tilespmem:s29+$0xFFFFFFE0];
	_ =	sdelay $0x4  }
0x81: {  	v2 =	vmul.f32 v3, v2;
	_ =	sdelay $0x1  }
0x82: {  	v3 =	vperm.xlane v2, v1;
	_ =	sdelay $0x1  }
0x83: {  	v2 =	vmax.f32 v2, v3  }
0x84: {  	[tilespmem:s30+$0xFFFFFFE0] =	vst v2  }
0x85: {  	v2 =	vld [tilespmem:s5+$0xFFFFFFF0]  }
0x86: {  	v3 =	vld [tilespmem:s29+$0xFFFFFFF0];
	_ =	sdelay $0x4  }
0x87: {  	v2 =	vmul.f32 v3, v2;
	_ =	sdelay $0x1  }
0x88: {  	v3 =	vperm.xlane v2, v1;
	_ =	sdelay $0x1  }
0x89: {  	v2 =	vmax.f32 v2, v3  }
0x8a: {  	[tilespmem:s30+$0xFFFFFFF0] =	vst v2  }
0x8b: {  	v2 =	vld [tilespmem:s5+$0x0]  }
0x8c: {  	v3 =	vld [tilespmem:s29+$0x0];
	_ =	sdelay $0x4  }
0x8d: {  	v2 =	vmul.f32 v3, v2;
	_ =	sdelay $0x1  }
0x8e: {  	v3 =	vperm.xlane v2, v1;
	_ =	sdelay $0x1  }
0x8f: {  	v2 =	vmax.f32 v2, v3  }
0x90: {  	[tilespmem:s30+$0x0] =	vst v2  }
0x91: {  	v2 =	vld [tilespmem:s5+$0x10]  }
0x92: {  	v3 =	vld [tilespmem:s29+$0x10];
	_ =	sdelay $0x1  }
.Ltmp6:
0x93: {  	(pc) =	sbr.rel @p2 .LBB2_7-.Ltmp6, $3  }
0x94: {  	_ =	sdelay $0x1  }
0x95: {  	v2 =	vmul.f32 v3, v2  }
0x96: {  	s5 =	sadd.s32 $0x40, s5  }
.Ltmp7:
0x97: {  	(pc) =	sbr.rel @p1 .LBB2_12-.Ltmp7, $3  }
0x98: {  	v3 =	vperm.xlane v2, v1;
	_ =	sdelay $0x1  }
0x99: {  	v2 =	vmax.f32 v2, v3  }
0x9a: {  	[tilespmem:s0+$0x10] =	vst v2  }
0x9b: {  	[spmem:s4] =	stream.indirect.scatter.add.f32 [tilespmem:s19], [sflag:$0x4], $0x10, s20, s20, $0xb8;
	[tilespmem:$0x1FA60] =	vst v63  }
0x9c: {  	_ =	swait.ge [sflag:s18], $0x2B00  }
0x9d: {  	[sflag:s18] =	ssyncset.done $0x0  }
0x9e: {  	[sflag:s18] =	ssyncadd.s32 $0xFFFFD500  }
0x9f: {  	_ =	swait.ge [sflag:s25], $0xAC00  }
0xa0: {  	[sflag:s25] =	ssyncset.done $0x0  }
0xa1: {  	s29 =	simm.s32 $0x5B70;
	[sflag:s25] =	ssyncadd.s32 $0xFFFF5400  }
0xa2: {  	v2 =	vld [tilespmem:s29+$0xFFFFFFF0]  }
0xa3: {  	s30 =	simm.s32 $0x86A0  }
0xa4: {  	v3 =	vld [tilespmem:s30+$0xFFFFFFF0]  }
0xa5: {  	v4 =	vld [tilespmem:s30+$0xFFFFFFC0]  }
0xa6: {  	v5 =	vld [tilespmem:s30+$0xFFFFFFD0]  }
0xa7: {  	v6 =	vld [tilespmem:s30+$0xFFFFFFE0];
	v7 =	vbroadcast v2, $0x3  }
0xa8: {  	v8 =	vbroadcast v2, $0x0  }
0xa9: {  	v9 =	vbroadcast v2, $0x1;
	v3 =	vmul.f32 v3, v7  }
0xaa: {  	v2 =	vbroadcast v2, $0x2;
	v4 =	vmul.f32 v8, v4  }
0xab: {  	v5 =	vmul.f32 v5, v9;
	[tilespmem:s30+$0xFFFFFFF0] =	vst v3  }
0xac: {  	v2 =	vmul.f32 v6, v2;
	[tilespmem:s30+$0xFFFFFFC0] =	vst v4  }
0xad: {  	[tilespmem:s30+$0xFFFFFFD0] =	vst v5  }
0xae: {  	v6 =	vld [tilespmem:s30+$0x0];
	[tilespmem:s30+$0xFFFFFFE0] =	vst v2  }
0xaf: {  	v5 =	vld [tilespmem:s29+$0x0]  }
0xb0: {  	v2 =	vld [tilespmem:s30+$0x30]  }
0xb1: {  	v3 =	vld [tilespmem:s30+$0x10]  }
0xb2: {  	v4 =	vld [tilespmem:s30+$0x20];
	_ =	sdelay $0x1  }
0xb3: {  	s5 =	simm.s32 $0x0;
	s0 =	simm.s32 $0x86A0;
	v8 =	vbroadcast v5, $0x0;
	v7 =	vbroadcast v5, $0x1  }
.LBB2_10:
0xb4: {  	s5 =	sadd.s32 $0x2, s5;
	v9 =	vbroadcast v5, $0x2;
	v5 =	vbroadcast v5, $0x3;
	s29 =	sadd.s32 $0x20, s29;
	s30 =	sadd.s32 $0x80, s30  }
0xb5: {  	p2 =	slt.u32 s5, $0x2AE;
	v6 =	vmul.f32 v8, v6;
	v3 =	vmul.f32 v3, v7  }
0xb6: {  	v4 =	vmul.f32 v4, v9;
	v2 =	vmul.f32 v2, v5  }
0xb7: {  	[tilespmem:s0+$0x0] =	vst v6  }
0xb8: {  	[tilespmem:s0+$0x30] =	vst v2  }
0xb9: {  	[tilespmem:s0+$0x10] =	vst v3  }
0xba: {  	v2 =	vld [tilespmem:s30+$0xFFFFFFE0];
	[tilespmem:s0+$0x20] =	vst v4;
	s0 =	smov.u32 s30  }
0xbb: {  	v3 =	vld [tilespmem:s29+$0xFFFFFFF0]  }
0xbc: {  	v4 =	vld [tilespmem:s30+$0xFFFFFFF0]  }
0xbd: {  	v5 =	vld [tilespmem:s30+$0xFFFFFFC0]  }
0xbe: {  	v6 =	vld [tilespmem:s30+$0xFFFFFFD0];
	_ =	sdelay $0x1  }
0xbf: {  	v7 =	vbroadcast v3, $0x0;
	v8 =	vbroadcast v3, $0x3  }
0xc0: {  	v9 =	vbroadcast v3, $0x1;
	v3 =	vbroadcast v3, $0x2  }
0xc1: {  	v5 =	vmul.f32 v7, v5;
	v4 =	vmul.f32 v4, v8  }
0xc2: {  	v2 =	vmul.f32 v2, v3;
	v6 =	vmul.f32 v6, v9  }
0xc3: {  	[tilespmem:s30+$0xFFFFFFF0] =	vst v4  }
0xc4: {  	[tilespmem:s30+$0xFFFFFFC0] =	vst v5  }
0xc5: {  	[tilespmem:s30+$0xFFFFFFD0] =	vst v6  }
0xc6: {  	[tilespmem:s30+$0xFFFFFFE0] =	vst v2;
	v2 =	vld [tilespmem:s30+$0x30]  }
0xc7: {  	v5 =	vld [tilespmem:s29+$0x0]  }
.Ltmp8:
0xc8: {  	v6 =	vld [tilespmem:s30+$0x0];
	(pc) =	sbr.rel @p2 .LBB2_10-.Ltmp8, $3  }
0xc9: {  	v3 =	vld [tilespmem:s30+$0x10]  }
0xca: {  	v4 =	vld [tilespmem:s30+$0x20];
	_ =	sdelay $0x1  }
0xcb: {  	v8 =	vbroadcast v5, $0x0;
	v7 =	vbroadcast v5, $0x1  }
0xcc: {  	_ = 	snop  }
0xcd: {  	v9 =	vbroadcast v5, $0x3;
	v6 =	vmul.f32 v8, v6  }
.Ltmp9:
0xce: {  	v63 =	vbroadcast v5, $0x2;
	v3 =	vmul.f32 v3, v7;
	(pc) =	sbr.rel .LBB2_15-.Ltmp9, $4  }
0xcf: {  	v2 =	vmul.f32 v2, v9;
	[tilespmem:s0+$0x0] =	vst v6  }
0xd0: {  	v4 =	vmul.f32 v4, v63;
	[tilespmem:s0+$0x10] =	vst v3  }
0xd1: {  	[tilespmem:s0+$0x30] =	vst v2  }
0xd2: {  	[tilespmem:s0+$0x20] =	vst v4  }
.LBB2_12:
0xd3: {  	_ =	swait.ge [sflag:s25], $0xAC00  }
0xd4: {  	[sflag:s25] =	ssyncset.done $0x0  }
0xd5: {  	s29 =	simm.s32 $0x5B70;
	[sflag:s25] =	ssyncadd.s32 $0xFFFF5400  }
0xd6: {  	v2 =	vld [tilespmem:s29+$0xFFFFFFF0]  }
0xd7: {  	s30 =	simm.s32 $0x86A0  }
0xd8: {  	v3 =	vld [tilespmem:s30+$0xFFFFFFF0]  }
0xd9: {  	v4 =	vld [tilespmem:s30+$0xFFFFFFC0]  }
0xda: {  	v5 =	vld [tilespmem:s30+$0xFFFFFFD0]  }
0xdb: {  	v6 =	vld [tilespmem:s30+$0xFFFFFFE0];
	v7 =	vbroadcast v2, $0x7  }
0xdc: {  	v8 =	vbroadcast v2, $0x4  }
0xdd: {  	v9 =	vbroadcast v2, $0x5;
	v3 =	vmul.f32 v3, v7  }
0xde: {  	v2 =	vbroadcast v2, $0x6;
	v4 =	vmul.f32 v8, v4  }
0xdf: {  	v5 =	vmul.f32 v5, v9;
	[tilespmem:s30+$0xFFFFFFF0] =	vst v3  }
0xe0: {  	v2 =	vmul.f32 v6, v2;
	[tilespmem:s30+$0xFFFFFFC0] =	vst v4  }
0xe1: {  	[tilespmem:s30+$0xFFFFFFD0] =	vst v5  }
0xe2: {  	v6 =	vld [tilespmem:s30+$0x0];
	[tilespmem:s30+$0xFFFFFFE0] =	vst v2  }
0xe3: {  	v5 =	vld [tilespmem:s29+$0x0]  }
0xe4: {  	v2 =	vld [tilespmem:s30+$0x30]  }
0xe5: {  	v3 =	vld [tilespmem:s30+$0x10]  }
0xe6: {  	v4 =	vld [tilespmem:s30+$0x20];
	_ =	sdelay $0x1  }
0xe7: {  	s5 =	simm.s32 $0x0;
	s0 =	simm.s32 $0x86A0;
	v8 =	vbroadcast v5, $0x4;
	v7 =	vbroadcast v5, $0x5  }
.LBB2_13:
0xe8: {  	s5 =	sadd.s32 $0x2, s5;
	v9 =	vbroadcast v5, $0x6;
	v5 =	vbroadcast v5, $0x7;
	s29 =	sadd.s32 $0x20, s29;
	s30 =	sadd.s32 $0x80, s30  }
0xe9: {  	p2 =	slt.u32 s5, $0x2AE;
	v6 =	vmul.f32 v8, v6;
	v3 =	vmul.f32 v3, v7  }
0xea: {  	v4 =	vmul.f32 v4, v9;
	v2 =	vmul.f32 v2, v5  }
0xeb: {  	[tilespmem:s0+$0x0] =	vst v6  }
0xec: {  	[tilespmem:s0+$0x30] =	vst v2  }
0xed: {  	[tilespmem:s0+$0x10] =	vst v3  }
0xee: {  	v2 =	vld [tilespmem:s30+$0xFFFFFFE0];
	[tilespmem:s0+$0x20] =	vst v4;
	s0 =	smov.u32 s30  }
0xef: {  	v3 =	vld [tilespmem:s29+$0xFFFFFFF0]  }
0xf0: {  	v4 =	vld [tilespmem:s30+$0xFFFFFFF0]  }
0xf1: {  	v5 =	vld [tilespmem:s30+$0xFFFFFFC0]  }
0xf2: {  	v6 =	vld [tilespmem:s30+$0xFFFFFFD0];
	_ =	sdelay $0x1  }
0xf3: {  	v7 =	vbroadcast v3, $0x4;
	v8 =	vbroadcast v3, $0x7  }
0xf4: {  	v9 =	vbroadcast v3, $0x5;
	v3 =	vbroadcast v3, $0x6  }
0xf5: {  	v5 =	vmul.f32 v7, v5;
	v4 =	vmul.f32 v4, v8  }
0xf6: {  	v2 =	vmul.f32 v2, v3;
	v6 =	vmul.f32 v6, v9  }
0xf7: {  	[tilespmem:s30+$0xFFFFFFF0] =	vst v4  }
0xf8: {  	[tilespmem:s30+$0xFFFFFFC0] =	vst v5  }
0xf9: {  	[tilespmem:s30+$0xFFFFFFD0] =	vst v6  }
0xfa: {  	[tilespmem:s30+$0xFFFFFFE0] =	vst v2;
	v2 =	vld [tilespmem:s30+$0x30]  }
0xfb: {  	v5 =	vld [tilespmem:s29+$0x0]  }
.Ltmp10:
0xfc: {  	v6 =	vld [tilespmem:s30+$0x0];
	(pc) =	sbr.rel @p2 .LBB2_13-.Ltmp10, $3  }
0xfd: {  	v3 =	vld [tilespmem:s30+$0x10]  }
0xfe: {  	v4 =	vld [tilespmem:s30+$0x20];
	_ =	sdelay $0x1  }
0xff: {  	v8 =	vbroadcast v5, $0x4;
	v7 =	vbroadcast v5, $0x5  }
0x100: {  	_ = 	snop  }
0x101: {  	v9 =	vbroadcast v5, $0x7;
	v6 =	vmul.f32 v8, v6  }
.Ltmp11:
0x102: {  	v63 =	vbroadcast v5, $0x6;
	v3 =	vmul.f32 v3, v7;
	(pc) =	sbr.rel .LBB2_15-.Ltmp11, $4  }
0x103: {  	v2 =	vmul.f32 v2, v9;
	[tilespmem:s0+$0x0] =	vst v6  }
0x104: {  	v4 =	vmul.f32 v4, v63;
	[tilespmem:s0+$0x10] =	vst v3  }
0x105: {  	[tilespmem:s0+$0x30] =	vst v2  }
0x106: {  	[tilespmem:s0+$0x20] =	vst v4  }
.LBB2_17:
0x107: {  	_ =	sfence.sel $0x180000  }
0x108: {  	[bflag:$0x0] =	sbarrier.arrive $0xFFFF  }
0x109: {  	_ =	strace $0x90000047  }
0x10a: {  	[bflag:$0x2] =	sbarrier.arrive $0xFFFF  }
0x10b: {  	p0 =	sne.s32 s28, $0x0;
	s0 =	rddreg [dreg:$0x5]  }
0x10c: {  	s0 =	sadd.s32 @!p0 $0x100000, s0  }
0x10d: {  	[sflag:s0] =	ssyncadd.tile.s32 @!p0 $0x1;
	_ =	shalt  }
.Lfunc_end2:
_tile_overlayer_lowered:
.L_overlay_start_2:
0x10e: {  	(tag) =	ssettag $0x2  }
0x10f: {  	s0 =	rddreg [dreg:$0x0];
	s2 =	stileid.u32  }
0x110: {  	s1 =	rddreg [dreg:$0x1];
	p0 =	sne.s32 s2, $0x0  }
0x111: {  	s3 =	rddreg [dreg:$0x2];
	[bflag:$0x3] =	sbarrier.arrive $0xFFFF;
	s2 =	simm.s32 @!p0 $0x1C04  }
0x112: {  	[timem:s3], [sflag:s2] =	dma.local @!p0 [hbm:s0], s1  }
0x113: {  	s0 =	simm.s32 @!p0 $0x4  }
0x114: {  	_ =	swait.ge @!p0 [sflag:s0], s1  }
0x115: {  	s1 =	ssub.s32 @!p0 $0x0, s1;
	[sflag:s0] =	ssyncset.done @!p0 $0x0  }
0x116: {  	[sflag:s0] =	ssyncadd.s32 @!p0 s1  }
0x117: {  	[bflag:$0x3] =	sbarrier.arrive $0xFFFF  }
0x118: {  	_ =	shalt  }

</sc_bundles>
